<compile_context>
chip_gen: v7x
topology: tpu7x:2x2x1
jax: 0.10.2.dev20260603
libtpu: 0.0.44.dev20260713+nightly
codegen_flags: <defaults>
</compile_context>

<pallas_src>
import functools

import jax
import jax.numpy as jnp
from jax import lax
from jax.experimental import pallas as pl
from jax.experimental.pallas import tpu as pltpu
from jax.experimental.pallas import tpu_sc as plsc

NC = 2
NS = 16
NW = NC * NS
NBUF = 4
NSP = 3
SPLIT = 3


def _gather_body(b_per_w, ch, seq, d_model, table_hbm, idx_hbm, out_hbm,
                 idx_v, spmem, *bufs_and_sems):
    bufs = bufs_and_sems[:NBUF]
    gsems = bufs_and_sems[NBUF:2 * NBUF]
    xsems = bufs_and_sems[2 * NBUF:3 * NBUF]
    dsems = bufs_and_sems[3 * NBUF:4 * NBUF]
    osems = bufs_and_sems[4 * NBUF:4 * NBUF + NSP]
    sid = lax.axis_index("s")
    wid = sid * NC + lax.axis_index("c")
    base = wid * b_per_w
    w_per_row = seq // b_per_w
    pltpu.sync_copy(
        idx_hbm.at[wid // w_per_row,
                   pl.ds((wid % w_per_row) * b_per_w, b_per_w)], idx_v)
    n_chunks = b_per_w // ch

    def staged(t):
        return t % SPLIT == 0

    def js(t):
        return t // SPLIT

    def gather(t, b):
        return pltpu.make_async_copy(
            table_hbm.at[idx_v.at[pl.ds(t * ch, ch)]], bufs[b], gsems[b])

    def stage(t, b):
        return pltpu.make_async_copy(bufs[b], spmem.at[sid, js(t) % NSP],
                                     xsems[b])

    def out(t):
        return pltpu.make_async_copy(
            spmem.at[sid, js(t) % NSP],
            out_hbm.at[pl.ds(base + t * ch, ch)], osems[js(t) % NSP])

    def dscat(t, b):
        return pltpu.make_async_copy(
            bufs[b], out_hbm.at[pl.ds(base + t * ch, ch)], dsems[b])

    gather(0, 0).start()
    gather(1, 1).start()
    gather(2, 2).start()
    for t in range(n_chunks):
        b = t % NBUF
        if staged(t) and js(t) - NSP >= 0:
            out(SPLIT * (js(t) - NSP)).wait()
        gather(t, b).wait()
        if staged(t):
            stage(t, b).start()
        else:
            dscat(t, b).start()
        if t >= 1:
            pb = (t - 1) % NBUF
            if staged(t - 1):
                stage(t - 1, pb).wait()
                out(t - 1).start()
            else:
                dscat(t - 1, pb).wait()
        if t + 3 < n_chunks:
            gather(t + 3, (t + 3) % NBUF).start()
    last = n_chunks - 1
    lb = last % NBUF
    if staged(last):
        stage(last, lb).wait()
        out(last).start()
    else:
        dscat(last, lb).wait()
    n_staged = (n_chunks + SPLIT - 1) // SPLIT
    for j in range(max(0, n_staged - NSP), n_staged):
        out(SPLIT * j).wait()


@functools.cache
def _make_gather(v, d_model, batch, seq):
    b_total = batch * seq
    assert b_total % (8 * NW) == 0
    b_per_w = b_total // NW
    assert seq % b_per_w == 0
    ch = 8
    assert b_per_w % (2 * ch) == 0 and ch <= 128
    mesh = plsc.VectorSubcoreMesh(core_axis_name="c", subcore_axis_name="s")
    return pl.kernel(
        functools.partial(_gather_body, b_per_w, ch, seq, d_model),
        out_type=jax.ShapeDtypeStruct((b_total, d_model), jnp.float32),
        mesh=mesh,
        scratch_types=(
            [pltpu.VMEM((b_per_w,), jnp.int32),
             pltpu.VMEM_SHARED((NS, NSP, ch, d_model), jnp.float32)]
            + [pltpu.VMEM((ch, d_model), jnp.float32)] * NBUF
            + [pltpu.SemaphoreType.DMA] * (3 * NBUF + NSP)
        ),
    )


def kernel(x, table):
    batch, seq = x.shape
    v, d_model = table.shape
    out = _make_gather(v, d_model, batch, seq)(table, x.astype(jnp.int32))
    return out.reshape(batch, seq, d_model)

# --- scband reference (transcript-rebuilt; emitter-appended) ---
"""Pipeline reference for scband-tt-falcon-embeddings-17772574671281 (READ-ONLY COPY).

The authoritative reference and input builder live on the scoring server;
editing this copy changes nothing except your own understanding.
"""

import jax, jax.numpy as jnp
import numpy as np

NUM_DEVICES = 2
VOCAB = 65024
D_MODEL = 2048
BATCH = 4
SEQ = 2048


def setup_inputs(seed: int = 0) -> dict:
    key = jax.random.key(seed)
    k_idx, k_tab = jax.random.split(key)
    x = jax.random.randint(k_idx, (BATCH, SEQ), 0, VOCAB, dtype=jnp.int64 if jax.config.read('jax_enable_x64') else jnp.int32)
    table = jax.random.normal(k_tab, (VOCAB, D_MODEL), dtype=jnp.float32) * 0.02
    return {"x": x, "table": table}


def reference(x, table):
    # Faithful to TtFalconEmbeddings: the word-embedding weight is chunked along
    # the embedding (last) dim across NUM_DEVICES; each device performs an
    # embedding gather with the replicated indices; outputs are concatenated
    # along the feature dim (implicit in the multi-device list representation).
    chunks = jnp.split(table, NUM_DEVICES, axis=-1)
    outs = [jnp.take(chunk, x, axis=0) for chunk in chunks]
    return jnp.concatenate(outs, axis=-1)

if __name__ == "__main__":
    import jax
    _d = setup_inputs()
    print(jax.jit(kernel)(*tuple(_d.values())))

</pallas_src>

<mosaic_0001>
#map = affine_map<(d0, d1) -> (0, 0)>
module attributes {stable_mosaic.version = 14 : i64} {
  func.func @_gather_body(%arg0: i32, %arg1: i32, %arg2: memref<65024x2048xf32, #tpu.memory_space<hbm>>, %arg3: memref<4x2048xi32, #tpu.memory_space<hbm>>, %arg4: memref<8192x2048xf32, #tpu.memory_space<hbm>>, %arg5: memref<256xi32, #tpu.memory_space<vmem>>, %arg6: memref<16x3x8x2048xf32, #tpu.memory_space<vmem_shared>>, %arg7: memref<8x2048xf32, #tpu.memory_space<vmem>>, %arg8: memref<8x2048xf32, #tpu.memory_space<vmem>>, %arg9: memref<8x2048xf32, #tpu.memory_space<vmem>>, %arg10: memref<8x2048xf32, #tpu.memory_space<vmem>>, %arg11: memref<!tpu.dma_semaphore, #tpu.memory_space<semaphore_mem>>, %arg12: memref<!tpu.dma_semaphore, #tpu.memory_space<semaphore_mem>>, %arg13: memref<!tpu.dma_semaphore, #tpu.memory_space<semaphore_mem>>, %arg14: memref<!tpu.dma_semaphore, #tpu.memory_space<semaphore_mem>>, %arg15: memref<!tpu.dma_semaphore, #tpu.memory_space<semaphore_mem>>, %arg16: memref<!tpu.dma_semaphore, #tpu.memory_space<semaphore_mem>>, %arg17: memref<!tpu.dma_semaphore, #tpu.memory_space<semaphore_mem>>, %arg18: memref<!tpu.dma_semaphore, #tpu.memory_space<semaphore_mem>>, %arg19: memref<!tpu.dma_semaphore, #tpu.memory_space<semaphore_mem>>, %arg20: memref<!tpu.dma_semaphore, #tpu.memory_space<semaphore_mem>>, %arg21: memref<!tpu.dma_semaphore, #tpu.memory_space<semaphore_mem>>, %arg22: memref<!tpu.dma_semaphore, #tpu.memory_space<semaphore_mem>>, %arg23: memref<!tpu.dma_semaphore, #tpu.memory_space<semaphore_mem>>, %arg24: memref<!tpu.dma_semaphore, #tpu.memory_space<semaphore_mem>>, %arg25: memref<!tpu.dma_semaphore, #tpu.memory_space<semaphore_mem>>) attributes {dimension_semantics = [#tpu.dimension_semantics<core_parallel>, #tpu.dimension_semantics<subcore_parallel>], iteration_bounds = array<i64: 2, 16>, scalar_prefetch = 0 : i64, scratch_operands = 21 : i64, tpu.core_type = #tpu.core_type<sc_vector_subcore>, window_params = [{transform_indices = #map}, {transform_indices = #map}, {transform_indices = #map}]} {
    %mul3A = arith.constant 2 : i32
    %mul3A_0 = arith.muli %arg1, %mul3A : i32
    %add3A = arith.addi %mul3A_0, %arg0 : i32
    %mul3A_1 = arith.constant 256 : i32
    %mul3A_2 = arith.muli %add3A, %mul3A_1 : i32
    %jit3A = arith.constant 8 : i32
    %div3A = arith.divsi %add3A, %jit3A : i32
    %sign3A = arith.constant 0 : i32
    %sign3A_3 = arith.cmpi sgt, %add3A, %sign3A : i32
    %sign3A_4 = arith.extui %sign3A_3 : i1 to i32
    %sign3A_5 = arith.constant 0 : i32
    %sign3A_6 = arith.cmpi slt, %add3A, %sign3A_5 : i32
    %sign3A_7 = arith.extui %sign3A_6 : i1 to i32
    %sign3A_8 = arith.subi %sign3A_4, %sign3A_7 : i32
    %sign3A_9 = arith.constant 0 : i32
    %sign3A_10 = arith.cmpi sgt, %jit3A, %sign3A_9 : i32
    %sign3A_11 = arith.extui %sign3A_10 : i1 to i32
    %sign3A_12 = arith.constant 0 : i32
    %sign3A_13 = arith.cmpi slt, %jit3A, %sign3A_12 : i32
    %sign3A_14 = arith.extui %sign3A_13 : i1 to i32
    %sign3A_15 = arith.subi %sign3A_11, %sign3A_14 : i32
    %ne3A = arith.cmpi ne, %sign3A_8, %sign3A_15 : i32
    %rem3A = arith.remsi %add3A, %jit3A : i32
    %ne3A_16 = arith.constant 0 : i32
    %ne3A_17 = arith.cmpi ne, %rem3A, %ne3A_16 : i32
    %and3A = arith.andi %ne3A, %ne3A_17 : i1
    %sub3A = arith.constant 1 : i32
    %sub3A_18 = arith.subi %div3A, %sub3A : i32
    %select_n3A = arith.select %and3A, %sub3A_18, %div3A : i32
    %jit3A_19 = arith.constant 8 : i32
    %eq3A = arith.constant 0 : i32
    %eq3A_20 = arith.cmpi eq, %jit3A_19, %eq3A : i32
    %jit3A_21 = arith.constant 1 : i32
    %select_n3A_22 = arith.select %eq3A_20, %jit3A_21, %jit3A_19 : i32
    %rem3A_23 = arith.remsi %add3A, %select_n3A_22 : i32
    %ne3A_24 = arith.constant 0 : i32
    %ne3A_25 = arith.cmpi ne, %rem3A_23, %ne3A_24 : i32
    %lt3A = arith.constant 0 : i32
    %lt3A_26 = arith.cmpi slt, %rem3A_23, %lt3A : i32
    %lt3A_27 = arith.constant 0 : i32
    %lt3A_28 = arith.cmpi slt, %select_n3A_22, %lt3A_27 : i32
    %ne3A_29 = arith.xori %lt3A_26, %lt3A_28 : i1
    %and3A_30 = arith.andi %ne3A_29, %ne3A_25 : i1
    %add3A_31 = arith.addi %rem3A_23, %select_n3A_22 : i32
    %select_n3A_32 = arith.select %and3A_30, %add3A_31, %rem3A_23 : i32
    %mul3A_33 = arith.constant 256 : i32
    %mul3A_34 = arith.muli %select_n3A_32, %mul3A_33 : i32
    "tpu.region"() ({
      %run_scoped3A = tpu.sem_alloc : memref<!tpu.dma_semaphore, #tpu.memory_space<semaphore_mem>>
      %dma_start3A_1001 = tpu.memref_slice %arg3[%select_n3A, %mul3A_34] : memref<4x2048xi32, #tpu.memory_space<hbm>> -> memref<1x256xi32, #tpu.memory_space<hbm>>
      %dma_start3A_1002 = tpu.memref_squeeze %dma_start3A_1001 : memref<1x256xi32, #tpu.memory_space<hbm>> -> memref<256xi32, #tpu.memory_space<hbm>>
      %dma_start3A_1003 = tpu.memref_slice %arg3[%select_n3A, %mul3A_34] : memref<4x2048xi32, #tpu.memory_space<hbm>> -> memref<1x256xi32, #tpu.memory_space<hbm>>
      %dma_start3A_1004 = tpu.memref_squeeze %dma_start3A_1003 : memref<1x256xi32, #tpu.memory_space<hbm>> -> memref<256xi32, #tpu.memory_space<hbm>>
      tpu.enqueue_dma source(%dma_start3A_1004 : memref<256xi32, #tpu.memory_space<hbm>>) target(%arg5 : memref<256xi32, #tpu.memory_space<vmem>>) target_semaphore(%run_scoped3A : memref<!tpu.dma_semaphore, #tpu.memory_space<semaphore_mem>>)
      %dma_wait3A_1005 = tpu.memref_slice %arg3[%select_n3A, %mul3A_34] : memref<4x2048xi32, #tpu.memory_space<hbm>> -> memref<1x256xi32, #tpu.memory_space<hbm>>
      %dma_wait3A_1006 = tpu.memref_squeeze %dma_wait3A_1005 : memref<1x256xi32, #tpu.memory_space<hbm>> -> memref<256xi32, #tpu.memory_space<hbm>>
      %dma_wait3A_1007 = tpu.memref_slice %arg3[%select_n3A, %mul3A_34] : memref<4x2048xi32, #tpu.memory_space<hbm>> -> memref<1x256xi32, #tpu.memory_space<hbm>>
      %dma_wait3A_1008 = tpu.memref_squeeze %dma_wait3A_1007 : memref<1x256xi32, #tpu.memory_space<hbm>> -> memref<256xi32, #tpu.memory_space<hbm>>
      tpu.wait_dma2 semaphore(%run_scoped3A : memref<!tpu.dma_semaphore, #tpu.memory_space<semaphore_mem>>) src(%dma_wait3A_1008 : memref<256xi32, #tpu.memory_space<hbm>>) dst(%arg5 : memref<256xi32, #tpu.memory_space<vmem>>)
      tpu.yield
    }) : () -> ()
    %dma_start3A = arith.constant 0 : i32
    %dma_start3A_35 = tpu.memref_slice %arg5[%dma_start3A] : memref<256xi32, #tpu.memory_space<vmem>> -> memref<8xi32, #tpu.memory_space<vmem>>
    %dma_start3A_36 = arith.constant 0 : i32
    %dma_start3A_37 = arith.constant 0 : i32
    %dma_start3A_38 = tpu.memref_slice %arg2[%dma_start3A_36, %dma_start3A_37] : memref<65024x2048xf32, #tpu.memory_space<hbm>> -> memref<65024x2048xf32, #tpu.memory_space<hbm>>
    tpu.enqueue_indirect_dma source(%dma_start3A_38 : memref<65024x2048xf32, #tpu.memory_space<hbm>>) target(%arg7 : memref<8x2048xf32, #tpu.memory_space<vmem>>) offsets(%dma_start3A_35 : memref<8xi32, #tpu.memory_space<vmem>>) semaphore(%arg11 : memref<!tpu.dma_semaphore, #tpu.memory_space<semaphore_mem>>)
    %dma_start3A_39 = arith.constant 8 : i32
    %dma_start3A_40 = tpu.memref_slice %arg5[%dma_start3A_39] : memref<256xi32, #tpu.memory_space<vmem>> -> memref<8xi32, #tpu.memory_space<vmem>>
    %dma_start3A_41 = arith.constant 0 : i32
    %dma_start3A_42 = arith.constant 0 : i32
    %dma_start3A_43 = tpu.memref_slice %arg2[%dma_start3A_41, %dma_start3A_42] : memref<65024x2048xf32, #tpu.memory_space<hbm>> -> memref<65024x2048xf32, #tpu.memory_space<hbm>>
    tpu.enqueue_indirect_dma source(%dma_start3A_43 : memref<65024x2048xf32, #tpu.memory_space<hbm>>) target(%arg8 : memref<8x2048xf32, #tpu.memory_space<vmem>>) offsets(%dma_start3A_40 : memref<8xi32, #tpu.memory_space<vmem>>) semaphore(%arg12 : memref<!tpu.dma_semaphore, #tpu.memory_space<semaphore_mem>>)
    %dma_start3A_44 = arith.constant 16 : i32
    %dma_start3A_45 = tpu.memref_slice %arg5[%dma_start3A_44] : memref<256xi32, #tpu.memory_space<vmem>> -> memref<8xi32, #tpu.memory_space<vmem>>
    %dma_start3A_46 = arith.constant 0 : i32
    %dma_start3A_47 = arith.constant 0 : i32
    %dma_start3A_48 = tpu.memref_slice %arg2[%dma_start3A_46, %dma_start3A_47] : memref<65024x2048xf32, #tpu.memory_space<hbm>> -> memref<65024x2048xf32, #tpu.memory_space<hbm>>
    tpu.enqueue_indirect_dma source(%dma_start3A_48 : memref<65024x2048xf32, #tpu.memory_space<hbm>>) target(%arg9 : memref<8x2048xf32, #tpu.memory_space<vmem>>) offsets(%dma_start3A_45 : memref<8xi32, #tpu.memory_space<vmem>>) semaphore(%arg13 : memref<!tpu.dma_semaphore, #tpu.memory_space<semaphore_mem>>)
    %dma_wait3A = arith.constant 0 : i32
    %dma_wait3A_49 = tpu.memref_slice %arg5[%dma_wait3A] : memref<256xi32, #tpu.memory_space<vmem>> -> memref<8xi32, #tpu.memory_space<vmem>>
    %dma_wait3A_50 = arith.constant 0 : i32
    %dma_wait3A_51 = arith.constant 0 : i32
    %dma_wait3A_52 = tpu.memref_slice %arg2[%dma_wait3A_50, %dma_wait3A_51] : memref<65024x2048xf32, #tpu.memory_space<hbm>> -> memref<65024x2048xf32, #tpu.memory_space<hbm>>
    tpu.wait_indirect_dma semaphore(%arg11 : memref<!tpu.dma_semaphore, #tpu.memory_space<semaphore_mem>>) src(%dma_wait3A_52 : memref<65024x2048xf32, #tpu.memory_space<hbm>>) dst(%arg7 : memref<8x2048xf32, #tpu.memory_space<vmem>>)
    %dma_start3A_53 = arith.constant 0 : i32
    %dma_start3A_54 = arith.constant 0 : i32
    %dma_start3A_55 = arith.constant 0 : i32
    %dma_start3A_56 = tpu.memref_slice %arg6[%arg1, %dma_start3A_53, %dma_start3A_54, %dma_start3A_55] : memref<16x3x8x2048xf32, #tpu.memory_space<vmem_shared>> -> memref<1x1x8x2048xf32, #tpu.memory_space<vmem_shared>>
    %dma_start3A_57 = tpu.memref_squeeze %dma_start3A_56 : memref<1x1x8x2048xf32, #tpu.memory_space<vmem_shared>> -> memref<8x2048xf32, #tpu.memory_space<vmem_shared>>
    %dma_start3A_58 = arith.constant 0 : i32
    %dma_start3A_59 = arith.constant 0 : i32
    %dma_start3A_60 = tpu.memref_slice %arg6[%arg1, %dma_start3A_53, %dma_start3A_58, %dma_start3A_59] : memref<16x3x8x2048xf32, #tpu.memory_space<vmem_shared>> -> memref<1x1x8x2048xf32, #tpu.memory_space<vmem_shared>>
    %dma_start3A_61 = tpu.memref_squeeze %dma_start3A_60 : memref<1x1x8x2048xf32, #tpu.memory_space<vmem_shared>> -> memref<8x2048xf32, #tpu.memory_space<vmem_shared>>
    tpu.enqueue_dma source(%arg7 : memref<8x2048xf32, #tpu.memory_space<vmem>>) target(%dma_start3A_61 : memref<8x2048xf32, #tpu.memory_space<vmem_shared>>) target_semaphore(%arg15 : memref<!tpu.dma_semaphore, #tpu.memory_space<semaphore_mem>>)
    %dma_start3A_62 = arith.constant 24 : i32
    %dma_start3A_63 = tpu.memref_slice %arg5[%dma_start3A_62] : memref<256xi32, #tpu.memory_space<vmem>> -> memref<8xi32, #tpu.memory_space<vmem>>
    %dma_start3A_64 = arith.constant 0 : i32
    %dma_start3A_65 = arith.constant 0 : i32
    %dma_start3A_66 = tpu.memref_slice %arg2[%dma_start3A_64, %dma_start3A_65] : memref<65024x2048xf32, #tpu.memory_space<hbm>> -> memref<65024x2048xf32, #tpu.memory_space<hbm>>
    tpu.enqueue_indirect_dma source(%dma_start3A_66 : memref<65024x2048xf32, #tpu.memory_space<hbm>>) target(%arg10 : memref<8x2048xf32, #tpu.memory_space<vmem>>) offsets(%dma_start3A_63 : memref<8xi32, #tpu.memory_space<vmem>>) semaphore(%arg14 : memref<!tpu.dma_semaphore, #tpu.memory_space<semaphore_mem>>)
    %dma_wait3A_67 = arith.constant 8 : i32
    %dma_wait3A_68 = tpu.memref_slice %arg5[%dma_wait3A_67] : memref<256xi32, #tpu.memory_space<vmem>> -> memref<8xi32, #tpu.memory_space<vmem>>
    %dma_wait3A_69 = arith.constant 0 : i32
    %dma_wait3A_70 = arith.constant 0 : i32
    %dma_wait3A_71 = tpu.memref_slice %arg2[%dma_wait3A_69, %dma_wait3A_70] : memref<65024x2048xf32, #tpu.memory_space<hbm>> -> memref<65024x2048xf32, #tpu.memory_space<hbm>>
    tpu.wait_indirect_dma semaphore(%arg12 : memref<!tpu.dma_semaphore, #tpu.memory_space<semaphore_mem>>) src(%dma_wait3A_71 : memref<65024x2048xf32, #tpu.memory_space<hbm>>) dst(%arg8 : memref<8x2048xf32, #tpu.memory_space<vmem>>)
    %add3A_72 = arith.constant 8 : i32
    %add3A_73 = arith.addi %mul3A_2, %add3A_72 : i32
    %dma_start3A_74 = arith.constant 0 : i32
    %dma_start3A_75 = tpu.memref_slice %arg4[%add3A_73, %dma_start3A_74] : memref<8192x2048xf32, #tpu.memory_space<hbm>> -> memref<8x2048xf32, #tpu.memory_space<hbm>>
    %dma_start3A_76 = arith.constant 0 : i32
    %dma_start3A_77 = tpu.memref_slice %arg4[%add3A_73, %dma_start3A_76] : memref<8192x2048xf32, #tpu.memory_space<hbm>> -> memref<8x2048xf32, #tpu.memory_space<hbm>>
    tpu.enqueue_dma source(%arg8 : memref<8x2048xf32, #tpu.memory_space<vmem>>) target(%dma_start3A_77 : memref<8x2048xf32, #tpu.memory_space<hbm>>) target_semaphore(%arg20 : memref<!tpu.dma_semaphore, #tpu.memory_space<semaphore_mem>>)
    %dma_wait3A_78 = arith.constant 0 : i32
    %dma_wait3A_79 = arith.constant 0 : i32
    %dma_wait3A_80 = arith.constant 0 : i32
    %dma_wait3A_81 = tpu.memref_slice %arg6[%arg1, %dma_wait3A_78, %dma_wait3A_79, %dma_wait3A_80] : memref<16x3x8x2048xf32, #tpu.memory_space<vmem_shared>> -> memref<1x1x8x2048xf32, #tpu.memory_space<vmem_shared>>
    %dma_wait3A_82 = tpu.memref_squeeze %dma_wait3A_81 : memref<1x1x8x2048xf32, #tpu.memory_space<vmem_shared>> -> memref<8x2048xf32, #tpu.memory_space<vmem_shared>>
    %dma_wait3A_83 = arith.constant 0 : i32
    %dma_wait3A_84 = arith.constant 0 : i32
    %dma_wait3A_85 = tpu.memref_slice %arg6[%arg1, %dma_wait3A_78, %dma_wait3A_83, %dma_wait3A_84] : memref<16x3x8x2048xf32, #tpu.memory_space<vmem_shared>> -> memref<1x1x8x2048xf32, #tpu.memory_space<vmem_shared>>
    %dma_wait3A_86 = tpu.memref_squeeze %dma_wait3A_85 : memref<1x1x8x2048xf32, #tpu.memory_space<vmem_shared>> -> memref<8x2048xf32, #tpu.memory_space<vmem_shared>>
    tpu.wait_dma2 semaphore(%arg15 : memref<!tpu.dma_semaphore, #tpu.memory_space<semaphore_mem>>) src(%arg7 : memref<8x2048xf32, #tpu.memory_space<vmem>>) dst(%dma_wait3A_86 : memref<8x2048xf32, #tpu.memory_space<vmem_shared>>)
    %add3A_87 = arith.constant 0 : i32
    %add3A_88 = arith.addi %mul3A_2, %add3A_87 : i32
    %dma_start3A_89 = arith.constant 0 : i32
    %dma_start3A_90 = arith.constant 0 : i32
    %dma_start3A_91 = tpu.memref_slice %arg4[%add3A_88, %dma_start3A_90] : memref<8192x2048xf32, #tpu.memory_space<hbm>> -> memref<8x2048xf32, #tpu.memory_space<hbm>>
    %dma_start3A_92 = arith.constant 0 : i32
    %dma_start3A_93 = arith.constant 0 : i32
    %dma_start3A_94 = tpu.memref_slice %arg6[%arg1, %dma_start3A_89, %dma_start3A_92, %dma_start3A_93] : memref<16x3x8x2048xf32, #tpu.memory_space<vmem_shared>> -> memref<1x1x8x2048xf32, #tpu.memory_space<vmem_shared>>
    %dma_start3A_95 = tpu.memref_squeeze %dma_start3A_94 : memref<1x1x8x2048xf32, #tpu.memory_space<vmem_shared>> -> memref<8x2048xf32, #tpu.memory_space<vmem_shared>>
    tpu.enqueue_dma source(%dma_start3A_95 : memref<8x2048xf32, #tpu.memory_space<vmem_shared>>) target(%dma_start3A_91 : memref<8x2048xf32, #tpu.memory_space<hbm>>) target_semaphore(%arg23 : memref<!tpu.dma_semaphore, #tpu.memory_space<semaphore_mem>>)
    %dma_start3A_96 = arith.constant 32 : i32
    %dma_start3A_97 = tpu.memref_slice %arg5[%dma_start3A_96] : memref<256xi32, #tpu.memory_space<vmem>> -> memref<8xi32, #tpu.memory_space<vmem>>
    %dma_start3A_98 = arith.constant 0 : i32
    %dma_start3A_99 = arith.constant 0 : i32
    %dma_start3A_100 = tpu.memref_slice %arg2[%dma_start3A_98, %dma_start3A_99] : memref<65024x2048xf32, #tpu.memory_space<hbm>> -> memref<65024x2048xf32, #tpu.memory_space<hbm>>
    tpu.enqueue_indirect_dma source(%dma_start3A_100 : memref<65024x2048xf32, #tpu.memory_space<hbm>>) target(%arg7 : memref<8x2048xf32, #tpu.memory_space<vmem>>) offsets(%dma_start3A_97 : memref<8xi32, #tpu.memory_space<vmem>>) semaphore(%arg11 : memref<!tpu.dma_semaphore, #tpu.memory_space<semaphore_mem>>)
    %dma_wait3A_101 = arith.constant 16 : i32
    %dma_wait3A_102 = tpu.memref_slice %arg5[%dma_wait3A_101] : memref<256xi32, #tpu.memory_space<vmem>> -> memref<8xi32, #tpu.memory_space<vmem>>
    %dma_wait3A_103 = arith.constant 0 : i32
    %dma_wait3A_104 = arith.constant 0 : i32
    %dma_wait3A_105 = tpu.memref_slice %arg2[%dma_wait3A_103, %dma_wait3A_104] : memref<65024x2048xf32, #tpu.memory_space<hbm>> -> memref<65024x2048xf32, #tpu.memory_space<hbm>>
    tpu.wait_indirect_dma semaphore(%arg13 : memref<!tpu.dma_semaphore, #tpu.memory_space<semaphore_mem>>) src(%dma_wait3A_105 : memref<65024x2048xf32, #tpu.memory_space<hbm>>) dst(%arg9 : memref<8x2048xf32, #tpu.memory_space<vmem>>)
    %add3A_106 = arith.constant 16 : i32
    %add3A_107 = arith.addi %mul3A_2, %add3A_106 : i32
    %dma_start3A_108 = arith.constant 0 : i32
    %dma_start3A_109 = tpu.memref_slice %arg4[%add3A_107, %dma_start3A_108] : memref<8192x2048xf32, #tpu.memory_space<hbm>> -> memref<8x2048xf32, #tpu.memory_space<hbm>>
    %dma_start3A_110 = arith.constant 0 : i32
    %dma_start3A_111 = tpu.memref_slice %arg4[%add3A_107, %dma_start3A_110] : memref<8192x2048xf32, #tpu.memory_space<hbm>> -> memref<8x2048xf32, #tpu.memory_space<hbm>>
    tpu.enqueue_dma source(%arg9 : memref<8x2048xf32, #tpu.memory_space<vmem>>) target(%dma_start3A_111 : memref<8x2048xf32, #tpu.memory_space<hbm>>) target_semaphore(%arg21 : memref<!tpu.dma_semaphore, #tpu.memory_space<semaphore_mem>>)
    %add3A_112 = arith.constant 8 : i32
    %add3A_113 = arith.addi %mul3A_2, %add3A_112 : i32
    %dma_wait3A_114 = arith.constant 0 : i32
    %dma_wait3A_115 = tpu.memref_slice %arg4[%add3A_113, %dma_wait3A_114] : memref<8192x2048xf32, #tpu.memory_space<hbm>> -> memref<8x2048xf32, #tpu.memory_space<hbm>>
    %dma_wait3A_116 = arith.constant 0 : i32
    %dma_wait3A_117 = tpu.memref_slice %arg4[%add3A_113, %dma_wait3A_116] : memref<8192x2048xf32, #tpu.memory_space<hbm>> -> memref<8x2048xf32, #tpu.memory_space<hbm>>
    tpu.wait_dma2 semaphore(%arg20 : memref<!tpu.dma_semaphore, #tpu.memory_space<semaphore_mem>>) src(%arg8 : memref<8x2048xf32, #tpu.memory_space<vmem>>) dst(%dma_wait3A_117 : memref<8x2048xf32, #tpu.memory_space<hbm>>)
    %dma_start3A_118 = arith.constant 40 : i32
    %dma_start3A_119 = tpu.memref_slice %arg5[%dma_start3A_118] : memref<256xi32, #tpu.memory_space<vmem>> -> memref<8xi32, #tpu.memory_space<vmem>>
    %dma_start3A_120 = arith.constant 0 : i32
    %dma_start3A_121 = arith.constant 0 : i32
    %dma_start3A_122 = tpu.memref_slice %arg2[%dma_start3A_120, %dma_start3A_121] : memref<65024x2048xf32, #tpu.memory_space<hbm>> -> memref<65024x2048xf32, #tpu.memory_space<hbm>>
    tpu.enqueue_indirect_dma source(%dma_start3A_122 : memref<65024x2048xf32, #tpu.memory_space<hbm>>) target(%arg8 : memref<8x2048xf32, #tpu.memory_space<vmem>>) offsets(%dma_start3A_119 : memref<8xi32, #tpu.memory_space<vmem>>) semaphore(%arg12 : memref<!tpu.dma_semaphore, #tpu.memory_space<semaphore_mem>>)
    %dma_wait3A_123 = arith.constant 24 : i32
    %dma_wait3A_124 = tpu.memref_slice %arg5[%dma_wait3A_123] : memref<256xi32, #tpu.memory_space<vmem>> -> memref<8xi32, #tpu.memory_space<vmem>>
    %dma_wait3A_125 = arith.constant 0 : i32
    %dma_wait3A_126 = arith.constant 0 : i32
    %dma_wait3A_127 = tpu.memref_slice %arg2[%dma_wait3A_125, %dma_wait3A_126] : memref<65024x2048xf32, #tpu.memory_space<hbm>> -> memref<65024x2048xf32, #tpu.memory_space<hbm>>
    tpu.wait_indirect_dma semaphore(%arg14 : memref<!tpu.dma_semaphore, #tpu.memory_space<semaphore_mem>>) src(%dma_wait3A_127 : memref<65024x2048xf32, #tpu.memory_space<hbm>>) dst(%arg10 : memref<8x2048xf32, #tpu.memory_space<vmem>>)
    %dma_start3A_128 = arith.constant 1 : i32
    %dma_start3A_129 = arith.constant 0 : i32
    %dma_start3A_130 = arith.constant 0 : i32
    %dma_start3A_131 = tpu.memref_slice %arg6[%arg1, %dma_start3A_128, %dma_start3A_129, %dma_start3A_130] : memref<16x3x8x2048xf32, #tpu.memory_space<vmem_shared>> -> memref<1x1x8x2048xf32, #tpu.memory_space<vmem_shared>>
    %dma_start3A_132 = tpu.memref_squeeze %dma_start3A_131 : memref<1x1x8x2048xf32, #tpu.memory_space<vmem_shared>> -> memref<8x2048xf32, #tpu.memory_space<vmem_shared>>
    %dma_start3A_133 = arith.constant 0 : i32
    %dma_start3A_134 = arith.constant 0 : i32
    %dma_start3A_135 = tpu.memref_slice %arg6[%arg1, %dma_start3A_128, %dma_start3A_133, %dma_start3A_134] : memref<16x3x8x2048xf32, #tpu.memory_space<vmem_shared>> -> memref<1x1x8x2048xf32, #tpu.memory_space<vmem_shared>>
    %dma_start3A_136 = tpu.memref_squeeze %dma_start3A_135 : memref<1x1x8x2048xf32, #tpu.memory_space<vmem_shared>> -> memref<8x2048xf32, #tpu.memory_space<vmem_shared>>
    tpu.enqueue_dma source(%arg10 : memref<8x2048xf32, #tpu.memory_space<vmem>>) target(%dma_start3A_136 : memref<8x2048xf32, #tpu.memory_space<vmem_shared>>) target_semaphore(%arg18 : memref<!tpu.dma_semaphore, #tpu.memory_space<semaphore_mem>>)
    %add3A_137 = arith.constant 16 : i32
    %add3A_138 = arith.addi %mul3A_2, %add3A_137 : i32
    %dma_wait3A_139 = arith.constant 0 : i32
    %dma_wait3A_140 = tpu.memref_slice %arg4[%add3A_138, %dma_wait3A_139] : memref<8192x2048xf32, #tpu.memory_space<hbm>> -> memref<8x2048xf32, #tpu.memory_space<hbm>>
    %dma_wait3A_141 = arith.constant 0 : i32
    %dma_wait3A_142 = tpu.memref_slice %arg4[%add3A_138, %dma_wait3A_141] : memref<8192x2048xf32, #tpu.memory_space<hbm>> -> memref<8x2048xf32, #tpu.memory_space<hbm>>
    tpu.wait_dma2 semaphore(%arg21 : memref<!tpu.dma_semaphore, #tpu.memory_space<semaphore_mem>>) src(%arg9 : memref<8x2048xf32, #tpu.memory_space<vmem>>) dst(%dma_wait3A_142 : memref<8x2048xf32, #tpu.memory_space<hbm>>)
    %dma_start3A_143 = arith.constant 48 : i32
    %dma_start3A_144 = tpu.memref_slice %arg5[%dma_start3A_143] : memref<256xi32, #tpu.memory_space<vmem>> -> memref<8xi32, #tpu.memory_space<vmem>>
    %dma_start3A_145 = arith.constant 0 : i32
    %dma_start3A_146 = arith.constant 0 : i32
    %dma_start3A_147 = tpu.memref_slice %arg2[%dma_start3A_145, %dma_start3A_146] : memref<65024x2048xf32, #tpu.memory_space<hbm>> -> memref<65024x2048xf32, #tpu.memory_space<hbm>>
    tpu.enqueue_indirect_dma source(%dma_start3A_147 : memref<65024x2048xf32, #tpu.memory_space<hbm>>) target(%arg9 : memref<8x2048xf32, #tpu.memory_space<vmem>>) offsets(%dma_start3A_144 : memref<8xi32, #tpu.memory_space<vmem>>) semaphore(%arg13 : memref<!tpu.dma_semaphore, #tpu.memory_space<semaphore_mem>>)
    %dma_wait3A_148 = arith.constant 32 : i32
    %dma_wait3A_149 = tpu.memref_slice %arg5[%dma_wait3A_148] : memref<256xi32, #tpu.memory_space<vmem>> -> memref<8xi32, #tpu.memory_space<vmem>>
    %dma_wait3A_150 = arith.constant 0 : i32
    %dma_wait3A_151 = arith.constant 0 : i32
    %dma_wait3A_152 = tpu.memref_slice %arg2[%dma_wait3A_150, %dma_wait3A_151] : memref<65024x2048xf32, #tpu.memory_space<hbm>> -> memref<65024x2048xf32, #tpu.memory_space<hbm>>
    tpu.wait_indirect_dma semaphore(%arg11 : memref<!tpu.dma_semaphore, #tpu.memory_space<semaphore_mem>>) src(%dma_wait3A_152 : memref<65024x2048xf32, #tpu.memory_space<hbm>>) dst(%arg7 : memref<8x2048xf32, #tpu.memory_space<vmem>>)
    %add3A_153 = arith.constant 32 : i32
    %add3A_154 = arith.addi %mul3A_2, %add3A_153 : i32
    %dma_start3A_155 = arith.constant 0 : i32
    %dma_start3A_156 = tpu.memref_slice %arg4[%add3A_154, %dma_start3A_155] : memref<8192x2048xf32, #tpu.memory_space<hbm>> -> memref<8x2048xf32, #tpu.memory_space<hbm>>
    %dma_start3A_157 = arith.constant 0 : i32
    %dma_start3A_158 = tpu.memref_slice %arg4[%add3A_154, %dma_start3A_157] : memref<8192x2048xf32, #tpu.memory_space<hbm>> -> memref<8x2048xf32, #tpu.memory_space<hbm>>
    tpu.enqueue_dma source(%arg7 : memref<8x2048xf32, #tpu.memory_space<vmem>>) target(%dma_start3A_158 : memref<8x2048xf32, #tpu.memory_space<hbm>>) target_semaphore(%arg19 : memref<!tpu.dma_semaphore, #tpu.memory_space<semaphore_mem>>)
    %dma_wait3A_159 = arith.constant 1 : i32
    %dma_wait3A_160 = arith.constant 0 : i32
    %dma_wait3A_161 = arith.constant 0 : i32
    %dma_wait3A_162 = tpu.memref_slice %arg6[%arg1, %dma_wait3A_159, %dma_wait3A_160, %dma_wait3A_161] : memref<16x3x8x2048xf32, #tpu.memory_space<vmem_shared>> -> memref<1x1x8x2048xf32, #tpu.memory_space<vmem_shared>>
    %dma_wait3A_163 = tpu.memref_squeeze %dma_wait3A_162 : memref<1x1x8x2048xf32, #tpu.memory_space<vmem_shared>> -> memref<8x2048xf32, #tpu.memory_space<vmem_shared>>
    %dma_wait3A_164 = arith.constant 0 : i32
    %dma_wait3A_165 = arith.constant 0 : i32
    %dma_wait3A_166 = tpu.memref_slice %arg6[%arg1, %dma_wait3A_159, %dma_wait3A_164, %dma_wait3A_165] : memref<16x3x8x2048xf32, #tpu.memory_space<vmem_shared>> -> memref<1x1x8x2048xf32, #tpu.memory_space<vmem_shared>>
    %dma_wait3A_167 = tpu.memref_squeeze %dma_wait3A_166 : memref<1x1x8x2048xf32, #tpu.memory_space<vmem_shared>> -> memref<8x2048xf32, #tpu.memory_space<vmem_shared>>
    tpu.wait_dma2 semaphore(%arg18 : memref<!tpu.dma_semaphore, #tpu.memory_space<semaphore_mem>>) src(%arg10 : memref<8x2048xf32, #tpu.memory_space<vmem>>) dst(%dma_wait3A_167 : memref<8x2048xf32, #tpu.memory_space<vmem_shared>>)
    %add3A_168 = arith.constant 24 : i32
    %add3A_169 = arith.addi %mul3A_2, %add3A_168 : i32
    %dma_start3A_170 = arith.constant 1 : i32
    %dma_start3A_171 = arith.constant 0 : i32
    %dma_start3A_172 = tpu.memref_slice %arg4[%add3A_169, %dma_start3A_171] : memref<8192x2048xf32, #tpu.memory_space<hbm>> -> memref<8x2048xf32, #tpu.memory_space<hbm>>
    %dma_start3A_173 = arith.constant 0 : i32
    %dma_start3A_174 = arith.constant 0 : i32
    %dma_start3A_175 = tpu.memref_slice %arg6[%arg1, %dma_start3A_170, %dma_start3A_173, %dma_start3A_174] : memref<16x3x8x2048xf32, #tpu.memory_space<vmem_shared>> -> memref<1x1x8x2048xf32, #tpu.memory_space<vmem_shared>>
    %dma_start3A_176 = tpu.memref_squeeze %dma_start3A_175 : memref<1x1x8x2048xf32, #tpu.memory_space<vmem_shared>> -> memref<8x2048xf32, #tpu.memory_space<vmem_shared>>
    tpu.enqueue_dma source(%dma_start3A_176 : memref<8x2048xf32, #tpu.memory_space<vmem_shared>>) target(%dma_start3A_172 : memref<8x2048xf32, #tpu.memory_space<hbm>>) target_semaphore(%arg24 : memref<!tpu.dma_semaphore, #tpu.memory_space<semaphore_mem>>)
    %dma_start3A_177 = arith.constant 56 : i32
    %dma_start3A_178 = tpu.memref_slice %arg5[%dma_start3A_177] : memref<256xi32, #tpu.memory_space<vmem>> -> memref<8xi32, #tpu.memory_space<vmem>>
    %dma_start3A_179 = arith.constant 0 : i32
    %dma_start3A_180 = arith.constant 0 : i32
    %dma_start3A_181 = tpu.memref_slice %arg2[%dma_start3A_179, %dma_start3A_180] : memref<65024x2048xf32, #tpu.memory_space<hbm>> -> memref<65024x2048xf32, #tpu.memory_space<hbm>>
    tpu.enqueue_indirect_dma source(%dma_start3A_181 : memref<65024x2048xf32, #tpu.memory_space<hbm>>) target(%arg10 : memref<8x2048xf32, #tpu.memory_space<vmem>>) offsets(%dma_start3A_178 : memref<8xi32, #tpu.memory_space<vmem>>) semaphore(%arg14 : memref<!tpu.dma_semaphore, #tpu.memory_space<semaphore_mem>>)
    %dma_wait3A_182 = arith.constant 40 : i32
    %dma_wait3A_183 = tpu.memref_slice %arg5[%dma_wait3A_182] : memref<256xi32, #tpu.memory_space<vmem>> -> memref<8xi32, #tpu.memory_space<vmem>>
    %dma_wait3A_184 = arith.constant 0 : i32
    %dma_wait3A_185 = arith.constant 0 : i32
    %dma_wait3A_186 = tpu.memref_slice %arg2[%dma_wait3A_184, %dma_wait3A_185] : memref<65024x2048xf32, #tpu.memory_space<hbm>> -> memref<65024x2048xf32, #tpu.memory_space<hbm>>
    tpu.wait_indirect_dma semaphore(%arg12 : memref<!tpu.dma_semaphore, #tpu.memory_space<semaphore_mem>>) src(%dma_wait3A_186 : memref<65024x2048xf32, #tpu.memory_space<hbm>>) dst(%arg8 : memref<8x2048xf32, #tpu.memory_space<vmem>>)
    %add3A_187 = arith.constant 40 : i32
    %add3A_188 = arith.addi %mul3A_2, %add3A_187 : i32
    %dma_start3A_189 = arith.constant 0 : i32
    %dma_start3A_190 = tpu.memref_slice %arg4[%add3A_188, %dma_start3A_189] : memref<8192x2048xf32, #tpu.memory_space<hbm>> -> memref<8x2048xf32, #tpu.memory_space<hbm>>
    %dma_start3A_191 = arith.constant 0 : i32
    %dma_start3A_192 = tpu.memref_slice %arg4[%add3A_188, %dma_start3A_191] : memref<8192x2048xf32, #tpu.memory_space<hbm>> -> memref<8x2048xf32, #tpu.memory_space<hbm>>
    tpu.enqueue_dma source(%arg8 : memref<8x2048xf32, #tpu.memory_space<vmem>>) target(%dma_start3A_192 : memref<8x2048xf32, #tpu.memory_space<hbm>>) target_semaphore(%arg20 : memref<!tpu.dma_semaphore, #tpu.memory_space<semaphore_mem>>)
    %add3A_193 = arith.constant 32 : i32
    %add3A_194 = arith.addi %mul3A_2, %add3A_193 : i32
    %dma_wait3A_195 = arith.constant 0 : i32
    %dma_wait3A_196 = tpu.memref_slice %arg4[%add3A_194, %dma_wait3A_195] : memref<8192x2048xf32, #tpu.memory_space<hbm>> -> memref<8x2048xf32, #tpu.memory_space<hbm>>
    %dma_wait3A_197 = arith.constant 0 : i32
    %dma_wait3A_198 = tpu.memref_slice %arg4[%add3A_194, %dma_wait3A_197] : memref<8192x2048xf32, #tpu.memory_space<hbm>> -> memref<8x2048xf32, #tpu.memory_space<hbm>>
    tpu.wait_dma2 semaphore(%arg19 : memref<!tpu.dma_semaphore, #tpu.memory_space<semaphore_mem>>) src(%arg7 : memref<8x2048xf32, #tpu.memory_space<vmem>>) dst(%dma_wait3A_198 : memref<8x2048xf32, #tpu.memory_space<hbm>>)
    %dma_start3A_199 = arith.constant 64 : i32
    %dma_start3A_200 = tpu.memref_slice %arg5[%dma_start3A_199] : memref<256xi32, #tpu.memory_space<vmem>> -> memref<8xi32, #tpu.memory_space<vmem>>
    %dma_start3A_201 = arith.constant 0 : i32
    %dma_start3A_202 = arith.constant 0 : i32
    %dma_start3A_203 = tpu.memref_slice %arg2[%dma_start3A_201, %dma_start3A_202] : memref<65024x2048xf32, #tpu.memory_space<hbm>> -> memref<65024x2048xf32, #tpu.memory_space<hbm>>
    tpu.enqueue_indirect_dma source(%dma_start3A_203 : memref<65024x2048xf32, #tpu.memory_space<hbm>>) target(%arg7 : memref<8x2048xf32, #tpu.memory_space<vmem>>) offsets(%dma_start3A_200 : memref<8xi32, #tpu.memory_space<vmem>>) semaphore(%arg11 : memref<!tpu.dma_semaphore, #tpu.memory_space<semaphore_mem>>)
    %dma_wait3A_204 = arith.constant 48 : i32
    %dma_wait3A_205 = tpu.memref_slice %arg5[%dma_wait3A_204] : memref<256xi32, #tpu.memory_space<vmem>> -> memref<8xi32, #tpu.memory_space<vmem>>
    %dma_wait3A_206 = arith.constant 0 : i32
    %dma_wait3A_207 = arith.constant 0 : i32
    %dma_wait3A_208 = tpu.memref_slice %arg2[%dma_wait3A_206, %dma_wait3A_207] : memref<65024x2048xf32, #tpu.memory_space<hbm>> -> memref<65024x2048xf32, #tpu.memory_space<hbm>>
    tpu.wait_indirect_dma semaphore(%arg13 : memref<!tpu.dma_semaphore, #tpu.memory_space<semaphore_mem>>) src(%dma_wait3A_208 : memref<65024x2048xf32, #tpu.memory_space<hbm>>) dst(%arg9 : memref<8x2048xf32, #tpu.memory_space<vmem>>)
    %dma_start3A_209 = arith.constant 2 : i32
    %dma_start3A_210 = arith.constant 0 : i32
    %dma_start3A_211 = arith.constant 0 : i32
    %dma_start3A_212 = tpu.memref_slice %arg6[%arg1, %dma_start3A_209, %dma_start3A_210, %dma_start3A_211] : memref<16x3x8x2048xf32, #tpu.memory_space<vmem_shared>> -> memref<1x1x8x2048xf32, #tpu.memory_space<vmem_shared>>
    %dma_start3A_213 = tpu.memref_squeeze %dma_start3A_212 : memref<1x1x8x2048xf32, #tpu.memory_space<vmem_shared>> -> memref<8x2048xf32, #tpu.memory_space<vmem_shared>>
    %dma_start3A_214 = arith.constant 0 : i32
    %dma_start3A_215 = arith.constant 0 : i32
    %dma_start3A_216 = tpu.memref_slice %arg6[%arg1, %dma_start3A_209, %dma_start3A_214, %dma_start3A_215] : memref<16x3x8x2048xf32, #tpu.memory_space<vmem_shared>> -> memref<1x1x8x2048xf32, #tpu.memory_space<vmem_shared>>
    %dma_start3A_217 = tpu.memref_squeeze %dma_start3A_216 : memref<1x1x8x2048xf32, #tpu.memory_space<vmem_shared>> -> memref<8x2048xf32, #tpu.memory_space<vmem_shared>>
    tpu.enqueue_dma source(%arg9 : memref<8x2048xf32, #tpu.memory_space<vmem>>) target(%dma_start3A_217 : memref<8x2048xf32, #tpu.memory_space<vmem_shared>>) target_semaphore(%arg17 : memref<!tpu.dma_semaphore, #tpu.memory_space<semaphore_mem>>)
    %add3A_218 = arith.constant 40 : i32
    %add3A_219 = arith.addi %mul3A_2, %add3A_218 : i32
    %dma_wait3A_220 = arith.constant 0 : i32
    %dma_wait3A_221 = tpu.memref_slice %arg4[%add3A_219, %dma_wait3A_220] : memref<8192x2048xf32, #tpu.memory_space<hbm>> -> memref<8x2048xf32, #tpu.memory_space<hbm>>
    %dma_wait3A_222 = arith.constant 0 : i32
    %dma_wait3A_223 = tpu.memref_slice %arg4[%add3A_219, %dma_wait3A_222] : memref<8192x2048xf32, #tpu.memory_space<hbm>> -> memref<8x2048xf32, #tpu.memory_space<hbm>>
    tpu.wait_dma2 semaphore(%arg20 : memref<!tpu.dma_semaphore, #tpu.memory_space<semaphore_mem>>) src(%arg8 : memref<8x2048xf32, #tpu.memory_space<vmem>>) dst(%dma_wait3A_223 : memref<8x2048xf32, #tpu.memory_space<hbm>>)
    %dma_start3A_224 = arith.constant 72 : i32
    %dma_start3A_225 = tpu.memref_slice %arg5[%dma_start3A_224] : memref<256xi32, #tpu.memory_space<vmem>> -> memref<8xi32, #tpu.memory_space<vmem>>
    %dma_start3A_226 = arith.constant 0 : i32
    %dma_start3A_227 = arith.constant 0 : i32
    %dma_start3A_228 = tpu.memref_slice %arg2[%dma_start3A_226, %dma_start3A_227] : memref<65024x2048xf32, #tpu.memory_space<hbm>> -> memref<65024x2048xf32, #tpu.memory_space<hbm>>
    tpu.enqueue_indirect_dma source(%dma_start3A_228 : memref<65024x2048xf32, #tpu.memory_space<hbm>>) target(%arg8 : memref<8x2048xf32, #tpu.memory_space<vmem>>) offsets(%dma_start3A_225 : memref<8xi32, #tpu.memory_space<vmem>>) semaphore(%arg12 : memref<!tpu.dma_semaphore, #tpu.memory_space<semaphore_mem>>)
    %dma_wait3A_229 = arith.constant 56 : i32
    %dma_wait3A_230 = tpu.memref_slice %arg5[%dma_wait3A_229] : memref<256xi32, #tpu.memory_space<vmem>> -> memref<8xi32, #tpu.memory_space<vmem>>
    %dma_wait3A_231 = arith.constant 0 : i32
    %dma_wait3A_232 = arith.constant 0 : i32
    %dma_wait3A_233 = tpu.memref_slice %arg2[%dma_wait3A_231, %dma_wait3A_232] : memref<65024x2048xf32, #tpu.memory_space<hbm>> -> memref<65024x2048xf32, #tpu.memory_space<hbm>>
    tpu.wait_indirect_dma semaphore(%arg14 : memref<!tpu.dma_semaphore, #tpu.memory_space<semaphore_mem>>) src(%dma_wait3A_233 : memref<65024x2048xf32, #tpu.memory_space<hbm>>) dst(%arg10 : memref<8x2048xf32, #tpu.memory_space<vmem>>)
    %add3A_234 = arith.constant 56 : i32
    %add3A_235 = arith.addi %mul3A_2, %add3A_234 : i32
    %dma_start3A_236 = arith.constant 0 : i32
    %dma_start3A_237 = tpu.memref_slice %arg4[%add3A_235, %dma_start3A_236] : memref<8192x2048xf32, #tpu.memory_space<hbm>> -> memref<8x2048xf32, #tpu.memory_space<hbm>>
    %dma_start3A_238 = arith.constant 0 : i32
    %dma_start3A_239 = tpu.memref_slice %arg4[%add3A_235, %dma_start3A_238] : memref<8192x2048xf32, #tpu.memory_space<hbm>> -> memref<8x2048xf32, #tpu.memory_space<hbm>>
    tpu.enqueue_dma source(%arg10 : memref<8x2048xf32, #tpu.memory_space<vmem>>) target(%dma_start3A_239 : memref<8x2048xf32, #tpu.memory_space<hbm>>) target_semaphore(%arg22 : memref<!tpu.dma_semaphore, #tpu.memory_space<semaphore_mem>>)
    %dma_wait3A_240 = arith.constant 2 : i32
    %dma_wait3A_241 = arith.constant 0 : i32
    %dma_wait3A_242 = arith.constant 0 : i32
    %dma_wait3A_243 = tpu.memref_slice %arg6[%arg1, %dma_wait3A_240, %dma_wait3A_241, %dma_wait3A_242] : memref<16x3x8x2048xf32, #tpu.memory_space<vmem_shared>> -> memref<1x1x8x2048xf32, #tpu.memory_space<vmem_shared>>
    %dma_wait3A_244 = tpu.memref_squeeze %dma_wait3A_243 : memref<1x1x8x2048xf32, #tpu.memory_space<vmem_shared>> -> memref<8x2048xf32, #tpu.memory_space<vmem_shared>>
    %dma_wait3A_245 = arith.constant 0 : i32
    %dma_wait3A_246 = arith.constant 0 : i32
    %dma_wait3A_247 = tpu.memref_slice %arg6[%arg1, %dma_wait3A_240, %dma_wait3A_245, %dma_wait3A_246] : memref<16x3x8x2048xf32, #tpu.memory_space<vmem_shared>> -> memref<1x1x8x2048xf32, #tpu.memory_space<vmem_shared>>
    %dma_wait3A_248 = tpu.memref_squeeze %dma_wait3A_247 : memref<1x1x8x2048xf32, #tpu.memory_space<vmem_shared>> -> memref<8x2048xf32, #tpu.memory_space<vmem_shared>>
    tpu.wait_dma2 semaphore(%arg17 : memref<!tpu.dma_semaphore, #tpu.memory_space<semaphore_mem>>) src(%arg9 : memref<8x2048xf32, #tpu.memory_space<vmem>>) dst(%dma_wait3A_248 : memref<8x2048xf32, #tpu.memory_space<vmem_shared>>)
    %add3A_249 = arith.constant 48 : i32
    %add3A_250 = arith.addi %mul3A_2, %add3A_249 : i32
    %dma_start3A_251 = arith.constant 2 : i32
    %dma_start3A_252 = arith.constant 0 : i32
    %dma_start3A_253 = tpu.memref_slice %arg4[%add3A_250, %dma_start3A_252] : memref<8192x2048xf32, #tpu.memory_space<hbm>> -> memref<8x2048xf32, #tpu.memory_space<hbm>>
    %dma_start3A_254 = arith.constant 0 : i32
    %dma_start3A_255 = arith.constant 0 : i32
    %dma_start3A_256 = tpu.memref_slice %arg6[%arg1, %dma_start3A_251, %dma_start3A_254, %dma_start3A_255] : memref<16x3x8x2048xf32, #tpu.memory_space<vmem_shared>> -> memref<1x1x8x2048xf32, #tpu.memory_space<vmem_shared>>
    %dma_start3A_257 = tpu.memref_squeeze %dma_start3A_256 : memref<1x1x8x2048xf32, #tpu.memory_space<vmem_shared>> -> memref<8x2048xf32, #tpu.memory_space<vmem_shared>>
    tpu.enqueue_dma source(%dma_start3A_257 : memref<8x2048xf32, #tpu.memory_space<vmem_shared>>) target(%dma_start3A_253 : memref<8x2048xf32, #tpu.memory_space<hbm>>) target_semaphore(%arg25 : memref<!tpu.dma_semaphore, #tpu.memory_space<semaphore_mem>>)
    %dma_start3A_258 = arith.constant 80 : i32
    %dma_start3A_259 = tpu.memref_slice %arg5[%dma_start3A_258] : memref<256xi32, #tpu.memory_space<vmem>> -> memref<8xi32, #tpu.memory_space<vmem>>
    %dma_start3A_260 = arith.constant 0 : i32
    %dma_start3A_261 = arith.constant 0 : i32
    %dma_start3A_262 = tpu.memref_slice %arg2[%dma_start3A_260, %dma_start3A_261] : memref<65024x2048xf32, #tpu.memory_space<hbm>> -> memref<65024x2048xf32, #tpu.memory_space<hbm>>
    tpu.enqueue_indirect_dma source(%dma_start3A_262 : memref<65024x2048xf32, #tpu.memory_space<hbm>>) target(%arg9 : memref<8x2048xf32, #tpu.memory_space<vmem>>) offsets(%dma_start3A_259 : memref<8xi32, #tpu.memory_space<vmem>>) semaphore(%arg13 : memref<!tpu.dma_semaphore, #tpu.memory_space<semaphore_mem>>)
    %dma_wait3A_263 = arith.constant 64 : i32
    %dma_wait3A_264 = tpu.memref_slice %arg5[%dma_wait3A_263] : memref<256xi32, #tpu.memory_space<vmem>> -> memref<8xi32, #tpu.memory_space<vmem>>
    %dma_wait3A_265 = arith.constant 0 : i32
    %dma_wait3A_266 = arith.constant 0 : i32
    %dma_wait3A_267 = tpu.memref_slice %arg2[%dma_wait3A_265, %dma_wait3A_266] : memref<65024x2048xf32, #tpu.memory_space<hbm>> -> memref<65024x2048xf32, #tpu.memory_space<hbm>>
    tpu.wait_indirect_dma semaphore(%arg11 : memref<!tpu.dma_semaphore, #tpu.memory_space<semaphore_mem>>) src(%dma_wait3A_267 : memref<65024x2048xf32, #tpu.memory_space<hbm>>) dst(%arg7 : memref<8x2048xf32, #tpu.memory_space<vmem>>)
    %add3A_268 = arith.constant 64 : i32
    %add3A_269 = arith.addi %mul3A_2, %add3A_268 : i32
    %dma_start3A_270 = arith.constant 0 : i32
    %dma_start3A_271 = tpu.memref_slice %arg4[%add3A_269, %dma_start3A_270] : memref<8192x2048xf32, #tpu.memory_space<hbm>> -> memref<8x2048xf32, #tpu.memory_space<hbm>>
    %dma_start3A_272 = arith.constant 0 : i32
    %dma_start3A_273 = tpu.memref_slice %arg4[%add3A_269, %dma_start3A_272] : memref<8192x2048xf32, #tpu.memory_space<hbm>> -> memref<8x2048xf32, #tpu.memory_space<hbm>>
    tpu.enqueue_dma source(%arg7 : memref<8x2048xf32, #tpu.memory_space<vmem>>) target(%dma_start3A_273 : memref<8x2048xf32, #tpu.memory_space<hbm>>) target_semaphore(%arg19 : memref<!tpu.dma_semaphore, #tpu.memory_space<semaphore_mem>>)
    %add3A_274 = arith.constant 56 : i32
    %add3A_275 = arith.addi %mul3A_2, %add3A_274 : i32
    %dma_wait3A_276 = arith.constant 0 : i32
    %dma_wait3A_277 = tpu.memref_slice %arg4[%add3A_275, %dma_wait3A_276] : memref<8192x2048xf32, #tpu.memory_space<hbm>> -> memref<8x2048xf32, #tpu.memory_space<hbm>>
    %dma_wait3A_278 = arith.constant 0 : i32
    %dma_wait3A_279 = tpu.memref_slice %arg4[%add3A_275, %dma_wait3A_278] : memref<8192x2048xf32, #tpu.memory_space<hbm>> -> memref<8x2048xf32, #tpu.memory_space<hbm>>
    tpu.wait_dma2 semaphore(%arg22 : memref<!tpu.dma_semaphore, #tpu.memory_space<semaphore_mem>>) src(%arg10 : memref<8x2048xf32, #tpu.memory_space<vmem>>) dst(%dma_wait3A_279 : memref<8x2048xf32, #tpu.memory_space<hbm>>)
    %dma_start3A_280 = arith.constant 88 : i32
    %dma_start3A_281 = tpu.memref_slice %arg5[%dma_start3A_280] : memref<256xi32, #tpu.memory_space<vmem>> -> memref<8xi32, #tpu.memory_space<vmem>>
    %dma_start3A_282 = arith.constant 0 : i32
    %dma_start3A_283 = arith.constant 0 : i32
    %dma_start3A_284 = tpu.memref_slice %arg2[%dma_start3A_282, %dma_start3A_283] : memref<65024x2048xf32, #tpu.memory_space<hbm>> -> memref<65024x2048xf32, #tpu.memory_space<hbm>>
    tpu.enqueue_indirect_dma source(%dma_start3A_284 : memref<65024x2048xf32, #tpu.memory_space<hbm>>) target(%arg10 : memref<8x2048xf32, #tpu.memory_space<vmem>>) offsets(%dma_start3A_281 : memref<8xi32, #tpu.memory_space<vmem>>) semaphore(%arg14 : memref<!tpu.dma_semaphore, #tpu.memory_space<semaphore_mem>>)
    %add3A_285 = arith.constant 0 : i32
    %add3A_286 = arith.addi %mul3A_2, %add3A_285 : i32
    %dma_wait3A_287 = arith.constant 0 : i32
    %dma_wait3A_288 = arith.constant 0 : i32
    %dma_wait3A_289 = tpu.memref_slice %arg4[%add3A_286, %dma_wait3A_288] : memref<8192x2048xf32, #tpu.memory_space<hbm>> -> memref<8x2048xf32, #tpu.memory_space<hbm>>
    %dma_wait3A_290 = arith.constant 0 : i32
    %dma_wait3A_291 = arith.constant 0 : i32
    %dma_wait3A_292 = tpu.memref_slice %arg6[%arg1, %dma_wait3A_287, %dma_wait3A_290, %dma_wait3A_291] : memref<16x3x8x2048xf32, #tpu.memory_space<vmem_shared>> -> memref<1x1x8x2048xf32, #tpu.memory_space<vmem_shared>>
    %dma_wait3A_293 = tpu.memref_squeeze %dma_wait3A_292 : memref<1x1x8x2048xf32, #tpu.memory_space<vmem_shared>> -> memref<8x2048xf32, #tpu.memory_space<vmem_shared>>
    tpu.wait_dma2 semaphore(%arg23 : memref<!tpu.dma_semaphore, #tpu.memory_space<semaphore_mem>>) src(%dma_wait3A_293 : memref<8x2048xf32, #tpu.memory_space<vmem_shared>>) dst(%dma_wait3A_289 : memref<8x2048xf32, #tpu.memory_space<hbm>>)
    %dma_wait3A_294 = arith.constant 72 : i32
    %dma_wait3A_295 = tpu.memref_slice %arg5[%dma_wait3A_294] : memref<256xi32, #tpu.memory_space<vmem>> -> memref<8xi32, #tpu.memory_space<vmem>>
    %dma_wait3A_296 = arith.constant 0 : i32
    %dma_wait3A_297 = arith.constant 0 : i32
    %dma_wait3A_298 = tpu.memref_slice %arg2[%dma_wait3A_296, %dma_wait3A_297] : memref<65024x2048xf32, #tpu.memory_space<hbm>> -> memref<65024x2048xf32, #tpu.memory_space<hbm>>
    tpu.wait_indirect_dma semaphore(%arg12 : memref<!tpu.dma_semaphore, #tpu.memory_space<semaphore_mem>>) src(%dma_wait3A_298 : memref<65024x2048xf32, #tpu.memory_space<hbm>>) dst(%arg8 : memref<8x2048xf32, #tpu.memory_space<vmem>>)
    %dma_start3A_299 = arith.constant 0 : i32
    %dma_start3A_300 = arith.constant 0 : i32
    %dma_start3A_301 = arith.constant 0 : i32
    %dma_start3A_302 = tpu.memref_slice %arg6[%arg1, %dma_start3A_299, %dma_start3A_300, %dma_start3A_301] : memref<16x3x8x2048xf32, #tpu.memory_space<vmem_shared>> -> memref<1x1x8x2048xf32, #tpu.memory_space<vmem_shared>>
    %dma_start3A_303 = tpu.memref_squeeze %dma_start3A_302 : memref<1x1x8x2048xf32, #tpu.memory_space<vmem_shared>> -> memref<8x2048xf32, #tpu.memory_space<vmem_shared>>
    %dma_start3A_304 = arith.constant 0 : i32
    %dma_start3A_305 = arith.constant 0 : i32
    %dma_start3A_306 = tpu.memref_slice %arg6[%arg1, %dma_start3A_299, %dma_start3A_304, %dma_start3A_305] : memref<16x3x8x2048xf32, #tpu.memory_space<vmem_shared>> -> memref<1x1x8x2048xf32, #tpu.memory_space<vmem_shared>>
    %dma_start3A_307 = tpu.memref_squeeze %dma_start3A_306 : memref<1x1x8x2048xf32, #tpu.memory_space<vmem_shared>> -> memref<8x2048xf32, #tpu.memory_space<vmem_shared>>
    tpu.enqueue_dma source(%arg8 : memref<8x2048xf32, #tpu.memory_space<vmem>>) target(%dma_start3A_307 : memref<8x2048xf32, #tpu.memory_space<vmem_shared>>) target_semaphore(%arg16 : memref<!tpu.dma_semaphore, #tpu.memory_space<semaphore_mem>>)
    %add3A_308 = arith.constant 64 : i32
    %add3A_309 = arith.addi %mul3A_2, %add3A_308 : i32
    %dma_wait3A_310 = arith.constant 0 : i32
    %dma_wait3A_311 = tpu.memref_slice %arg4[%add3A_309, %dma_wait3A_310] : memref<8192x2048xf32, #tpu.memory_space<hbm>> -> memref<8x2048xf32, #tpu.memory_space<hbm>>
    %dma_wait3A_312 = arith.constant 0 : i32
    %dma_wait3A_313 = tpu.memref_slice %arg4[%add3A_309, %dma_wait3A_312] : memref<8192x2048xf32, #tpu.memory_space<hbm>> -> memref<8x2048xf32, #tpu.memory_space<hbm>>
    tpu.wait_dma2 semaphore(%arg19 : memref<!tpu.dma_semaphore, #tpu.memory_space<semaphore_mem>>) src(%arg7 : memref<8x2048xf32, #tpu.memory_space<vmem>>) dst(%dma_wait3A_313 : memref<8x2048xf32, #tpu.memory_space<hbm>>)
    %dma_start3A_314 = arith.constant 96 : i32
    %dma_start3A_315 = tpu.memref_slice %arg5[%dma_start3A_314] : memref<256xi32, #tpu.memory_space<vmem>> -> memref<8xi32, #tpu.memory_space<vmem>>
    %dma_start3A_316 = arith.constant 0 : i32
    %dma_start3A_317 = arith.constant 0 : i32
    %dma_start3A_318 = tpu.memref_slice %arg2[%dma_start3A_316, %dma_start3A_317] : memref<65024x2048xf32, #tpu.memory_space<hbm>> -> memref<65024x2048xf32, #tpu.memory_space<hbm>>
    tpu.enqueue_indirect_dma source(%dma_start3A_318 : memref<65024x2048xf32, #tpu.memory_space<hbm>>) target(%arg7 : memref<8x2048xf32, #tpu.memory_space<vmem>>) offsets(%dma_start3A_315 : memref<8xi32, #tpu.memory_space<vmem>>) semaphore(%arg11 : memref<!tpu.dma_semaphore, #tpu.memory_space<semaphore_mem>>)
    %dma_wait3A_319 = arith.constant 80 : i32
    %dma_wait3A_320 = tpu.memref_slice %arg5[%dma_wait3A_319] : memref<256xi32, #tpu.memory_space<vmem>> -> memref<8xi32, #tpu.memory_space<vmem>>
    %dma_wait3A_321 = arith.constant 0 : i32
    %dma_wait3A_322 = arith.constant 0 : i32
    %dma_wait3A_323 = tpu.memref_slice %arg2[%dma_wait3A_321, %dma_wait3A_322] : memref<65024x2048xf32, #tpu.memory_space<hbm>> -> memref<65024x2048xf32, #tpu.memory_space<hbm>>
    tpu.wait_indirect_dma semaphore(%arg13 : memref<!tpu.dma_semaphore, #tpu.memory_space<semaphore_mem>>) src(%dma_wait3A_323 : memref<65024x2048xf32, #tpu.memory_space<hbm>>) dst(%arg9 : memref<8x2048xf32, #tpu.memory_space<vmem>>)
    %add3A_324 = arith.constant 80 : i32
    %add3A_325 = arith.addi %mul3A_2, %add3A_324 : i32
    %dma_start3A_326 = arith.constant 0 : i32
    %dma_start3A_327 = tpu.memref_slice %arg4[%add3A_325, %dma_start3A_326] : memref<8192x2048xf32, #tpu.memory_space<hbm>> -> memref<8x2048xf32, #tpu.memory_space<hbm>>
    %dma_start3A_328 = arith.constant 0 : i32
    %dma_start3A_329 = tpu.memref_slice %arg4[%add3A_325, %dma_start3A_328] : memref<8192x2048xf32, #tpu.memory_space<hbm>> -> memref<8x2048xf32, #tpu.memory_space<hbm>>
    tpu.enqueue_dma source(%arg9 : memref<8x2048xf32, #tpu.memory_space<vmem>>) target(%dma_start3A_329 : memref<8x2048xf32, #tpu.memory_space<hbm>>) target_semaphore(%arg21 : memref<!tpu.dma_semaphore, #tpu.memory_space<semaphore_mem>>)
    %dma_wait3A_330 = arith.constant 0 : i32
    %dma_wait3A_331 = arith.constant 0 : i32
    %dma_wait3A_332 = arith.constant 0 : i32
    %dma_wait3A_333 = tpu.memref_slice %arg6[%arg1, %dma_wait3A_330, %dma_wait3A_331, %dma_wait3A_332] : memref<16x3x8x2048xf32, #tpu.memory_space<vmem_shared>> -> memref<1x1x8x2048xf32, #tpu.memory_space<vmem_shared>>
    %dma_wait3A_334 = tpu.memref_squeeze %dma_wait3A_333 : memref<1x1x8x2048xf32, #tpu.memory_space<vmem_shared>> -> memref<8x2048xf32, #tpu.memory_space<vmem_shared>>
    %dma_wait3A_335 = arith.constant 0 : i32
    %dma_wait3A_336 = arith.constant 0 : i32
    %dma_wait3A_337 = tpu.memref_slice %arg6[%arg1, %dma_wait3A_330, %dma_wait3A_335, %dma_wait3A_336] : memref<16x3x8x2048xf32, #tpu.memory_space<vmem_shared>> -> memref<1x1x8x2048xf32, #tpu.memory_space<vmem_shared>>
    %dma_wait3A_338 = tpu.memref_squeeze %dma_wait3A_337 : memref<1x1x8x2048xf32, #tpu.memory_space<vmem_shared>> -> memref<8x2048xf32, #tpu.memory_space<vmem_shared>>
    tpu.wait_dma2 semaphore(%arg16 : memref<!tpu.dma_semaphore, #tpu.memory_space<semaphore_mem>>) src(%arg8 : memref<8x2048xf32, #tpu.memory_space<vmem>>) dst(%dma_wait3A_338 : memref<8x2048xf32, #tpu.memory_space<vmem_shared>>)
    %add3A_339 = arith.constant 72 : i32
    %add3A_340 = arith.addi %mul3A_2, %add3A_339 : i32
    %dma_start3A_341 = arith.constant 0 : i32
    %dma_start3A_342 = arith.constant 0 : i32
    %dma_start3A_343 = tpu.memref_slice %arg4[%add3A_340, %dma_start3A_342] : memref<8192x2048xf32, #tpu.memory_space<hbm>> -> memref<8x2048xf32, #tpu.memory_space<hbm>>
    %dma_start3A_344 = arith.constant 0 : i32
    %dma_start3A_345 = arith.constant 0 : i32
    %dma_start3A_346 = tpu.memref_slice %arg6[%arg1, %dma_start3A_341, %dma_start3A_344, %dma_start3A_345] : memref<16x3x8x2048xf32, #tpu.memory_space<vmem_shared>> -> memref<1x1x8x2048xf32, #tpu.memory_space<vmem_shared>>
    %dma_start3A_347 = tpu.memref_squeeze %dma_start3A_346 : memref<1x1x8x2048xf32, #tpu.memory_space<vmem_shared>> -> memref<8x2048xf32, #tpu.memory_space<vmem_shared>>
    tpu.enqueue_dma source(%dma_start3A_347 : memref<8x2048xf32, #tpu.memory_space<vmem_shared>>) target(%dma_start3A_343 : memref<8x2048xf32, #tpu.memory_space<hbm>>) target_semaphore(%arg23 : memref<!tpu.dma_semaphore, #tpu.memory_space<semaphore_mem>>)
    %dma_start3A_348 = arith.constant 104 : i32
    %dma_start3A_349 = tpu.memref_slice %arg5[%dma_start3A_348] : memref<256xi32, #tpu.memory_space<vmem>> -> memref<8xi32, #tpu.memory_space<vmem>>
    %dma_start3A_350 = arith.constant 0 : i32
    %dma_start3A_351 = arith.constant 0 : i32
    %dma_start3A_352 = tpu.memref_slice %arg2[%dma_start3A_350, %dma_start3A_351] : memref<65024x2048xf32, #tpu.memory_space<hbm>> -> memref<65024x2048xf32, #tpu.memory_space<hbm>>
    tpu.enqueue_indirect_dma source(%dma_start3A_352 : memref<65024x2048xf32, #tpu.memory_space<hbm>>) target(%arg8 : memref<8x2048xf32, #tpu.memory_space<vmem>>) offsets(%dma_start3A_349 : memref<8xi32, #tpu.memory_space<vmem>>) semaphore(%arg12 : memref<!tpu.dma_semaphore, #tpu.memory_space<semaphore_mem>>)
    %dma_wait3A_353 = arith.constant 88 : i32
    %dma_wait3A_354 = tpu.memref_slice %arg5[%dma_wait3A_353] : memref<256xi32, #tpu.memory_space<vmem>> -> memref<8xi32, #tpu.memory_space<vmem>>
    %dma_wait3A_355 = arith.constant 0 : i32
    %dma_wait3A_356 = arith.constant 0 : i32
    %dma_wait3A_357 = tpu.memref_slice %arg2[%dma_wait3A_355, %dma_wait3A_356] : memref<65024x2048xf32, #tpu.memory_space<hbm>> -> memref<65024x2048xf32, #tpu.memory_space<hbm>>
    tpu.wait_indirect_dma semaphore(%arg14 : memref<!tpu.dma_semaphore, #tpu.memory_space<semaphore_mem>>) src(%dma_wait3A_357 : memref<65024x2048xf32, #tpu.memory_space<hbm>>) dst(%arg10 : memref<8x2048xf32, #tpu.memory_space<vmem>>)
    %add3A_358 = arith.constant 88 : i32
    %add3A_359 = arith.addi %mul3A_2, %add3A_358 : i32
    %dma_start3A_360 = arith.constant 0 : i32
    %dma_start3A_361 = tpu.memref_slice %arg4[%add3A_359, %dma_start3A_360] : memref<8192x2048xf32, #tpu.memory_space<hbm>> -> memref<8x2048xf32, #tpu.memory_space<hbm>>
    %dma_start3A_362 = arith.constant 0 : i32
    %dma_start3A_363 = tpu.memref_slice %arg4[%add3A_359, %dma_start3A_362] : memref<8192x2048xf32, #tpu.memory_space<hbm>> -> memref<8x2048xf32, #tpu.memory_space<hbm>>
    tpu.enqueue_dma source(%arg10 : memref<8x2048xf32, #tpu.memory_space<vmem>>) target(%dma_start3A_363 : memref<8x2048xf32, #tpu.memory_space<hbm>>) target_semaphore(%arg22 : memref<!tpu.dma_semaphore, #tpu.memory_space<semaphore_mem>>)
    %add3A_364 = arith.constant 80 : i32
    %add3A_365 = arith.addi %mul3A_2, %add3A_364 : i32
    %dma_wait3A_366 = arith.constant 0 : i32
    %dma_wait3A_367 = tpu.memref_slice %arg4[%add3A_365, %dma_wait3A_366] : memref<8192x2048xf32, #tpu.memory_space<hbm>> -> memref<8x2048xf32, #tpu.memory_space<hbm>>
    %dma_wait3A_368 = arith.constant 0 : i32
    %dma_wait3A_369 = tpu.memref_slice %arg4[%add3A_365, %dma_wait3A_368] : memref<8192x2048xf32, #tpu.memory_space<hbm>> -> memref<8x2048xf32, #tpu.memory_space<hbm>>
    tpu.wait_dma2 semaphore(%arg21 : memref<!tpu.dma_semaphore, #tpu.memory_space<semaphore_mem>>) src(%arg9 : memref<8x2048xf32, #tpu.memory_space<vmem>>) dst(%dma_wait3A_369 : memref<8x2048xf32, #tpu.memory_space<hbm>>)
    %dma_start3A_370 = arith.constant 112 : i32
    %dma_start3A_371 = tpu.memref_slice %arg5[%dma_start3A_370] : memref<256xi32, #tpu.memory_space<vmem>> -> memref<8xi32, #tpu.memory_space<vmem>>
    %dma_start3A_372 = arith.constant 0 : i32
    %dma_start3A_373 = arith.constant 0 : i32
    %dma_start3A_374 = tpu.memref_slice %arg2[%dma_start3A_372, %dma_start3A_373] : memref<65024x2048xf32, #tpu.memory_space<hbm>> -> memref<65024x2048xf32, #tpu.memory_space<hbm>>
    tpu.enqueue_indirect_dma source(%dma_start3A_374 : memref<65024x2048xf32, #tpu.memory_space<hbm>>) target(%arg9 : memref<8x2048xf32, #tpu.memory_space<vmem>>) offsets(%dma_start3A_371 : memref<8xi32, #tpu.memory_space<vmem>>) semaphore(%arg13 : memref<!tpu.dma_semaphore, #tpu.memory_space<semaphore_mem>>)
    %add3A_375 = arith.constant 24 : i32
    %add3A_376 = arith.addi %mul3A_2, %add3A_375 : i32
    %dma_wait3A_377 = arith.constant 1 : i32
    %dma_wait3A_378 = arith.constant 0 : i32
    %dma_wait3A_379 = tpu.memref_slice %arg4[%add3A_376, %dma_wait3A_378] : memref<8192x2048xf32, #tpu.memory_space<hbm>> -> memref<8x2048xf32, #tpu.memory_space<hbm>>
    %dma_wait3A_380 = arith.constant 0 : i32
    %dma_wait3A_381 = arith.constant 0 : i32
    %dma_wait3A_382 = tpu.memref_slice %arg6[%arg1, %dma_wait3A_377, %dma_wait3A_380, %dma_wait3A_381] : memref<16x3x8x2048xf32, #tpu.memory_space<vmem_shared>> -> memref<1x1x8x2048xf32, #tpu.memory_space<vmem_shared>>
    %dma_wait3A_383 = tpu.memref_squeeze %dma_wait3A_382 : memref<1x1x8x2048xf32, #tpu.memory_space<vmem_shared>> -> memref<8x2048xf32, #tpu.memory_space<vmem_shared>>
    tpu.wait_dma2 semaphore(%arg24 : memref<!tpu.dma_semaphore, #tpu.memory_space<semaphore_mem>>) src(%dma_wait3A_383 : memref<8x2048xf32, #tpu.memory_space<vmem_shared>>) dst(%dma_wait3A_379 : memref<8x2048xf32, #tpu.memory_space<hbm>>)
    %dma_wait3A_384 = arith.constant 96 : i32
    %dma_wait3A_385 = tpu.memref_slice %arg5[%dma_wait3A_384] : memref<256xi32, #tpu.memory_space<vmem>> -> memref<8xi32, #tpu.memory_space<vmem>>
    %dma_wait3A_386 = arith.constant 0 : i32
    %dma_wait3A_387 = arith.constant 0 : i32
    %dma_wait3A_388 = tpu.memref_slice %arg2[%dma_wait3A_386, %dma_wait3A_387] : memref<65024x2048xf32, #tpu.memory_space<hbm>> -> memref<65024x2048xf32, #tpu.memory_space<hbm>>
    tpu.wait_indirect_dma semaphore(%arg11 : memref<!tpu.dma_semaphore, #tpu.memory_space<semaphore_mem>>) src(%dma_wait3A_388 : memref<65024x2048xf32, #tpu.memory_space<hbm>>) dst(%arg7 : memref<8x2048xf32, #tpu.memory_space<vmem>>)
    %dma_start3A_389 = arith.constant 1 : i32
    %dma_start3A_390 = arith.constant 0 : i32
    %dma_start3A_391 = arith.constant 0 : i32
    %dma_start3A_392 = tpu.memref_slice %arg6[%arg1, %dma_start3A_389, %dma_start3A_390, %dma_start3A_391] : memref<16x3x8x2048xf32, #tpu.memory_space<vmem_shared>> -> memref<1x1x8x2048xf32, #tpu.memory_space<vmem_shared>>
    %dma_start3A_393 = tpu.memref_squeeze %dma_start3A_392 : memref<1x1x8x2048xf32, #tpu.memory_space<vmem_shared>> -> memref<8x2048xf32, #tpu.memory_space<vmem_shared>>
    %dma_start3A_394 = arith.constant 0 : i32
    %dma_start3A_395 = arith.constant 0 : i32
    %dma_start3A_396 = tpu.memref_slice %arg6[%arg1, %dma_start3A_389, %dma_start3A_394, %dma_start3A_395] : memref<16x3x8x2048xf32, #tpu.memory_space<vmem_shared>> -> memref<1x1x8x2048xf32, #tpu.memory_space<vmem_shared>>
    %dma_start3A_397 = tpu.memref_squeeze %dma_start3A_396 : memref<1x1x8x2048xf32, #tpu.memory_space<vmem_shared>> -> memref<8x2048xf32, #tpu.memory_space<vmem_shared>>
    tpu.enqueue_dma source(%arg7 : memref<8x2048xf32, #tpu.memory_space<vmem>>) target(%dma_start3A_397 : memref<8x2048xf32, #tpu.memory_space<vmem_shared>>) target_semaphore(%arg15 : memref<!tpu.dma_semaphore, #tpu.memory_space<semaphore_mem>>)
    %add3A_398 = arith.constant 88 : i32
    %add3A_399 = arith.addi %mul3A_2, %add3A_398 : i32
    %dma_wait3A_400 = arith.constant 0 : i32
    %dma_wait3A_401 = tpu.memref_slice %arg4[%add3A_399, %dma_wait3A_400] : memref<8192x2048xf32, #tpu.memory_space<hbm>> -> memref<8x2048xf32, #tpu.memory_space<hbm>>
    %dma_wait3A_402 = arith.constant 0 : i32
    %dma_wait3A_403 = tpu.memref_slice %arg4[%add3A_399, %dma_wait3A_402] : memref<8192x2048xf32, #tpu.memory_space<hbm>> -> memref<8x2048xf32, #tpu.memory_space<hbm>>
    tpu.wait_dma2 semaphore(%arg22 : memref<!tpu.dma_semaphore, #tpu.memory_space<semaphore_mem>>) src(%arg10 : memref<8x2048xf32, #tpu.memory_space<vmem>>) dst(%dma_wait3A_403 : memref<8x2048xf32, #tpu.memory_space<hbm>>)
    %dma_start3A_404 = arith.constant 120 : i32
    %dma_start3A_405 = tpu.memref_slice %arg5[%dma_start3A_404] : memref<256xi32, #tpu.memory_space<vmem>> -> memref<8xi32, #tpu.memory_space<vmem>>
    %dma_start3A_406 = arith.constant 0 : i32
    %dma_start3A_407 = arith.constant 0 : i32
    %dma_start3A_408 = tpu.memref_slice %arg2[%dma_start3A_406, %dma_start3A_407] : memref<65024x2048xf32, #tpu.memory_space<hbm>> -> memref<65024x2048xf32, #tpu.memory_space<hbm>>
    tpu.enqueue_indirect_dma source(%dma_start3A_408 : memref<65024x2048xf32, #tpu.memory_space<hbm>>) target(%arg10 : memref<8x2048xf32, #tpu.memory_space<vmem>>) offsets(%dma_start3A_405 : memref<8xi32, #tpu.memory_space<vmem>>) semaphore(%arg14 : memref<!tpu.dma_semaphore, #tpu.memory_space<semaphore_mem>>)
    %dma_wait3A_409 = arith.constant 104 : i32
    %dma_wait3A_410 = tpu.memref_slice %arg5[%dma_wait3A_409] : memref<256xi32, #tpu.memory_space<vmem>> -> memref<8xi32, #tpu.memory_space<vmem>>
    %dma_wait3A_411 = arith.constant 0 : i32
    %dma_wait3A_412 = arith.constant 0 : i32
    %dma_wait3A_413 = tpu.memref_slice %arg2[%dma_wait3A_411, %dma_wait3A_412] : memref<65024x2048xf32, #tpu.memory_space<hbm>> -> memref<65024x2048xf32, #tpu.memory_space<hbm>>
    tpu.wait_indirect_dma semaphore(%arg12 : memref<!tpu.dma_semaphore, #tpu.memory_space<semaphore_mem>>) src(%dma_wait3A_413 : memref<65024x2048xf32, #tpu.memory_space<hbm>>) dst(%arg8 : memref<8x2048xf32, #tpu.memory_space<vmem>>)
    %add3A_414 = arith.constant 104 : i32
    %add3A_415 = arith.addi %mul3A_2, %add3A_414 : i32
    %dma_start3A_416 = arith.constant 0 : i32
    %dma_start3A_417 = tpu.memref_slice %arg4[%add3A_415, %dma_start3A_416] : memref<8192x2048xf32, #tpu.memory_space<hbm>> -> memref<8x2048xf32, #tpu.memory_space<hbm>>
    %dma_start3A_418 = arith.constant 0 : i32
    %dma_start3A_419 = tpu.memref_slice %arg4[%add3A_415, %dma_start3A_418] : memref<8192x2048xf32, #tpu.memory_space<hbm>> -> memref<8x2048xf32, #tpu.memory_space<hbm>>
    tpu.enqueue_dma source(%arg8 : memref<8x2048xf32, #tpu.memory_space<vmem>>) target(%dma_start3A_419 : memref<8x2048xf32, #tpu.memory_space<hbm>>) target_semaphore(%arg20 : memref<!tpu.dma_semaphore, #tpu.memory_space<semaphore_mem>>)
    %dma_wait3A_420 = arith.constant 1 : i32
    %dma_wait3A_421 = arith.constant 0 : i32
    %dma_wait3A_422 = arith.constant 0 : i32
    %dma_wait3A_423 = tpu.memref_slice %arg6[%arg1, %dma_wait3A_420, %dma_wait3A_421, %dma_wait3A_422] : memref<16x3x8x2048xf32, #tpu.memory_space<vmem_shared>> -> memref<1x1x8x2048xf32, #tpu.memory_space<vmem_shared>>
    %dma_wait3A_424 = tpu.memref_squeeze %dma_wait3A_423 : memref<1x1x8x2048xf32, #tpu.memory_space<vmem_shared>> -> memref<8x2048xf32, #tpu.memory_space<vmem_shared>>
    %dma_wait3A_425 = arith.constant 0 : i32
    %dma_wait3A_426 = arith.constant 0 : i32
    %dma_wait3A_427 = tpu.memref_slice %arg6[%arg1, %dma_wait3A_420, %dma_wait3A_425, %dma_wait3A_426] : memref<16x3x8x2048xf32, #tpu.memory_space<vmem_shared>> -> memref<1x1x8x2048xf32, #tpu.memory_space<vmem_shared>>
    %dma_wait3A_428 = tpu.memref_squeeze %dma_wait3A_427 : memref<1x1x8x2048xf32, #tpu.memory_space<vmem_shared>> -> memref<8x2048xf32, #tpu.memory_space<vmem_shared>>
    tpu.wait_dma2 semaphore(%arg15 : memref<!tpu.dma_semaphore, #tpu.memory_space<semaphore_mem>>) src(%arg7 : memref<8x2048xf32, #tpu.memory_space<vmem>>) dst(%dma_wait3A_428 : memref<8x2048xf32, #tpu.memory_space<vmem_shared>>)
    %add3A_429 = arith.constant 96 : i32
    %add3A_430 = arith.addi %mul3A_2, %add3A_429 : i32
    %dma_start3A_431 = arith.constant 1 : i32
    %dma_start3A_432 = arith.constant 0 : i32
    %dma_start3A_433 = tpu.memref_slice %arg4[%add3A_430, %dma_start3A_432] : memref<8192x2048xf32, #tpu.memory_space<hbm>> -> memref<8x2048xf32, #tpu.memory_space<hbm>>
    %dma_start3A_434 = arith.constant 0 : i32
    %dma_start3A_435 = arith.constant 0 : i32
    %dma_start3A_436 = tpu.memref_slice %arg6[%arg1, %dma_start3A_431, %dma_start3A_434, %dma_start3A_435] : memref<16x3x8x2048xf32, #tpu.memory_space<vmem_shared>> -> memref<1x1x8x2048xf32, #tpu.memory_space<vmem_shared>>
    %dma_start3A_437 = tpu.memref_squeeze %dma_start3A_436 : memref<1x1x8x2048xf32, #tpu.memory_space<vmem_shared>> -> memref<8x2048xf32, #tpu.memory_space<vmem_shared>>
    tpu.enqueue_dma source(%dma_start3A_437 : memref<8x2048xf32, #tpu.memory_space<vmem_shared>>) target(%dma_start3A_433 : memref<8x2048xf32, #tpu.memory_space<hbm>>) target_semaphore(%arg24 : memref<!tpu.dma_semaphore, #tpu.memory_space<semaphore_mem>>)
    %dma_start3A_438 = arith.constant 128 : i32
    %dma_start3A_439 = tpu.memref_slice %arg5[%dma_start3A_438] : memref<256xi32, #tpu.memory_space<vmem>> -> memref<8xi32, #tpu.memory_space<vmem>>
    %dma_start3A_440 = arith.constant 0 : i32
    %dma_start3A_441 = arith.constant 0 : i32
    %dma_start3A_442 = tpu.memref_slice %arg2[%dma_start3A_440, %dma_start3A_441] : memref<65024x2048xf32, #tpu.memory_space<hbm>> -> memref<65024x2048xf32, #tpu.memory_space<hbm>>
    tpu.enqueue_indirect_dma source(%dma_start3A_442 : memref<65024x2048xf32, #tpu.memory_space<hbm>>) target(%arg7 : memref<8x2048xf32, #tpu.memory_space<vmem>>) offsets(%dma_start3A_439 : memref<8xi32, #tpu.memory_space<vmem>>) semaphore(%arg11 : memref<!tpu.dma_semaphore, #tpu.memory_space<semaphore_mem>>)
    %dma_wait3A_443 = arith.constant 112 : i32
    %dma_wait3A_444 = tpu.memref_slice %arg5[%dma_wait3A_443] : memref<256xi32, #tpu.memory_space<vmem>> -> memref<8xi32, #tpu.memory_space<vmem>>
    %dma_wait3A_445 = arith.constant 0 : i32
    %dma_wait3A_446 = arith.constant 0 : i32
    %dma_wait3A_447 = tpu.memref_slice %arg2[%dma_wait3A_445, %dma_wait3A_446] : memref<65024x2048xf32, #tpu.memory_space<hbm>> -> memref<65024x2048xf32, #tpu.memory_space<hbm>>
    tpu.wait_indirect_dma semaphore(%arg13 : memref<!tpu.dma_semaphore, #tpu.memory_space<semaphore_mem>>) src(%dma_wait3A_447 : memref<65024x2048xf32, #tpu.memory_space<hbm>>) dst(%arg9 : memref<8x2048xf32, #tpu.memory_space<vmem>>)
    %add3A_448 = arith.constant 112 : i32
    %add3A_449 = arith.addi %mul3A_2, %add3A_448 : i32
    %dma_start3A_450 = arith.constant 0 : i32
    %dma_start3A_451 = tpu.memref_slice %arg4[%add3A_449, %dma_start3A_450] : memref<8192x2048xf32, #tpu.memory_space<hbm>> -> memref<8x2048xf32, #tpu.memory_space<hbm>>
    %dma_start3A_452 = arith.constant 0 : i32
    %dma_start3A_453 = tpu.memref_slice %arg4[%add3A_449, %dma_start3A_452] : memref<8192x2048xf32, #tpu.memory_space<hbm>> -> memref<8x2048xf32, #tpu.memory_space<hbm>>
    tpu.enqueue_dma source(%arg9 : memref<8x2048xf32, #tpu.memory_space<vmem>>) target(%dma_start3A_453 : memref<8x2048xf32, #tpu.memory_space<hbm>>) target_semaphore(%arg21 : memref<!tpu.dma_semaphore, #tpu.memory_space<semaphore_mem>>)
    %add3A_454 = arith.constant 104 : i32
    %add3A_455 = arith.addi %mul3A_2, %add3A_454 : i32
    %dma_wait3A_456 = arith.constant 0 : i32
    %dma_wait3A_457 = tpu.memref_slice %arg4[%add3A_455, %dma_wait3A_456] : memref<8192x2048xf32, #tpu.memory_space<hbm>> -> memref<8x2048xf32, #tpu.memory_space<hbm>>
    %dma_wait3A_458 = arith.constant 0 : i32
    %dma_wait3A_459 = tpu.memref_slice %arg4[%add3A_455, %dma_wait3A_458] : memref<8192x2048xf32, #tpu.memory_space<hbm>> -> memref<8x2048xf32, #tpu.memory_space<hbm>>
    tpu.wait_dma2 semaphore(%arg20 : memref<!tpu.dma_semaphore, #tpu.memory_space<semaphore_mem>>) src(%arg8 : memref<8x2048xf32, #tpu.memory_space<vmem>>) dst(%dma_wait3A_459 : memref<8x2048xf32, #tpu.memory_space<hbm>>)
    %dma_start3A_460 = arith.constant 136 : i32
    %dma_start3A_461 = tpu.memref_slice %arg5[%dma_start3A_460] : memref<256xi32, #tpu.memory_space<vmem>> -> memref<8xi32, #tpu.memory_space<vmem>>
    %dma_start3A_462 = arith.constant 0 : i32
    %dma_start3A_463 = arith.constant 0 : i32
    %dma_start3A_464 = tpu.memref_slice %arg2[%dma_start3A_462, %dma_start3A_463] : memref<65024x2048xf32, #tpu.memory_space<hbm>> -> memref<65024x2048xf32, #tpu.memory_space<hbm>>
    tpu.enqueue_indirect_dma source(%dma_start3A_464 : memref<65024x2048xf32, #tpu.memory_space<hbm>>) target(%arg8 : memref<8x2048xf32, #tpu.memory_space<vmem>>) offsets(%dma_start3A_461 : memref<8xi32, #tpu.memory_space<vmem>>) semaphore(%arg12 : memref<!tpu.dma_semaphore, #tpu.memory_space<semaphore_mem>>)
    %add3A_465 = arith.constant 48 : i32
    %add3A_466 = arith.addi %mul3A_2, %add3A_465 : i32
    %dma_wait3A_467 = arith.constant 2 : i32
    %dma_wait3A_468 = arith.constant 0 : i32
    %dma_wait3A_469 = tpu.memref_slice %arg4[%add3A_466, %dma_wait3A_468] : memref<8192x2048xf32, #tpu.memory_space<hbm>> -> memref<8x2048xf32, #tpu.memory_space<hbm>>
    %dma_wait3A_470 = arith.constant 0 : i32
    %dma_wait3A_471 = arith.constant 0 : i32
    %dma_wait3A_472 = tpu.memref_slice %arg6[%arg1, %dma_wait3A_467, %dma_wait3A_470, %dma_wait3A_471] : memref<16x3x8x2048xf32, #tpu.memory_space<vmem_shared>> -> memref<1x1x8x2048xf32, #tpu.memory_space<vmem_shared>>
    %dma_wait3A_473 = tpu.memref_squeeze %dma_wait3A_472 : memref<1x1x8x2048xf32, #tpu.memory_space<vmem_shared>> -> memref<8x2048xf32, #tpu.memory_space<vmem_shared>>
    tpu.wait_dma2 semaphore(%arg25 : memref<!tpu.dma_semaphore, #tpu.memory_space<semaphore_mem>>) src(%dma_wait3A_473 : memref<8x2048xf32, #tpu.memory_space<vmem_shared>>) dst(%dma_wait3A_469 : memref<8x2048xf32, #tpu.memory_space<hbm>>)
    %dma_wait3A_474 = arith.constant 120 : i32
    %dma_wait3A_475 = tpu.memref_slice %arg5[%dma_wait3A_474] : memref<256xi32, #tpu.memory_space<vmem>> -> memref<8xi32, #tpu.memory_space<vmem>>
    %dma_wait3A_476 = arith.constant 0 : i32
    %dma_wait3A_477 = arith.constant 0 : i32
    %dma_wait3A_478 = tpu.memref_slice %arg2[%dma_wait3A_476, %dma_wait3A_477] : memref<65024x2048xf32, #tpu.memory_space<hbm>> -> memref<65024x2048xf32, #tpu.memory_space<hbm>>
    tpu.wait_indirect_dma semaphore(%arg14 : memref<!tpu.dma_semaphore, #tpu.memory_space<semaphore_mem>>) src(%dma_wait3A_478 : memref<65024x2048xf32, #tpu.memory_space<hbm>>) dst(%arg10 : memref<8x2048xf32, #tpu.memory_space<vmem>>)
    %dma_start3A_479 = arith.constant 2 : i32
    %dma_start3A_480 = arith.constant 0 : i32
    %dma_start3A_481 = arith.constant 0 : i32
    %dma_start3A_482 = tpu.memref_slice %arg6[%arg1, %dma_start3A_479, %dma_start3A_480, %dma_start3A_481] : memref<16x3x8x2048xf32, #tpu.memory_space<vmem_shared>> -> memref<1x1x8x2048xf32, #tpu.memory_space<vmem_shared>>
    %dma_start3A_483 = tpu.memref_squeeze %dma_start3A_482 : memref<1x1x8x2048xf32, #tpu.memory_space<vmem_shared>> -> memref<8x2048xf32, #tpu.memory_space<vmem_shared>>
    %dma_start3A_484 = arith.constant 0 : i32
    %dma_start3A_485 = arith.constant 0 : i32
    %dma_start3A_486 = tpu.memref_slice %arg6[%arg1, %dma_start3A_479, %dma_start3A_484, %dma_start3A_485] : memref<16x3x8x2048xf32, #tpu.memory_space<vmem_shared>> -> memref<1x1x8x2048xf32, #tpu.memory_space<vmem_shared>>
    %dma_start3A_487 = tpu.memref_squeeze %dma_start3A_486 : memref<1x1x8x2048xf32, #tpu.memory_space<vmem_shared>> -> memref<8x2048xf32, #tpu.memory_space<vmem_shared>>
    tpu.enqueue_dma source(%arg10 : memref<8x2048xf32, #tpu.memory_space<vmem>>) target(%dma_start3A_487 : memref<8x2048xf32, #tpu.memory_space<vmem_shared>>) target_semaphore(%arg18 : memref<!tpu.dma_semaphore, #tpu.memory_space<semaphore_mem>>)
    %add3A_488 = arith.constant 112 : i32
    %add3A_489 = arith.addi %mul3A_2, %add3A_488 : i32
    %dma_wait3A_490 = arith.constant 0 : i32
    %dma_wait3A_491 = tpu.memref_slice %arg4[%add3A_489, %dma_wait3A_490] : memref<8192x2048xf32, #tpu.memory_space<hbm>> -> memref<8x2048xf32, #tpu.memory_space<hbm>>
    %dma_wait3A_492 = arith.constant 0 : i32
    %dma_wait3A_493 = tpu.memref_slice %arg4[%add3A_489, %dma_wait3A_492] : memref<8192x2048xf32, #tpu.memory_space<hbm>> -> memref<8x2048xf32, #tpu.memory_space<hbm>>
    tpu.wait_dma2 semaphore(%arg21 : memref<!tpu.dma_semaphore, #tpu.memory_space<semaphore_mem>>) src(%arg9 : memref<8x2048xf32, #tpu.memory_space<vmem>>) dst(%dma_wait3A_493 : memref<8x2048xf32, #tpu.memory_space<hbm>>)
    %dma_start3A_494 = arith.constant 144 : i32
    %dma_start3A_495 = tpu.memref_slice %arg5[%dma_start3A_494] : memref<256xi32, #tpu.memory_space<vmem>> -> memref<8xi32, #tpu.memory_space<vmem>>
    %dma_start3A_496 = arith.constant 0 : i32
    %dma_start3A_497 = arith.constant 0 : i32
    %dma_start3A_498 = tpu.memref_slice %arg2[%dma_start3A_496, %dma_start3A_497] : memref<65024x2048xf32, #tpu.memory_space<hbm>> -> memref<65024x2048xf32, #tpu.memory_space<hbm>>
    tpu.enqueue_indirect_dma source(%dma_start3A_498 : memref<65024x2048xf32, #tpu.memory_space<hbm>>) target(%arg9 : memref<8x2048xf32, #tpu.memory_space<vmem>>) offsets(%dma_start3A_495 : memref<8xi32, #tpu.memory_space<vmem>>) semaphore(%arg13 : memref<!tpu.dma_semaphore, #tpu.memory_space<semaphore_mem>>)
    %dma_wait3A_499 = arith.constant 128 : i32
    %dma_wait3A_500 = tpu.memref_slice %arg5[%dma_wait3A_499] : memref<256xi32, #tpu.memory_space<vmem>> -> memref<8xi32, #tpu.memory_space<vmem>>
    %dma_wait3A_501 = arith.constant 0 : i32
    %dma_wait3A_502 = arith.constant 0 : i32
    %dma_wait3A_503 = tpu.memref_slice %arg2[%dma_wait3A_501, %dma_wait3A_502] : memref<65024x2048xf32, #tpu.memory_space<hbm>> -> memref<65024x2048xf32, #tpu.memory_space<hbm>>
    tpu.wait_indirect_dma semaphore(%arg11 : memref<!tpu.dma_semaphore, #tpu.memory_space<semaphore_mem>>) src(%dma_wait3A_503 : memref<65024x2048xf32, #tpu.memory_space<hbm>>) dst(%arg7 : memref<8x2048xf32, #tpu.memory_space<vmem>>)
    %add3A_504 = arith.constant 128 : i32
    %add3A_505 = arith.addi %mul3A_2, %add3A_504 : i32
    %dma_start3A_506 = arith.constant 0 : i32
    %dma_start3A_507 = tpu.memref_slice %arg4[%add3A_505, %dma_start3A_506] : memref<8192x2048xf32, #tpu.memory_space<hbm>> -> memref<8x2048xf32, #tpu.memory_space<hbm>>
    %dma_start3A_508 = arith.constant 0 : i32
    %dma_start3A_509 = tpu.memref_slice %arg4[%add3A_505, %dma_start3A_508] : memref<8192x2048xf32, #tpu.memory_space<hbm>> -> memref<8x2048xf32, #tpu.memory_space<hbm>>
    tpu.enqueue_dma source(%arg7 : memref<8x2048xf32, #tpu.memory_space<vmem>>) target(%dma_start3A_509 : memref<8x2048xf32, #tpu.memory_space<hbm>>) target_semaphore(%arg19 : memref<!tpu.dma_semaphore, #tpu.memory_space<semaphore_mem>>)
    %dma_wait3A_510 = arith.constant 2 : i32
    %dma_wait3A_511 = arith.constant 0 : i32
    %dma_wait3A_512 = arith.constant 0 : i32
    %dma_wait3A_513 = tpu.memref_slice %arg6[%arg1, %dma_wait3A_510, %dma_wait3A_511, %dma_wait3A_512] : memref<16x3x8x2048xf32, #tpu.memory_space<vmem_shared>> -> memref<1x1x8x2048xf32, #tpu.memory_space<vmem_shared>>
    %dma_wait3A_514 = tpu.memref_squeeze %dma_wait3A_513 : memref<1x1x8x2048xf32, #tpu.memory_space<vmem_shared>> -> memref<8x2048xf32, #tpu.memory_space<vmem_shared>>
    %dma_wait3A_515 = arith.constant 0 : i32
    %dma_wait3A_516 = arith.constant 0 : i32
    %dma_wait3A_517 = tpu.memref_slice %arg6[%arg1, %dma_wait3A_510, %dma_wait3A_515, %dma_wait3A_516] : memref<16x3x8x2048xf32, #tpu.memory_space<vmem_shared>> -> memref<1x1x8x2048xf32, #tpu.memory_space<vmem_shared>>
    %dma_wait3A_518 = tpu.memref_squeeze %dma_wait3A_517 : memref<1x1x8x2048xf32, #tpu.memory_space<vmem_shared>> -> memref<8x2048xf32, #tpu.memory_space<vmem_shared>>
    tpu.wait_dma2 semaphore(%arg18 : memref<!tpu.dma_semaphore, #tpu.memory_space<semaphore_mem>>) src(%arg10 : memref<8x2048xf32, #tpu.memory_space<vmem>>) dst(%dma_wait3A_518 : memref<8x2048xf32, #tpu.memory_space<vmem_shared>>)
    %add3A_519 = arith.constant 120 : i32
    %add3A_520 = arith.addi %mul3A_2, %add3A_519 : i32
    %dma_start3A_521 = arith.constant 2 : i32
    %dma_start3A_522 = arith.constant 0 : i32
    %dma_start3A_523 = tpu.memref_slice %arg4[%add3A_520, %dma_start3A_522] : memref<8192x2048xf32, #tpu.memory_space<hbm>> -> memref<8x2048xf32, #tpu.memory_space<hbm>>
    %dma_start3A_524 = arith.constant 0 : i32
    %dma_start3A_525 = arith.constant 0 : i32
    %dma_start3A_526 = tpu.memref_slice %arg6[%arg1, %dma_start3A_521, %dma_start3A_524, %dma_start3A_525] : memref<16x3x8x2048xf32, #tpu.memory_space<vmem_shared>> -> memref<1x1x8x2048xf32, #tpu.memory_space<vmem_shared>>
    %dma_start3A_527 = tpu.memref_squeeze %dma_start3A_526 : memref<1x1x8x2048xf32, #tpu.memory_space<vmem_shared>> -> memref<8x2048xf32, #tpu.memory_space<vmem_shared>>
    tpu.enqueue_dma source(%dma_start3A_527 : memref<8x2048xf32, #tpu.memory_space<vmem_shared>>) target(%dma_start3A_523 : memref<8x2048xf32, #tpu.memory_space<hbm>>) target_semaphore(%arg25 : memref<!tpu.dma_semaphore, #tpu.memory_space<semaphore_mem>>)
    %dma_start3A_528 = arith.constant 152 : i32
    %dma_start3A_529 = tpu.memref_slice %arg5[%dma_start3A_528] : memref<256xi32, #tpu.memory_space<vmem>> -> memref<8xi32, #tpu.memory_space<vmem>>
    %dma_start3A_530 = arith.constant 0 : i32
    %dma_start3A_531 = arith.constant 0 : i32
    %dma_start3A_532 = tpu.memref_slice %arg2[%dma_start3A_530, %dma_start3A_531] : memref<65024x2048xf32, #tpu.memory_space<hbm>> -> memref<65024x2048xf32, #tpu.memory_space<hbm>>
    tpu.enqueue_indirect_dma source(%dma_start3A_532 : memref<65024x2048xf32, #tpu.memory_space<hbm>>) target(%arg10 : memref<8x2048xf32, #tpu.memory_space<vmem>>) offsets(%dma_start3A_529 : memref<8xi32, #tpu.memory_space<vmem>>) semaphore(%arg14 : memref<!tpu.dma_semaphore, #tpu.memory_space<semaphore_mem>>)
    %dma_wait3A_533 = arith.constant 136 : i32
    %dma_wait3A_534 = tpu.memref_slice %arg5[%dma_wait3A_533] : memref<256xi32, #tpu.memory_space<vmem>> -> memref<8xi32, #tpu.memory_space<vmem>>
    %dma_wait3A_535 = arith.constant 0 : i32
    %dma_wait3A_536 = arith.constant 0 : i32
    %dma_wait3A_537 = tpu.memref_slice %arg2[%dma_wait3A_535, %dma_wait3A_536] : memref<65024x2048xf32, #tpu.memory_space<hbm>> -> memref<65024x2048xf32, #tpu.memory_space<hbm>>
    tpu.wait_indirect_dma semaphore(%arg12 : memref<!tpu.dma_semaphore, #tpu.memory_space<semaphore_mem>>) src(%dma_wait3A_537 : memref<65024x2048xf32, #tpu.memory_space<hbm>>) dst(%arg8 : memref<8x2048xf32, #tpu.memory_space<vmem>>)
    %add3A_538 = arith.constant 136 : i32
    %add3A_539 = arith.addi %mul3A_2, %add3A_538 : i32
    %dma_start3A_540 = arith.constant 0 : i32
    %dma_start3A_541 = tpu.memref_slice %arg4[%add3A_539, %dma_start3A_540] : memref<8192x2048xf32, #tpu.memory_space<hbm>> -> memref<8x2048xf32, #tpu.memory_space<hbm>>
    %dma_start3A_542 = arith.constant 0 : i32
    %dma_start3A_543 = tpu.memref_slice %arg4[%add3A_539, %dma_start3A_542] : memref<8192x2048xf32, #tpu.memory_space<hbm>> -> memref<8x2048xf32, #tpu.memory_space<hbm>>
    tpu.enqueue_dma source(%arg8 : memref<8x2048xf32, #tpu.memory_space<vmem>>) target(%dma_start3A_543 : memref<8x2048xf32, #tpu.memory_space<hbm>>) target_semaphore(%arg20 : memref<!tpu.dma_semaphore, #tpu.memory_space<semaphore_mem>>)
    %add3A_544 = arith.constant 128 : i32
    %add3A_545 = arith.addi %mul3A_2, %add3A_544 : i32
    %dma_wait3A_546 = arith.constant 0 : i32
    %dma_wait3A_547 = tpu.memref_slice %arg4[%add3A_545, %dma_wait3A_546] : memref<8192x2048xf32, #tpu.memory_space<hbm>> -> memref<8x2048xf32, #tpu.memory_space<hbm>>
    %dma_wait3A_548 = arith.constant 0 : i32
    %dma_wait3A_549 = tpu.memref_slice %arg4[%add3A_545, %dma_wait3A_548] : memref<8192x2048xf32, #tpu.memory_space<hbm>> -> memref<8x2048xf32, #tpu.memory_space<hbm>>
    tpu.wait_dma2 semaphore(%arg19 : memref<!tpu.dma_semaphore, #tpu.memory_space<semaphore_mem>>) src(%arg7 : memref<8x2048xf32, #tpu.memory_space<vmem>>) dst(%dma_wait3A_549 : memref<8x2048xf32, #tpu.memory_space<hbm>>)
    %dma_start3A_550 = arith.constant 160 : i32
    %dma_start3A_551 = tpu.memref_slice %arg5[%dma_start3A_550] : memref<256xi32, #tpu.memory_space<vmem>> -> memref<8xi32, #tpu.memory_space<vmem>>
    %dma_start3A_552 = arith.constant 0 : i32
    %dma_start3A_553 = arith.constant 0 : i32
    %dma_start3A_554 = tpu.memref_slice %arg2[%dma_start3A_552, %dma_start3A_553] : memref<65024x2048xf32, #tpu.memory_space<hbm>> -> memref<65024x2048xf32, #tpu.memory_space<hbm>>
    tpu.enqueue_indirect_dma source(%dma_start3A_554 : memref<65024x2048xf32, #tpu.memory_space<hbm>>) target(%arg7 : memref<8x2048xf32, #tpu.memory_space<vmem>>) offsets(%dma_start3A_551 : memref<8xi32, #tpu.memory_space<vmem>>) semaphore(%arg11 : memref<!tpu.dma_semaphore, #tpu.memory_space<semaphore_mem>>)
    %add3A_555 = arith.constant 72 : i32
    %add3A_556 = arith.addi %mul3A_2, %add3A_555 : i32
    %dma_wait3A_557 = arith.constant 0 : i32
    %dma_wait3A_558 = arith.constant 0 : i32
    %dma_wait3A_559 = tpu.memref_slice %arg4[%add3A_556, %dma_wait3A_558] : memref<8192x2048xf32, #tpu.memory_space<hbm>> -> memref<8x2048xf32, #tpu.memory_space<hbm>>
    %dma_wait3A_560 = arith.constant 0 : i32
    %dma_wait3A_561 = arith.constant 0 : i32
    %dma_wait3A_562 = tpu.memref_slice %arg6[%arg1, %dma_wait3A_557, %dma_wait3A_560, %dma_wait3A_561] : memref<16x3x8x2048xf32, #tpu.memory_space<vmem_shared>> -> memref<1x1x8x2048xf32, #tpu.memory_space<vmem_shared>>
    %dma_wait3A_563 = tpu.memref_squeeze %dma_wait3A_562 : memref<1x1x8x2048xf32, #tpu.memory_space<vmem_shared>> -> memref<8x2048xf32, #tpu.memory_space<vmem_shared>>
    tpu.wait_dma2 semaphore(%arg23 : memref<!tpu.dma_semaphore, #tpu.memory_space<semaphore_mem>>) src(%dma_wait3A_563 : memref<8x2048xf32, #tpu.memory_space<vmem_shared>>) dst(%dma_wait3A_559 : memref<8x2048xf32, #tpu.memory_space<hbm>>)
    %dma_wait3A_564 = arith.constant 144 : i32
    %dma_wait3A_565 = tpu.memref_slice %arg5[%dma_wait3A_564] : memref<256xi32, #tpu.memory_space<vmem>> -> memref<8xi32, #tpu.memory_space<vmem>>
    %dma_wait3A_566 = arith.constant 0 : i32
    %dma_wait3A_567 = arith.constant 0 : i32
    %dma_wait3A_568 = tpu.memref_slice %arg2[%dma_wait3A_566, %dma_wait3A_567] : memref<65024x2048xf32, #tpu.memory_space<hbm>> -> memref<65024x2048xf32, #tpu.memory_space<hbm>>
    tpu.wait_indirect_dma semaphore(%arg13 : memref<!tpu.dma_semaphore, #tpu.memory_space<semaphore_mem>>) src(%dma_wait3A_568 : memref<65024x2048xf32, #tpu.memory_space<hbm>>) dst(%arg9 : memref<8x2048xf32, #tpu.memory_space<vmem>>)
    %dma_start3A_569 = arith.constant 0 : i32
    %dma_start3A_570 = arith.constant 0 : i32
    %dma_start3A_571 = arith.constant 0 : i32
    %dma_start3A_572 = tpu.memref_slice %arg6[%arg1, %dma_start3A_569, %dma_start3A_570, %dma_start3A_571] : memref<16x3x8x2048xf32, #tpu.memory_space<vmem_shared>> -> memref<1x1x8x2048xf32, #tpu.memory_space<vmem_shared>>
    %dma_start3A_573 = tpu.memref_squeeze %dma_start3A_572 : memref<1x1x8x2048xf32, #tpu.memory_space<vmem_shared>> -> memref<8x2048xf32, #tpu.memory_space<vmem_shared>>
    %dma_start3A_574 = arith.constant 0 : i32
    %dma_start3A_575 = arith.constant 0 : i32
    %dma_start3A_576 = tpu.memref_slice %arg6[%arg1, %dma_start3A_569, %dma_start3A_574, %dma_start3A_575] : memref<16x3x8x2048xf32, #tpu.memory_space<vmem_shared>> -> memref<1x1x8x2048xf32, #tpu.memory_space<vmem_shared>>
    %dma_start3A_577 = tpu.memref_squeeze %dma_start3A_576 : memref<1x1x8x2048xf32, #tpu.memory_space<vmem_shared>> -> memref<8x2048xf32, #tpu.memory_space<vmem_shared>>
    tpu.enqueue_dma source(%arg9 : memref<8x2048xf32, #tpu.memory_space<vmem>>) target(%dma_start3A_577 : memref<8x2048xf32, #tpu.memory_space<vmem_shared>>) target_semaphore(%arg17 : memref<!tpu.dma_semaphore, #tpu.memory_space<semaphore_mem>>)
    %add3A_578 = arith.constant 136 : i32
    %add3A_579 = arith.addi %mul3A_2, %add3A_578 : i32
    %dma_wait3A_580 = arith.constant 0 : i32
    %dma_wait3A_581 = tpu.memref_slice %arg4[%add3A_579, %dma_wait3A_580] : memref<8192x2048xf32, #tpu.memory_space<hbm>> -> memref<8x2048xf32, #tpu.memory_space<hbm>>
    %dma_wait3A_582 = arith.constant 0 : i32
    %dma_wait3A_583 = tpu.memref_slice %arg4[%add3A_579, %dma_wait3A_582] : memref<8192x2048xf32, #tpu.memory_space<hbm>> -> memref<8x2048xf32, #tpu.memory_space<hbm>>
    tpu.wait_dma2 semaphore(%arg20 : memref<!tpu.dma_semaphore, #tpu.memory_space<semaphore_mem>>) src(%arg8 : memref<8x2048xf32, #tpu.memory_space<vmem>>) dst(%dma_wait3A_583 : memref<8x2048xf32, #tpu.memory_space<hbm>>)
    %dma_start3A_584 = arith.constant 168 : i32
    %dma_start3A_585 = tpu.memref_slice %arg5[%dma_start3A_584] : memref<256xi32, #tpu.memory_space<vmem>> -> memref<8xi32, #tpu.memory_space<vmem>>
    %dma_start3A_586 = arith.constant 0 : i32
    %dma_start3A_587 = arith.constant 0 : i32
    %dma_start3A_588 = tpu.memref_slice %arg2[%dma_start3A_586, %dma_start3A_587] : memref<65024x2048xf32, #tpu.memory_space<hbm>> -> memref<65024x2048xf32, #tpu.memory_space<hbm>>
    tpu.enqueue_indirect_dma source(%dma_start3A_588 : memref<65024x2048xf32, #tpu.memory_space<hbm>>) target(%arg8 : memref<8x2048xf32, #tpu.memory_space<vmem>>) offsets(%dma_start3A_585 : memref<8xi32, #tpu.memory_space<vmem>>) semaphore(%arg12 : memref<!tpu.dma_semaphore, #tpu.memory_space<semaphore_mem>>)
    %dma_wait3A_589 = arith.constant 152 : i32
    %dma_wait3A_590 = tpu.memref_slice %arg5[%dma_wait3A_589] : memref<256xi32, #tpu.memory_space<vmem>> -> memref<8xi32, #tpu.memory_space<vmem>>
    %dma_wait3A_591 = arith.constant 0 : i32
    %dma_wait3A_592 = arith.constant 0 : i32
    %dma_wait3A_593 = tpu.memref_slice %arg2[%dma_wait3A_591, %dma_wait3A_592] : memref<65024x2048xf32, #tpu.memory_space<hbm>> -> memref<65024x2048xf32, #tpu.memory_space<hbm>>
    tpu.wait_indirect_dma semaphore(%arg14 : memref<!tpu.dma_semaphore, #tpu.memory_space<semaphore_mem>>) src(%dma_wait3A_593 : memref<65024x2048xf32, #tpu.memory_space<hbm>>) dst(%arg10 : memref<8x2048xf32, #tpu.memory_space<vmem>>)
    %add3A_594 = arith.constant 152 : i32
    %add3A_595 = arith.addi %mul3A_2, %add3A_594 : i32
    %dma_start3A_596 = arith.constant 0 : i32
    %dma_start3A_597 = tpu.memref_slice %arg4[%add3A_595, %dma_start3A_596] : memref<8192x2048xf32, #tpu.memory_space<hbm>> -> memref<8x2048xf32, #tpu.memory_space<hbm>>
    %dma_start3A_598 = arith.constant 0 : i32
    %dma_start3A_599 = tpu.memref_slice %arg4[%add3A_595, %dma_start3A_598] : memref<8192x2048xf32, #tpu.memory_space<hbm>> -> memref<8x2048xf32, #tpu.memory_space<hbm>>
    tpu.enqueue_dma source(%arg10 : memref<8x2048xf32, #tpu.memory_space<vmem>>) target(%dma_start3A_599 : memref<8x2048xf32, #tpu.memory_space<hbm>>) target_semaphore(%arg22 : memref<!tpu.dma_semaphore, #tpu.memory_space<semaphore_mem>>)
    %dma_wait3A_600 = arith.constant 0 : i32
    %dma_wait3A_601 = arith.constant 0 : i32
    %dma_wait3A_602 = arith.constant 0 : i32
    %dma_wait3A_603 = tpu.memref_slice %arg6[%arg1, %dma_wait3A_600, %dma_wait3A_601, %dma_wait3A_602] : memref<16x3x8x2048xf32, #tpu.memory_space<vmem_shared>> -> memref<1x1x8x2048xf32, #tpu.memory_space<vmem_shared>>
    %dma_wait3A_604 = tpu.memref_squeeze %dma_wait3A_603 : memref<1x1x8x2048xf32, #tpu.memory_space<vmem_shared>> -> memref<8x2048xf32, #tpu.memory_space<vmem_shared>>
    %dma_wait3A_605 = arith.constant 0 : i32
    %dma_wait3A_606 = arith.constant 0 : i32
    %dma_wait3A_607 = tpu.memref_slice %arg6[%arg1, %dma_wait3A_600, %dma_wait3A_605, %dma_wait3A_606] : memref<16x3x8x2048xf32, #tpu.memory_space<vmem_shared>> -> memref<1x1x8x2048xf32, #tpu.memory_space<vmem_shared>>
    %dma_wait3A_608 = tpu.memref_squeeze %dma_wait3A_607 : memref<1x1x8x2048xf32, #tpu.memory_space<vmem_shared>> -> memref<8x2048xf32, #tpu.memory_space<vmem_shared>>
    tpu.wait_dma2 semaphore(%arg17 : memref<!tpu.dma_semaphore, #tpu.memory_space<semaphore_mem>>) src(%arg9 : memref<8x2048xf32, #tpu.memory_space<vmem>>) dst(%dma_wait3A_608 : memref<8x2048xf32, #tpu.memory_space<vmem_shared>>)
    %add3A_609 = arith.constant 144 : i32
    %add3A_610 = arith.addi %mul3A_2, %add3A_609 : i32
    %dma_start3A_611 = arith.constant 0 : i32
    %dma_start3A_612 = arith.constant 0 : i32
    %dma_start3A_613 = tpu.memref_slice %arg4[%add3A_610, %dma_start3A_612] : memref<8192x2048xf32, #tpu.memory_space<hbm>> -> memref<8x2048xf32, #tpu.memory_space<hbm>>
    %dma_start3A_614 = arith.constant 0 : i32
    %dma_start3A_615 = arith.constant 0 : i32
    %dma_start3A_616 = tpu.memref_slice %arg6[%arg1, %dma_start3A_611, %dma_start3A_614, %dma_start3A_615] : memref<16x3x8x2048xf32, #tpu.memory_space<vmem_shared>> -> memref<1x1x8x2048xf32, #tpu.memory_space<vmem_shared>>
    %dma_start3A_617 = tpu.memref_squeeze %dma_start3A_616 : memref<1x1x8x2048xf32, #tpu.memory_space<vmem_shared>> -> memref<8x2048xf32, #tpu.memory_space<vmem_shared>>
    tpu.enqueue_dma source(%dma_start3A_617 : memref<8x2048xf32, #tpu.memory_space<vmem_shared>>) target(%dma_start3A_613 : memref<8x2048xf32, #tpu.memory_space<hbm>>) target_semaphore(%arg23 : memref<!tpu.dma_semaphore, #tpu.memory_space<semaphore_mem>>)
    %dma_start3A_618 = arith.constant 176 : i32
    %dma_start3A_619 = tpu.memref_slice %arg5[%dma_start3A_618] : memref<256xi32, #tpu.memory_space<vmem>> -> memref<8xi32, #tpu.memory_space<vmem>>
    %dma_start3A_620 = arith.constant 0 : i32
    %dma_start3A_621 = arith.constant 0 : i32
    %dma_start3A_622 = tpu.memref_slice %arg2[%dma_start3A_620, %dma_start3A_621] : memref<65024x2048xf32, #tpu.memory_space<hbm>> -> memref<65024x2048xf32, #tpu.memory_space<hbm>>
    tpu.enqueue_indirect_dma source(%dma_start3A_622 : memref<65024x2048xf32, #tpu.memory_space<hbm>>) target(%arg9 : memref<8x2048xf32, #tpu.memory_space<vmem>>) offsets(%dma_start3A_619 : memref<8xi32, #tpu.memory_space<vmem>>) semaphore(%arg13 : memref<!tpu.dma_semaphore, #tpu.memory_space<semaphore_mem>>)
    %dma_wait3A_623 = arith.constant 160 : i32
    %dma_wait3A_624 = tpu.memref_slice %arg5[%dma_wait3A_623] : memref<256xi32, #tpu.memory_space<vmem>> -> memref<8xi32, #tpu.memory_space<vmem>>
    %dma_wait3A_625 = arith.constant 0 : i32
    %dma_wait3A_626 = arith.constant 0 : i32
    %dma_wait3A_627 = tpu.memref_slice %arg2[%dma_wait3A_625, %dma_wait3A_626] : memref<65024x2048xf32, #tpu.memory_space<hbm>> -> memref<65024x2048xf32, #tpu.memory_space<hbm>>
    tpu.wait_indirect_dma semaphore(%arg11 : memref<!tpu.dma_semaphore, #tpu.memory_space<semaphore_mem>>) src(%dma_wait3A_627 : memref<65024x2048xf32, #tpu.memory_space<hbm>>) dst(%arg7 : memref<8x2048xf32, #tpu.memory_space<vmem>>)
    %add3A_628 = arith.constant 160 : i32
    %add3A_629 = arith.addi %mul3A_2, %add3A_628 : i32
    %dma_start3A_630 = arith.constant 0 : i32
    %dma_start3A_631 = tpu.memref_slice %arg4[%add3A_629, %dma_start3A_630] : memref<8192x2048xf32, #tpu.memory_space<hbm>> -> memref<8x2048xf32, #tpu.memory_space<hbm>>
    %dma_start3A_632 = arith.constant 0 : i32
    %dma_start3A_633 = tpu.memref_slice %arg4[%add3A_629, %dma_start3A_632] : memref<8192x2048xf32, #tpu.memory_space<hbm>> -> memref<8x2048xf32, #tpu.memory_space<hbm>>
    tpu.enqueue_dma source(%arg7 : memref<8x2048xf32, #tpu.memory_space<vmem>>) target(%dma_start3A_633 : memref<8x2048xf32, #tpu.memory_space<hbm>>) target_semaphore(%arg19 : memref<!tpu.dma_semaphore, #tpu.memory_space<semaphore_mem>>)
    %add3A_634 = arith.constant 152 : i32
    %add3A_635 = arith.addi %mul3A_2, %add3A_634 : i32
    %dma_wait3A_636 = arith.constant 0 : i32
    %dma_wait3A_637 = tpu.memref_slice %arg4[%add3A_635, %dma_wait3A_636] : memref<8192x2048xf32, #tpu.memory_space<hbm>> -> memref<8x2048xf32, #tpu.memory_space<hbm>>
    %dma_wait3A_638 = arith.constant 0 : i32
    %dma_wait3A_639 = tpu.memref_slice %arg4[%add3A_635, %dma_wait3A_638] : memref<8192x2048xf32, #tpu.memory_space<hbm>> -> memref<8x2048xf32, #tpu.memory_space<hbm>>
    tpu.wait_dma2 semaphore(%arg22 : memref<!tpu.dma_semaphore, #tpu.memory_space<semaphore_mem>>) src(%arg10 : memref<8x2048xf32, #tpu.memory_space<vmem>>) dst(%dma_wait3A_639 : memref<8x2048xf32, #tpu.memory_space<hbm>>)
    %dma_start3A_640 = arith.constant 184 : i32
    %dma_start3A_641 = tpu.memref_slice %arg5[%dma_start3A_640] : memref<256xi32, #tpu.memory_space<vmem>> -> memref<8xi32, #tpu.memory_space<vmem>>
    %dma_start3A_642 = arith.constant 0 : i32
    %dma_start3A_643 = arith.constant 0 : i32
    %dma_start3A_644 = tpu.memref_slice %arg2[%dma_start3A_642, %dma_start3A_643] : memref<65024x2048xf32, #tpu.memory_space<hbm>> -> memref<65024x2048xf32, #tpu.memory_space<hbm>>
    tpu.enqueue_indirect_dma source(%dma_start3A_644 : memref<65024x2048xf32, #tpu.memory_space<hbm>>) target(%arg10 : memref<8x2048xf32, #tpu.memory_space<vmem>>) offsets(%dma_start3A_641 : memref<8xi32, #tpu.memory_space<vmem>>) semaphore(%arg14 : memref<!tpu.dma_semaphore, #tpu.memory_space<semaphore_mem>>)
    %add3A_645 = arith.constant 96 : i32
    %add3A_646 = arith.addi %mul3A_2, %add3A_645 : i32
    %dma_wait3A_647 = arith.constant 1 : i32
    %dma_wait3A_648 = arith.constant 0 : i32
    %dma_wait3A_649 = tpu.memref_slice %arg4[%add3A_646, %dma_wait3A_648] : memref<8192x2048xf32, #tpu.memory_space<hbm>> -> memref<8x2048xf32, #tpu.memory_space<hbm>>
    %dma_wait3A_650 = arith.constant 0 : i32
    %dma_wait3A_651 = arith.constant 0 : i32
    %dma_wait3A_652 = tpu.memref_slice %arg6[%arg1, %dma_wait3A_647, %dma_wait3A_650, %dma_wait3A_651] : memref<16x3x8x2048xf32, #tpu.memory_space<vmem_shared>> -> memref<1x1x8x2048xf32, #tpu.memory_space<vmem_shared>>
    %dma_wait3A_653 = tpu.memref_squeeze %dma_wait3A_652 : memref<1x1x8x2048xf32, #tpu.memory_space<vmem_shared>> -> memref<8x2048xf32, #tpu.memory_space<vmem_shared>>
    tpu.wait_dma2 semaphore(%arg24 : memref<!tpu.dma_semaphore, #tpu.memory_space<semaphore_mem>>) src(%dma_wait3A_653 : memref<8x2048xf32, #tpu.memory_space<vmem_shared>>) dst(%dma_wait3A_649 : memref<8x2048xf32, #tpu.memory_space<hbm>>)
    %dma_wait3A_654 = arith.constant 168 : i32
    %dma_wait3A_655 = tpu.memref_slice %arg5[%dma_wait3A_654] : memref<256xi32, #tpu.memory_space<vmem>> -> memref<8xi32, #tpu.memory_space<vmem>>
    %dma_wait3A_656 = arith.constant 0 : i32
    %dma_wait3A_657 = arith.constant 0 : i32
    %dma_wait3A_658 = tpu.memref_slice %arg2[%dma_wait3A_656, %dma_wait3A_657] : memref<65024x2048xf32, #tpu.memory_space<hbm>> -> memref<65024x2048xf32, #tpu.memory_space<hbm>>
    tpu.wait_indirect_dma semaphore(%arg12 : memref<!tpu.dma_semaphore, #tpu.memory_space<semaphore_mem>>) src(%dma_wait3A_658 : memref<65024x2048xf32, #tpu.memory_space<hbm>>) dst(%arg8 : memref<8x2048xf32, #tpu.memory_space<vmem>>)
    %dma_start3A_659 = arith.constant 1 : i32
    %dma_start3A_660 = arith.constant 0 : i32
    %dma_start3A_661 = arith.constant 0 : i32
    %dma_start3A_662 = tpu.memref_slice %arg6[%arg1, %dma_start3A_659, %dma_start3A_660, %dma_start3A_661] : memref<16x3x8x2048xf32, #tpu.memory_space<vmem_shared>> -> memref<1x1x8x2048xf32, #tpu.memory_space<vmem_shared>>
    %dma_start3A_663 = tpu.memref_squeeze %dma_start3A_662 : memref<1x1x8x2048xf32, #tpu.memory_space<vmem_shared>> -> memref<8x2048xf32, #tpu.memory_space<vmem_shared>>
    %dma_start3A_664 = arith.constant 0 : i32
    %dma_start3A_665 = arith.constant 0 : i32
    %dma_start3A_666 = tpu.memref_slice %arg6[%arg1, %dma_start3A_659, %dma_start3A_664, %dma_start3A_665] : memref<16x3x8x2048xf32, #tpu.memory_space<vmem_shared>> -> memref<1x1x8x2048xf32, #tpu.memory_space<vmem_shared>>
    %dma_start3A_667 = tpu.memref_squeeze %dma_start3A_666 : memref<1x1x8x2048xf32, #tpu.memory_space<vmem_shared>> -> memref<8x2048xf32, #tpu.memory_space<vmem_shared>>
    tpu.enqueue_dma source(%arg8 : memref<8x2048xf32, #tpu.memory_space<vmem>>) target(%dma_start3A_667 : memref<8x2048xf32, #tpu.memory_space<vmem_shared>>) target_semaphore(%arg16 : memref<!tpu.dma_semaphore, #tpu.memory_space<semaphore_mem>>)
    %add3A_668 = arith.constant 160 : i32
    %add3A_669 = arith.addi %mul3A_2, %add3A_668 : i32
    %dma_wait3A_670 = arith.constant 0 : i32
    %dma_wait3A_671 = tpu.memref_slice %arg4[%add3A_669, %dma_wait3A_670] : memref<8192x2048xf32, #tpu.memory_space<hbm>> -> memref<8x2048xf32, #tpu.memory_space<hbm>>
    %dma_wait3A_672 = arith.constant 0 : i32
    %dma_wait3A_673 = tpu.memref_slice %arg4[%add3A_669, %dma_wait3A_672] : memref<8192x2048xf32, #tpu.memory_space<hbm>> -> memref<8x2048xf32, #tpu.memory_space<hbm>>
    tpu.wait_dma2 semaphore(%arg19 : memref<!tpu.dma_semaphore, #tpu.memory_space<semaphore_mem>>) src(%arg7 : memref<8x2048xf32, #tpu.memory_space<vmem>>) dst(%dma_wait3A_673 : memref<8x2048xf32, #tpu.memory_space<hbm>>)
    %dma_start3A_674 = arith.constant 192 : i32
    %dma_start3A_675 = tpu.memref_slice %arg5[%dma_start3A_674] : memref<256xi32, #tpu.memory_space<vmem>> -> memref<8xi32, #tpu.memory_space<vmem>>
    %dma_start3A_676 = arith.constant 0 : i32
    %dma_start3A_677 = arith.constant 0 : i32
    %dma_start3A_678 = tpu.memref_slice %arg2[%dma_start3A_676, %dma_start3A_677] : memref<65024x2048xf32, #tpu.memory_space<hbm>> -> memref<65024x2048xf32, #tpu.memory_space<hbm>>
    tpu.enqueue_indirect_dma source(%dma_start3A_678 : memref<65024x2048xf32, #tpu.memory_space<hbm>>) target(%arg7 : memref<8x2048xf32, #tpu.memory_space<vmem>>) offsets(%dma_start3A_675 : memref<8xi32, #tpu.memory_space<vmem>>) semaphore(%arg11 : memref<!tpu.dma_semaphore, #tpu.memory_space<semaphore_mem>>)
    %dma_wait3A_679 = arith.constant 176 : i32
    %dma_wait3A_680 = tpu.memref_slice %arg5[%dma_wait3A_679] : memref<256xi32, #tpu.memory_space<vmem>> -> memref<8xi32, #tpu.memory_space<vmem>>
    %dma_wait3A_681 = arith.constant 0 : i32
    %dma_wait3A_682 = arith.constant 0 : i32
    %dma_wait3A_683 = tpu.memref_slice %arg2[%dma_wait3A_681, %dma_wait3A_682] : memref<65024x2048xf32, #tpu.memory_space<hbm>> -> memref<65024x2048xf32, #tpu.memory_space<hbm>>
    tpu.wait_indirect_dma semaphore(%arg13 : memref<!tpu.dma_semaphore, #tpu.memory_space<semaphore_mem>>) src(%dma_wait3A_683 : memref<65024x2048xf32, #tpu.memory_space<hbm>>) dst(%arg9 : memref<8x2048xf32, #tpu.memory_space<vmem>>)
    %add3A_684 = arith.constant 176 : i32
    %add3A_685 = arith.addi %mul3A_2, %add3A_684 : i32
    %dma_start3A_686 = arith.constant 0 : i32
    %dma_start3A_687 = tpu.memref_slice %arg4[%add3A_685, %dma_start3A_686] : memref<8192x2048xf32, #tpu.memory_space<hbm>> -> memref<8x2048xf32, #tpu.memory_space<hbm>>
    %dma_start3A_688 = arith.constant 0 : i32
    %dma_start3A_689 = tpu.memref_slice %arg4[%add3A_685, %dma_start3A_688] : memref<8192x2048xf32, #tpu.memory_space<hbm>> -> memref<8x2048xf32, #tpu.memory_space<hbm>>
    tpu.enqueue_dma source(%arg9 : memref<8x2048xf32, #tpu.memory_space<vmem>>) target(%dma_start3A_689 : memref<8x2048xf32, #tpu.memory_space<hbm>>) target_semaphore(%arg21 : memref<!tpu.dma_semaphore, #tpu.memory_space<semaphore_mem>>)
    %dma_wait3A_690 = arith.constant 1 : i32
    %dma_wait3A_691 = arith.constant 0 : i32
    %dma_wait3A_692 = arith.constant 0 : i32
    %dma_wait3A_693 = tpu.memref_slice %arg6[%arg1, %dma_wait3A_690, %dma_wait3A_691, %dma_wait3A_692] : memref<16x3x8x2048xf32, #tpu.memory_space<vmem_shared>> -> memref<1x1x8x2048xf32, #tpu.memory_space<vmem_shared>>
    %dma_wait3A_694 = tpu.memref_squeeze %dma_wait3A_693 : memref<1x1x8x2048xf32, #tpu.memory_space<vmem_shared>> -> memref<8x2048xf32, #tpu.memory_space<vmem_shared>>
    %dma_wait3A_695 = arith.constant 0 : i32
    %dma_wait3A_696 = arith.constant 0 : i32
    %dma_wait3A_697 = tpu.memref_slice %arg6[%arg1, %dma_wait3A_690, %dma_wait3A_695, %dma_wait3A_696] : memref<16x3x8x2048xf32, #tpu.memory_space<vmem_shared>> -> memref<1x1x8x2048xf32, #tpu.memory_space<vmem_shared>>
    %dma_wait3A_698 = tpu.memref_squeeze %dma_wait3A_697 : memref<1x1x8x2048xf32, #tpu.memory_space<vmem_shared>> -> memref<8x2048xf32, #tpu.memory_space<vmem_shared>>
    tpu.wait_dma2 semaphore(%arg16 : memref<!tpu.dma_semaphore, #tpu.memory_space<semaphore_mem>>) src(%arg8 : memref<8x2048xf32, #tpu.memory_space<vmem>>) dst(%dma_wait3A_698 : memref<8x2048xf32, #tpu.memory_space<vmem_shared>>)
    %add3A_699 = arith.constant 168 : i32
    %add3A_700 = arith.addi %mul3A_2, %add3A_699 : i32
    %dma_start3A_701 = arith.constant 1 : i32
    %dma_start3A_702 = arith.constant 0 : i32
    %dma_start3A_703 = tpu.memref_slice %arg4[%add3A_700, %dma_start3A_702] : memref<8192x2048xf32, #tpu.memory_space<hbm>> -> memref<8x2048xf32, #tpu.memory_space<hbm>>
    %dma_start3A_704 = arith.constant 0 : i32
    %dma_start3A_705 = arith.constant 0 : i32
    %dma_start3A_706 = tpu.memref_slice %arg6[%arg1, %dma_start3A_701, %dma_start3A_704, %dma_start3A_705] : memref<16x3x8x2048xf32, #tpu.memory_space<vmem_shared>> -> memref<1x1x8x2048xf32, #tpu.memory_space<vmem_shared>>
    %dma_start3A_707 = tpu.memref_squeeze %dma_start3A_706 : memref<1x1x8x2048xf32, #tpu.memory_space<vmem_shared>> -> memref<8x2048xf32, #tpu.memory_space<vmem_shared>>
    tpu.enqueue_dma source(%dma_start3A_707 : memref<8x2048xf32, #tpu.memory_space<vmem_shared>>) target(%dma_start3A_703 : memref<8x2048xf32, #tpu.memory_space<hbm>>) target_semaphore(%arg24 : memref<!tpu.dma_semaphore, #tpu.memory_space<semaphore_mem>>)
    %dma_start3A_708 = arith.constant 200 : i32
    %dma_start3A_709 = tpu.memref_slice %arg5[%dma_start3A_708] : memref<256xi32, #tpu.memory_space<vmem>> -> memref<8xi32, #tpu.memory_space<vmem>>
    %dma_start3A_710 = arith.constant 0 : i32
    %dma_start3A_711 = arith.constant 0 : i32
    %dma_start3A_712 = tpu.memref_slice %arg2[%dma_start3A_710, %dma_start3A_711] : memref<65024x2048xf32, #tpu.memory_space<hbm>> -> memref<65024x2048xf32, #tpu.memory_space<hbm>>
    tpu.enqueue_indirect_dma source(%dma_start3A_712 : memref<65024x2048xf32, #tpu.memory_space<hbm>>) target(%arg8 : memref<8x2048xf32, #tpu.memory_space<vmem>>) offsets(%dma_start3A_709 : memref<8xi32, #tpu.memory_space<vmem>>) semaphore(%arg12 : memref<!tpu.dma_semaphore, #tpu.memory_space<semaphore_mem>>)
    %dma_wait3A_713 = arith.constant 184 : i32
    %dma_wait3A_714 = tpu.memref_slice %arg5[%dma_wait3A_713] : memref<256xi32, #tpu.memory_space<vmem>> -> memref<8xi32, #tpu.memory_space<vmem>>
    %dma_wait3A_715 = arith.constant 0 : i32
    %dma_wait3A_716 = arith.constant 0 : i32
    %dma_wait3A_717 = tpu.memref_slice %arg2[%dma_wait3A_715, %dma_wait3A_716] : memref<65024x2048xf32, #tpu.memory_space<hbm>> -> memref<65024x2048xf32, #tpu.memory_space<hbm>>
    tpu.wait_indirect_dma semaphore(%arg14 : memref<!tpu.dma_semaphore, #tpu.memory_space<semaphore_mem>>) src(%dma_wait3A_717 : memref<65024x2048xf32, #tpu.memory_space<hbm>>) dst(%arg10 : memref<8x2048xf32, #tpu.memory_space<vmem>>)
    %add3A_718 = arith.constant 184 : i32
    %add3A_719 = arith.addi %mul3A_2, %add3A_718 : i32
    %dma_start3A_720 = arith.constant 0 : i32
    %dma_start3A_721 = tpu.memref_slice %arg4[%add3A_719, %dma_start3A_720] : memref<8192x2048xf32, #tpu.memory_space<hbm>> -> memref<8x2048xf32, #tpu.memory_space<hbm>>
    %dma_start3A_722 = arith.constant 0 : i32
    %dma_start3A_723 = tpu.memref_slice %arg4[%add3A_719, %dma_start3A_722] : memref<8192x2048xf32, #tpu.memory_space<hbm>> -> memref<8x2048xf32, #tpu.memory_space<hbm>>
    tpu.enqueue_dma source(%arg10 : memref<8x2048xf32, #tpu.memory_space<vmem>>) target(%dma_start3A_723 : memref<8x2048xf32, #tpu.memory_space<hbm>>) target_semaphore(%arg22 : memref<!tpu.dma_semaphore, #tpu.memory_space<semaphore_mem>>)
    %add3A_724 = arith.constant 176 : i32
    %add3A_725 = arith.addi %mul3A_2, %add3A_724 : i32
    %dma_wait3A_726 = arith.constant 0 : i32
    %dma_wait3A_727 = tpu.memref_slice %arg4[%add3A_725, %dma_wait3A_726] : memref<8192x2048xf32, #tpu.memory_space<hbm>> -> memref<8x2048xf32, #tpu.memory_space<hbm>>
    %dma_wait3A_728 = arith.constant 0 : i32
    %dma_wait3A_729 = tpu.memref_slice %arg4[%add3A_725, %dma_wait3A_728] : memref<8192x2048xf32, #tpu.memory_space<hbm>> -> memref<8x2048xf32, #tpu.memory_space<hbm>>
    tpu.wait_dma2 semaphore(%arg21 : memref<!tpu.dma_semaphore, #tpu.memory_space<semaphore_mem>>) src(%arg9 : memref<8x2048xf32, #tpu.memory_space<vmem>>) dst(%dma_wait3A_729 : memref<8x2048xf32, #tpu.memory_space<hbm>>)
    %dma_start3A_730 = arith.constant 208 : i32
    %dma_start3A_731 = tpu.memref_slice %arg5[%dma_start3A_730] : memref<256xi32, #tpu.memory_space<vmem>> -> memref<8xi32, #tpu.memory_space<vmem>>
    %dma_start3A_732 = arith.constant 0 : i32
    %dma_start3A_733 = arith.constant 0 : i32
    %dma_start3A_734 = tpu.memref_slice %arg2[%dma_start3A_732, %dma_start3A_733] : memref<65024x2048xf32, #tpu.memory_space<hbm>> -> memref<65024x2048xf32, #tpu.memory_space<hbm>>
    tpu.enqueue_indirect_dma source(%dma_start3A_734 : memref<65024x2048xf32, #tpu.memory_space<hbm>>) target(%arg9 : memref<8x2048xf32, #tpu.memory_space<vmem>>) offsets(%dma_start3A_731 : memref<8xi32, #tpu.memory_space<vmem>>) semaphore(%arg13 : memref<!tpu.dma_semaphore, #tpu.memory_space<semaphore_mem>>)
    %add3A_735 = arith.constant 120 : i32
    %add3A_736 = arith.addi %mul3A_2, %add3A_735 : i32
    %dma_wait3A_737 = arith.constant 2 : i32
    %dma_wait3A_738 = arith.constant 0 : i32
    %dma_wait3A_739 = tpu.memref_slice %arg4[%add3A_736, %dma_wait3A_738] : memref<8192x2048xf32, #tpu.memory_space<hbm>> -> memref<8x2048xf32, #tpu.memory_space<hbm>>
    %dma_wait3A_740 = arith.constant 0 : i32
    %dma_wait3A_741 = arith.constant 0 : i32
    %dma_wait3A_742 = tpu.memref_slice %arg6[%arg1, %dma_wait3A_737, %dma_wait3A_740, %dma_wait3A_741] : memref<16x3x8x2048xf32, #tpu.memory_space<vmem_shared>> -> memref<1x1x8x2048xf32, #tpu.memory_space<vmem_shared>>
    %dma_wait3A_743 = tpu.memref_squeeze %dma_wait3A_742 : memref<1x1x8x2048xf32, #tpu.memory_space<vmem_shared>> -> memref<8x2048xf32, #tpu.memory_space<vmem_shared>>
    tpu.wait_dma2 semaphore(%arg25 : memref<!tpu.dma_semaphore, #tpu.memory_space<semaphore_mem>>) src(%dma_wait3A_743 : memref<8x2048xf32, #tpu.memory_space<vmem_shared>>) dst(%dma_wait3A_739 : memref<8x2048xf32, #tpu.memory_space<hbm>>)
    %dma_wait3A_744 = arith.constant 192 : i32
    %dma_wait3A_745 = tpu.memref_slice %arg5[%dma_wait3A_744] : memref<256xi32, #tpu.memory_space<vmem>> -> memref<8xi32, #tpu.memory_space<vmem>>
    %dma_wait3A_746 = arith.constant 0 : i32
    %dma_wait3A_747 = arith.constant 0 : i32
    %dma_wait3A_748 = tpu.memref_slice %arg2[%dma_wait3A_746, %dma_wait3A_747] : memref<65024x2048xf32, #tpu.memory_space<hbm>> -> memref<65024x2048xf32, #tpu.memory_space<hbm>>
    tpu.wait_indirect_dma semaphore(%arg11 : memref<!tpu.dma_semaphore, #tpu.memory_space<semaphore_mem>>) src(%dma_wait3A_748 : memref<65024x2048xf32, #tpu.memory_space<hbm>>) dst(%arg7 : memref<8x2048xf32, #tpu.memory_space<vmem>>)
    %dma_start3A_749 = arith.constant 2 : i32
    %dma_start3A_750 = arith.constant 0 : i32
    %dma_start3A_751 = arith.constant 0 : i32
    %dma_start3A_752 = tpu.memref_slice %arg6[%arg1, %dma_start3A_749, %dma_start3A_750, %dma_start3A_751] : memref<16x3x8x2048xf32, #tpu.memory_space<vmem_shared>> -> memref<1x1x8x2048xf32, #tpu.memory_space<vmem_shared>>
    %dma_start3A_753 = tpu.memref_squeeze %dma_start3A_752 : memref<1x1x8x2048xf32, #tpu.memory_space<vmem_shared>> -> memref<8x2048xf32, #tpu.memory_space<vmem_shared>>
    %dma_start3A_754 = arith.constant 0 : i32
    %dma_start3A_755 = arith.constant 0 : i32
    %dma_start3A_756 = tpu.memref_slice %arg6[%arg1, %dma_start3A_749, %dma_start3A_754, %dma_start3A_755] : memref<16x3x8x2048xf32, #tpu.memory_space<vmem_shared>> -> memref<1x1x8x2048xf32, #tpu.memory_space<vmem_shared>>
    %dma_start3A_757 = tpu.memref_squeeze %dma_start3A_756 : memref<1x1x8x2048xf32, #tpu.memory_space<vmem_shared>> -> memref<8x2048xf32, #tpu.memory_space<vmem_shared>>
    tpu.enqueue_dma source(%arg7 : memref<8x2048xf32, #tpu.memory_space<vmem>>) target(%dma_start3A_757 : memref<8x2048xf32, #tpu.memory_space<vmem_shared>>) target_semaphore(%arg15 : memref<!tpu.dma_semaphore, #tpu.memory_space<semaphore_mem>>)
    %add3A_758 = arith.constant 184 : i32
    %add3A_759 = arith.addi %mul3A_2, %add3A_758 : i32
    %dma_wait3A_760 = arith.constant 0 : i32
    %dma_wait3A_761 = tpu.memref_slice %arg4[%add3A_759, %dma_wait3A_760] : memref<8192x2048xf32, #tpu.memory_space<hbm>> -> memref<8x2048xf32, #tpu.memory_space<hbm>>
    %dma_wait3A_762 = arith.constant 0 : i32
    %dma_wait3A_763 = tpu.memref_slice %arg4[%add3A_759, %dma_wait3A_762] : memref<8192x2048xf32, #tpu.memory_space<hbm>> -> memref<8x2048xf32, #tpu.memory_space<hbm>>
    tpu.wait_dma2 semaphore(%arg22 : memref<!tpu.dma_semaphore, #tpu.memory_space<semaphore_mem>>) src(%arg10 : memref<8x2048xf32, #tpu.memory_space<vmem>>) dst(%dma_wait3A_763 : memref<8x2048xf32, #tpu.memory_space<hbm>>)
    %dma_start3A_764 = arith.constant 216 : i32
    %dma_start3A_765 = tpu.memref_slice %arg5[%dma_start3A_764] : memref<256xi32, #tpu.memory_space<vmem>> -> memref<8xi32, #tpu.memory_space<vmem>>
    %dma_start3A_766 = arith.constant 0 : i32
    %dma_start3A_767 = arith.constant 0 : i32
    %dma_start3A_768 = tpu.memref_slice %arg2[%dma_start3A_766, %dma_start3A_767] : memref<65024x2048xf32, #tpu.memory_space<hbm>> -> memref<65024x2048xf32, #tpu.memory_space<hbm>>
    tpu.enqueue_indirect_dma source(%dma_start3A_768 : memref<65024x2048xf32, #tpu.memory_space<hbm>>) target(%arg10 : memref<8x2048xf32, #tpu.memory_space<vmem>>) offsets(%dma_start3A_765 : memref<8xi32, #tpu.memory_space<vmem>>) semaphore(%arg14 : memref<!tpu.dma_semaphore, #tpu.memory_space<semaphore_mem>>)
    %dma_wait3A_769 = arith.constant 200 : i32
    %dma_wait3A_770 = tpu.memref_slice %arg5[%dma_wait3A_769] : memref<256xi32, #tpu.memory_space<vmem>> -> memref<8xi32, #tpu.memory_space<vmem>>
    %dma_wait3A_771 = arith.constant 0 : i32
    %dma_wait3A_772 = arith.constant 0 : i32
    %dma_wait3A_773 = tpu.memref_slice %arg2[%dma_wait3A_771, %dma_wait3A_772] : memref<65024x2048xf32, #tpu.memory_space<hbm>> -> memref<65024x2048xf32, #tpu.memory_space<hbm>>
    tpu.wait_indirect_dma semaphore(%arg12 : memref<!tpu.dma_semaphore, #tpu.memory_space<semaphore_mem>>) src(%dma_wait3A_773 : memref<65024x2048xf32, #tpu.memory_space<hbm>>) dst(%arg8 : memref<8x2048xf32, #tpu.memory_space<vmem>>)
    %add3A_774 = arith.constant 200 : i32
    %add3A_775 = arith.addi %mul3A_2, %add3A_774 : i32
    %dma_start3A_776 = arith.constant 0 : i32
    %dma_start3A_777 = tpu.memref_slice %arg4[%add3A_775, %dma_start3A_776] : memref<8192x2048xf32, #tpu.memory_space<hbm>> -> memref<8x2048xf32, #tpu.memory_space<hbm>>
    %dma_start3A_778 = arith.constant 0 : i32
    %dma_start3A_779 = tpu.memref_slice %arg4[%add3A_775, %dma_start3A_778] : memref<8192x2048xf32, #tpu.memory_space<hbm>> -> memref<8x2048xf32, #tpu.memory_space<hbm>>
    tpu.enqueue_dma source(%arg8 : memref<8x2048xf32, #tpu.memory_space<vmem>>) target(%dma_start3A_779 : memref<8x2048xf32, #tpu.memory_space<hbm>>) target_semaphore(%arg20 : memref<!tpu.dma_semaphore, #tpu.memory_space<semaphore_mem>>)
    %dma_wait3A_780 = arith.constant 2 : i32
    %dma_wait3A_781 = arith.constant 0 : i32
    %dma_wait3A_782 = arith.constant 0 : i32
    %dma_wait3A_783 = tpu.memref_slice %arg6[%arg1, %dma_wait3A_780, %dma_wait3A_781, %dma_wait3A_782] : memref<16x3x8x2048xf32, #tpu.memory_space<vmem_shared>> -> memref<1x1x8x2048xf32, #tpu.memory_space<vmem_shared>>
    %dma_wait3A_784 = tpu.memref_squeeze %dma_wait3A_783 : memref<1x1x8x2048xf32, #tpu.memory_space<vmem_shared>> -> memref<8x2048xf32, #tpu.memory_space<vmem_shared>>
    %dma_wait3A_785 = arith.constant 0 : i32
    %dma_wait3A_786 = arith.constant 0 : i32
    %dma_wait3A_787 = tpu.memref_slice %arg6[%arg1, %dma_wait3A_780, %dma_wait3A_785, %dma_wait3A_786] : memref<16x3x8x2048xf32, #tpu.memory_space<vmem_shared>> -> memref<1x1x8x2048xf32, #tpu.memory_space<vmem_shared>>
    %dma_wait3A_788 = tpu.memref_squeeze %dma_wait3A_787 : memref<1x1x8x2048xf32, #tpu.memory_space<vmem_shared>> -> memref<8x2048xf32, #tpu.memory_space<vmem_shared>>
    tpu.wait_dma2 semaphore(%arg15 : memref<!tpu.dma_semaphore, #tpu.memory_space<semaphore_mem>>) src(%arg7 : memref<8x2048xf32, #tpu.memory_space<vmem>>) dst(%dma_wait3A_788 : memref<8x2048xf32, #tpu.memory_space<vmem_shared>>)
    %add3A_789 = arith.constant 192 : i32
    %add3A_790 = arith.addi %mul3A_2, %add3A_789 : i32
    %dma_start3A_791 = arith.constant 2 : i32
    %dma_start3A_792 = arith.constant 0 : i32
    %dma_start3A_793 = tpu.memref_slice %arg4[%add3A_790, %dma_start3A_792] : memref<8192x2048xf32, #tpu.memory_space<hbm>> -> memref<8x2048xf32, #tpu.memory_space<hbm>>
    %dma_start3A_794 = arith.constant 0 : i32
    %dma_start3A_795 = arith.constant 0 : i32
    %dma_start3A_796 = tpu.memref_slice %arg6[%arg1, %dma_start3A_791, %dma_start3A_794, %dma_start3A_795] : memref<16x3x8x2048xf32, #tpu.memory_space<vmem_shared>> -> memref<1x1x8x2048xf32, #tpu.memory_space<vmem_shared>>
    %dma_start3A_797 = tpu.memref_squeeze %dma_start3A_796 : memref<1x1x8x2048xf32, #tpu.memory_space<vmem_shared>> -> memref<8x2048xf32, #tpu.memory_space<vmem_shared>>
    tpu.enqueue_dma source(%dma_start3A_797 : memref<8x2048xf32, #tpu.memory_space<vmem_shared>>) target(%dma_start3A_793 : memref<8x2048xf32, #tpu.memory_space<hbm>>) target_semaphore(%arg25 : memref<!tpu.dma_semaphore, #tpu.memory_space<semaphore_mem>>)
    %dma_start3A_798 = arith.constant 224 : i32
    %dma_start3A_799 = tpu.memref_slice %arg5[%dma_start3A_798] : memref<256xi32, #tpu.memory_space<vmem>> -> memref<8xi32, #tpu.memory_space<vmem>>
    %dma_start3A_800 = arith.constant 0 : i32
    %dma_start3A_801 = arith.constant 0 : i32
    %dma_start3A_802 = tpu.memref_slice %arg2[%dma_start3A_800, %dma_start3A_801] : memref<65024x2048xf32, #tpu.memory_space<hbm>> -> memref<65024x2048xf32, #tpu.memory_space<hbm>>
    tpu.enqueue_indirect_dma source(%dma_start3A_802 : memref<65024x2048xf32, #tpu.memory_space<hbm>>) target(%arg7 : memref<8x2048xf32, #tpu.memory_space<vmem>>) offsets(%dma_start3A_799 : memref<8xi32, #tpu.memory_space<vmem>>) semaphore(%arg11 : memref<!tpu.dma_semaphore, #tpu.memory_space<semaphore_mem>>)
    %dma_wait3A_803 = arith.constant 208 : i32
    %dma_wait3A_804 = tpu.memref_slice %arg5[%dma_wait3A_803] : memref<256xi32, #tpu.memory_space<vmem>> -> memref<8xi32, #tpu.memory_space<vmem>>
    %dma_wait3A_805 = arith.constant 0 : i32
    %dma_wait3A_806 = arith.constant 0 : i32
    %dma_wait3A_807 = tpu.memref_slice %arg2[%dma_wait3A_805, %dma_wait3A_806] : memref<65024x2048xf32, #tpu.memory_space<hbm>> -> memref<65024x2048xf32, #tpu.memory_space<hbm>>
    tpu.wait_indirect_dma semaphore(%arg13 : memref<!tpu.dma_semaphore, #tpu.memory_space<semaphore_mem>>) src(%dma_wait3A_807 : memref<65024x2048xf32, #tpu.memory_space<hbm>>) dst(%arg9 : memref<8x2048xf32, #tpu.memory_space<vmem>>)
    %add3A_808 = arith.constant 208 : i32
    %add3A_809 = arith.addi %mul3A_2, %add3A_808 : i32
    %dma_start3A_810 = arith.constant 0 : i32
    %dma_start3A_811 = tpu.memref_slice %arg4[%add3A_809, %dma_start3A_810] : memref<8192x2048xf32, #tpu.memory_space<hbm>> -> memref<8x2048xf32, #tpu.memory_space<hbm>>
    %dma_start3A_812 = arith.constant 0 : i32
    %dma_start3A_813 = tpu.memref_slice %arg4[%add3A_809, %dma_start3A_812] : memref<8192x2048xf32, #tpu.memory_space<hbm>> -> memref<8x2048xf32, #tpu.memory_space<hbm>>
    tpu.enqueue_dma source(%arg9 : memref<8x2048xf32, #tpu.memory_space<vmem>>) target(%dma_start3A_813 : memref<8x2048xf32, #tpu.memory_space<hbm>>) target_semaphore(%arg21 : memref<!tpu.dma_semaphore, #tpu.memory_space<semaphore_mem>>)
    %add3A_814 = arith.constant 200 : i32
    %add3A_815 = arith.addi %mul3A_2, %add3A_814 : i32
    %dma_wait3A_816 = arith.constant 0 : i32
    %dma_wait3A_817 = tpu.memref_slice %arg4[%add3A_815, %dma_wait3A_816] : memref<8192x2048xf32, #tpu.memory_space<hbm>> -> memref<8x2048xf32, #tpu.memory_space<hbm>>
    %dma_wait3A_818 = arith.constant 0 : i32
    %dma_wait3A_819 = tpu.memref_slice %arg4[%add3A_815, %dma_wait3A_818] : memref<8192x2048xf32, #tpu.memory_space<hbm>> -> memref<8x2048xf32, #tpu.memory_space<hbm>>
    tpu.wait_dma2 semaphore(%arg20 : memref<!tpu.dma_semaphore, #tpu.memory_space<semaphore_mem>>) src(%arg8 : memref<8x2048xf32, #tpu.memory_space<vmem>>) dst(%dma_wait3A_819 : memref<8x2048xf32, #tpu.memory_space<hbm>>)
    %dma_start3A_820 = arith.constant 232 : i32
    %dma_start3A_821 = tpu.memref_slice %arg5[%dma_start3A_820] : memref<256xi32, #tpu.memory_space<vmem>> -> memref<8xi32, #tpu.memory_space<vmem>>
    %dma_start3A_822 = arith.constant 0 : i32
    %dma_start3A_823 = arith.constant 0 : i32
    %dma_start3A_824 = tpu.memref_slice %arg2[%dma_start3A_822, %dma_start3A_823] : memref<65024x2048xf32, #tpu.memory_space<hbm>> -> memref<65024x2048xf32, #tpu.memory_space<hbm>>
    tpu.enqueue_indirect_dma source(%dma_start3A_824 : memref<65024x2048xf32, #tpu.memory_space<hbm>>) target(%arg8 : memref<8x2048xf32, #tpu.memory_space<vmem>>) offsets(%dma_start3A_821 : memref<8xi32, #tpu.memory_space<vmem>>) semaphore(%arg12 : memref<!tpu.dma_semaphore, #tpu.memory_space<semaphore_mem>>)
    %add3A_825 = arith.constant 144 : i32
    %add3A_826 = arith.addi %mul3A_2, %add3A_825 : i32
    %dma_wait3A_827 = arith.constant 0 : i32
    %dma_wait3A_828 = arith.constant 0 : i32
    %dma_wait3A_829 = tpu.memref_slice %arg4[%add3A_826, %dma_wait3A_828] : memref<8192x2048xf32, #tpu.memory_space<hbm>> -> memref<8x2048xf32, #tpu.memory_space<hbm>>
    %dma_wait3A_830 = arith.constant 0 : i32
    %dma_wait3A_831 = arith.constant 0 : i32
    %dma_wait3A_832 = tpu.memref_slice %arg6[%arg1, %dma_wait3A_827, %dma_wait3A_830, %dma_wait3A_831] : memref<16x3x8x2048xf32, #tpu.memory_space<vmem_shared>> -> memref<1x1x8x2048xf32, #tpu.memory_space<vmem_shared>>
    %dma_wait3A_833 = tpu.memref_squeeze %dma_wait3A_832 : memref<1x1x8x2048xf32, #tpu.memory_space<vmem_shared>> -> memref<8x2048xf32, #tpu.memory_space<vmem_shared>>
    tpu.wait_dma2 semaphore(%arg23 : memref<!tpu.dma_semaphore, #tpu.memory_space<semaphore_mem>>) src(%dma_wait3A_833 : memref<8x2048xf32, #tpu.memory_space<vmem_shared>>) dst(%dma_wait3A_829 : memref<8x2048xf32, #tpu.memory_space<hbm>>)
    %dma_wait3A_834 = arith.constant 216 : i32
    %dma_wait3A_835 = tpu.memref_slice %arg5[%dma_wait3A_834] : memref<256xi32, #tpu.memory_space<vmem>> -> memref<8xi32, #tpu.memory_space<vmem>>
    %dma_wait3A_836 = arith.constant 0 : i32
    %dma_wait3A_837 = arith.constant 0 : i32
    %dma_wait3A_838 = tpu.memref_slice %arg2[%dma_wait3A_836, %dma_wait3A_837] : memref<65024x2048xf32, #tpu.memory_space<hbm>> -> memref<65024x2048xf32, #tpu.memory_space<hbm>>
    tpu.wait_indirect_dma semaphore(%arg14 : memref<!tpu.dma_semaphore, #tpu.memory_space<semaphore_mem>>) src(%dma_wait3A_838 : memref<65024x2048xf32, #tpu.memory_space<hbm>>) dst(%arg10 : memref<8x2048xf32, #tpu.memory_space<vmem>>)
    %dma_start3A_839 = arith.constant 0 : i32
    %dma_start3A_840 = arith.constant 0 : i32
    %dma_start3A_841 = arith.constant 0 : i32
    %dma_start3A_842 = tpu.memref_slice %arg6[%arg1, %dma_start3A_839, %dma_start3A_840, %dma_start3A_841] : memref<16x3x8x2048xf32, #tpu.memory_space<vmem_shared>> -> memref<1x1x8x2048xf32, #tpu.memory_space<vmem_shared>>
    %dma_start3A_843 = tpu.memref_squeeze %dma_start3A_842 : memref<1x1x8x2048xf32, #tpu.memory_space<vmem_shared>> -> memref<8x2048xf32, #tpu.memory_space<vmem_shared>>
    %dma_start3A_844 = arith.constant 0 : i32
    %dma_start3A_845 = arith.constant 0 : i32
    %dma_start3A_846 = tpu.memref_slice %arg6[%arg1, %dma_start3A_839, %dma_start3A_844, %dma_start3A_845] : memref<16x3x8x2048xf32, #tpu.memory_space<vmem_shared>> -> memref<1x1x8x2048xf32, #tpu.memory_space<vmem_shared>>
    %dma_start3A_847 = tpu.memref_squeeze %dma_start3A_846 : memref<1x1x8x2048xf32, #tpu.memory_space<vmem_shared>> -> memref<8x2048xf32, #tpu.memory_space<vmem_shared>>
    tpu.enqueue_dma source(%arg10 : memref<8x2048xf32, #tpu.memory_space<vmem>>) target(%dma_start3A_847 : memref<8x2048xf32, #tpu.memory_space<vmem_shared>>) target_semaphore(%arg18 : memref<!tpu.dma_semaphore, #tpu.memory_space<semaphore_mem>>)
    %add3A_848 = arith.constant 208 : i32
    %add3A_849 = arith.addi %mul3A_2, %add3A_848 : i32
    %dma_wait3A_850 = arith.constant 0 : i32
    %dma_wait3A_851 = tpu.memref_slice %arg4[%add3A_849, %dma_wait3A_850] : memref<8192x2048xf32, #tpu.memory_space<hbm>> -> memref<8x2048xf32, #tpu.memory_space<hbm>>
    %dma_wait3A_852 = arith.constant 0 : i32
    %dma_wait3A_853 = tpu.memref_slice %arg4[%add3A_849, %dma_wait3A_852] : memref<8192x2048xf32, #tpu.memory_space<hbm>> -> memref<8x2048xf32, #tpu.memory_space<hbm>>
    tpu.wait_dma2 semaphore(%arg21 : memref<!tpu.dma_semaphore, #tpu.memory_space<semaphore_mem>>) src(%arg9 : memref<8x2048xf32, #tpu.memory_space<vmem>>) dst(%dma_wait3A_853 : memref<8x2048xf32, #tpu.memory_space<hbm>>)
    %dma_start3A_854 = arith.constant 240 : i32
    %dma_start3A_855 = tpu.memref_slice %arg5[%dma_start3A_854] : memref<256xi32, #tpu.memory_space<vmem>> -> memref<8xi32, #tpu.memory_space<vmem>>
    %dma_start3A_856 = arith.constant 0 : i32
    %dma_start3A_857 = arith.constant 0 : i32
    %dma_start3A_858 = tpu.memref_slice %arg2[%dma_start3A_856, %dma_start3A_857] : memref<65024x2048xf32, #tpu.memory_space<hbm>> -> memref<65024x2048xf32, #tpu.memory_space<hbm>>
    tpu.enqueue_indirect_dma source(%dma_start3A_858 : memref<65024x2048xf32, #tpu.memory_space<hbm>>) target(%arg9 : memref<8x2048xf32, #tpu.memory_space<vmem>>) offsets(%dma_start3A_855 : memref<8xi32, #tpu.memory_space<vmem>>) semaphore(%arg13 : memref<!tpu.dma_semaphore, #tpu.memory_space<semaphore_mem>>)
    %dma_wait3A_859 = arith.constant 224 : i32
    %dma_wait3A_860 = tpu.memref_slice %arg5[%dma_wait3A_859] : memref<256xi32, #tpu.memory_space<vmem>> -> memref<8xi32, #tpu.memory_space<vmem>>
    %dma_wait3A_861 = arith.constant 0 : i32
    %dma_wait3A_862 = arith.constant 0 : i32
    %dma_wait3A_863 = tpu.memref_slice %arg2[%dma_wait3A_861, %dma_wait3A_862] : memref<65024x2048xf32, #tpu.memory_space<hbm>> -> memref<65024x2048xf32, #tpu.memory_space<hbm>>
    tpu.wait_indirect_dma semaphore(%arg11 : memref<!tpu.dma_semaphore, #tpu.memory_space<semaphore_mem>>) src(%dma_wait3A_863 : memref<65024x2048xf32, #tpu.memory_space<hbm>>) dst(%arg7 : memref<8x2048xf32, #tpu.memory_space<vmem>>)
    %add3A_864 = arith.constant 224 : i32
    %add3A_865 = arith.addi %mul3A_2, %add3A_864 : i32
    %dma_start3A_866 = arith.constant 0 : i32
    %dma_start3A_867 = tpu.memref_slice %arg4[%add3A_865, %dma_start3A_866] : memref<8192x2048xf32, #tpu.memory_space<hbm>> -> memref<8x2048xf32, #tpu.memory_space<hbm>>
    %dma_start3A_868 = arith.constant 0 : i32
    %dma_start3A_869 = tpu.memref_slice %arg4[%add3A_865, %dma_start3A_868] : memref<8192x2048xf32, #tpu.memory_space<hbm>> -> memref<8x2048xf32, #tpu.memory_space<hbm>>
    tpu.enqueue_dma source(%arg7 : memref<8x2048xf32, #tpu.memory_space<vmem>>) target(%dma_start3A_869 : memref<8x2048xf32, #tpu.memory_space<hbm>>) target_semaphore(%arg19 : memref<!tpu.dma_semaphore, #tpu.memory_space<semaphore_mem>>)
    %dma_wait3A_870 = arith.constant 0 : i32
    %dma_wait3A_871 = arith.constant 0 : i32
    %dma_wait3A_872 = arith.constant 0 : i32
    %dma_wait3A_873 = tpu.memref_slice %arg6[%arg1, %dma_wait3A_870, %dma_wait3A_871, %dma_wait3A_872] : memref<16x3x8x2048xf32, #tpu.memory_space<vmem_shared>> -> memref<1x1x8x2048xf32, #tpu.memory_space<vmem_shared>>
    %dma_wait3A_874 = tpu.memref_squeeze %dma_wait3A_873 : memref<1x1x8x2048xf32, #tpu.memory_space<vmem_shared>> -> memref<8x2048xf32, #tpu.memory_space<vmem_shared>>
    %dma_wait3A_875 = arith.constant 0 : i32
    %dma_wait3A_876 = arith.constant 0 : i32
    %dma_wait3A_877 = tpu.memref_slice %arg6[%arg1, %dma_wait3A_870, %dma_wait3A_875, %dma_wait3A_876] : memref<16x3x8x2048xf32, #tpu.memory_space<vmem_shared>> -> memref<1x1x8x2048xf32, #tpu.memory_space<vmem_shared>>
    %dma_wait3A_878 = tpu.memref_squeeze %dma_wait3A_877 : memref<1x1x8x2048xf32, #tpu.memory_space<vmem_shared>> -> memref<8x2048xf32, #tpu.memory_space<vmem_shared>>
    tpu.wait_dma2 semaphore(%arg18 : memref<!tpu.dma_semaphore, #tpu.memory_space<semaphore_mem>>) src(%arg10 : memref<8x2048xf32, #tpu.memory_space<vmem>>) dst(%dma_wait3A_878 : memref<8x2048xf32, #tpu.memory_space<vmem_shared>>)
    %add3A_879 = arith.constant 216 : i32
    %add3A_880 = arith.addi %mul3A_2, %add3A_879 : i32
    %dma_start3A_881 = arith.constant 0 : i32
    %dma_start3A_882 = arith.constant 0 : i32
    %dma_start3A_883 = tpu.memref_slice %arg4[%add3A_880, %dma_start3A_882] : memref<8192x2048xf32, #tpu.memory_space<hbm>> -> memref<8x2048xf32, #tpu.memory_space<hbm>>
    %dma_start3A_884 = arith.constant 0 : i32
    %dma_start3A_885 = arith.constant 0 : i32
    %dma_start3A_886 = tpu.memref_slice %arg6[%arg1, %dma_start3A_881, %dma_start3A_884, %dma_start3A_885] : memref<16x3x8x2048xf32, #tpu.memory_space<vmem_shared>> -> memref<1x1x8x2048xf32, #tpu.memory_space<vmem_shared>>
    %dma_start3A_887 = tpu.memref_squeeze %dma_start3A_886 : memref<1x1x8x2048xf32, #tpu.memory_space<vmem_shared>> -> memref<8x2048xf32, #tpu.memory_space<vmem_shared>>
    tpu.enqueue_dma source(%dma_start3A_887 : memref<8x2048xf32, #tpu.memory_space<vmem_shared>>) target(%dma_start3A_883 : memref<8x2048xf32, #tpu.memory_space<hbm>>) target_semaphore(%arg23 : memref<!tpu.dma_semaphore, #tpu.memory_space<semaphore_mem>>)
    %dma_start3A_888 = arith.constant 248 : i32
    %dma_start3A_889 = tpu.memref_slice %arg5[%dma_start3A_888] : memref<256xi32, #tpu.memory_space<vmem>> -> memref<8xi32, #tpu.memory_space<vmem>>
    %dma_start3A_890 = arith.constant 0 : i32
    %dma_start3A_891 = arith.constant 0 : i32
    %dma_start3A_892 = tpu.memref_slice %arg2[%dma_start3A_890, %dma_start3A_891] : memref<65024x2048xf32, #tpu.memory_space<hbm>> -> memref<65024x2048xf32, #tpu.memory_space<hbm>>
    tpu.enqueue_indirect_dma source(%dma_start3A_892 : memref<65024x2048xf32, #tpu.memory_space<hbm>>) target(%arg10 : memref<8x2048xf32, #tpu.memory_space<vmem>>) offsets(%dma_start3A_889 : memref<8xi32, #tpu.memory_space<vmem>>) semaphore(%arg14 : memref<!tpu.dma_semaphore, #tpu.memory_space<semaphore_mem>>)
    %dma_wait3A_893 = arith.constant 232 : i32
    %dma_wait3A_894 = tpu.memref_slice %arg5[%dma_wait3A_893] : memref<256xi32, #tpu.memory_space<vmem>> -> memref<8xi32, #tpu.memory_space<vmem>>
    %dma_wait3A_895 = arith.constant 0 : i32
    %dma_wait3A_896 = arith.constant 0 : i32
    %dma_wait3A_897 = tpu.memref_slice %arg2[%dma_wait3A_895, %dma_wait3A_896] : memref<65024x2048xf32, #tpu.memory_space<hbm>> -> memref<65024x2048xf32, #tpu.memory_space<hbm>>
    tpu.wait_indirect_dma semaphore(%arg12 : memref<!tpu.dma_semaphore, #tpu.memory_space<semaphore_mem>>) src(%dma_wait3A_897 : memref<65024x2048xf32, #tpu.memory_space<hbm>>) dst(%arg8 : memref<8x2048xf32, #tpu.memory_space<vmem>>)
    %add3A_898 = arith.constant 232 : i32
    %add3A_899 = arith.addi %mul3A_2, %add3A_898 : i32
    %dma_start3A_900 = arith.constant 0 : i32
    %dma_start3A_901 = tpu.memref_slice %arg4[%add3A_899, %dma_start3A_900] : memref<8192x2048xf32, #tpu.memory_space<hbm>> -> memref<8x2048xf32, #tpu.memory_space<hbm>>
    %dma_start3A_902 = arith.constant 0 : i32
    %dma_start3A_903 = tpu.memref_slice %arg4[%add3A_899, %dma_start3A_902] : memref<8192x2048xf32, #tpu.memory_space<hbm>> -> memref<8x2048xf32, #tpu.memory_space<hbm>>
    tpu.enqueue_dma source(%arg8 : memref<8x2048xf32, #tpu.memory_space<vmem>>) target(%dma_start3A_903 : memref<8x2048xf32, #tpu.memory_space<hbm>>) target_semaphore(%arg20 : memref<!tpu.dma_semaphore, #tpu.memory_space<semaphore_mem>>)
    %add3A_904 = arith.constant 224 : i32
    %add3A_905 = arith.addi %mul3A_2, %add3A_904 : i32
    %dma_wait3A_906 = arith.constant 0 : i32
    %dma_wait3A_907 = tpu.memref_slice %arg4[%add3A_905, %dma_wait3A_906] : memref<8192x2048xf32, #tpu.memory_space<hbm>> -> memref<8x2048xf32, #tpu.memory_space<hbm>>
    %dma_wait3A_908 = arith.constant 0 : i32
    %dma_wait3A_909 = tpu.memref_slice %arg4[%add3A_905, %dma_wait3A_908] : memref<8192x2048xf32, #tpu.memory_space<hbm>> -> memref<8x2048xf32, #tpu.memory_space<hbm>>
    tpu.wait_dma2 semaphore(%arg19 : memref<!tpu.dma_semaphore, #tpu.memory_space<semaphore_mem>>) src(%arg7 : memref<8x2048xf32, #tpu.memory_space<vmem>>) dst(%dma_wait3A_909 : memref<8x2048xf32, #tpu.memory_space<hbm>>)
    %add3A_910 = arith.constant 168 : i32
    %add3A_911 = arith.addi %mul3A_2, %add3A_910 : i32
    %dma_wait3A_912 = arith.constant 1 : i32
    %dma_wait3A_913 = arith.constant 0 : i32
    %dma_wait3A_914 = tpu.memref_slice %arg4[%add3A_911, %dma_wait3A_913] : memref<8192x2048xf32, #tpu.memory_space<hbm>> -> memref<8x2048xf32, #tpu.memory_space<hbm>>
    %dma_wait3A_915 = arith.constant 0 : i32
    %dma_wait3A_916 = arith.constant 0 : i32
    %dma_wait3A_917 = tpu.memref_slice %arg6[%arg1, %dma_wait3A_912, %dma_wait3A_915, %dma_wait3A_916] : memref<16x3x8x2048xf32, #tpu.memory_space<vmem_shared>> -> memref<1x1x8x2048xf32, #tpu.memory_space<vmem_shared>>
    %dma_wait3A_918 = tpu.memref_squeeze %dma_wait3A_917 : memref<1x1x8x2048xf32, #tpu.memory_space<vmem_shared>> -> memref<8x2048xf32, #tpu.memory_space<vmem_shared>>
    tpu.wait_dma2 semaphore(%arg24 : memref<!tpu.dma_semaphore, #tpu.memory_space<semaphore_mem>>) src(%dma_wait3A_918 : memref<8x2048xf32, #tpu.memory_space<vmem_shared>>) dst(%dma_wait3A_914 : memref<8x2048xf32, #tpu.memory_space<hbm>>)
    %dma_wait3A_919 = arith.constant 240 : i32
    %dma_wait3A_920 = tpu.memref_slice %arg5[%dma_wait3A_919] : memref<256xi32, #tpu.memory_space<vmem>> -> memref<8xi32, #tpu.memory_space<vmem>>
    %dma_wait3A_921 = arith.constant 0 : i32
    %dma_wait3A_922 = arith.constant 0 : i32
    %dma_wait3A_923 = tpu.memref_slice %arg2[%dma_wait3A_921, %dma_wait3A_922] : memref<65024x2048xf32, #tpu.memory_space<hbm>> -> memref<65024x2048xf32, #tpu.memory_space<hbm>>
    tpu.wait_indirect_dma semaphore(%arg13 : memref<!tpu.dma_semaphore, #tpu.memory_space<semaphore_mem>>) src(%dma_wait3A_923 : memref<65024x2048xf32, #tpu.memory_space<hbm>>) dst(%arg9 : memref<8x2048xf32, #tpu.memory_space<vmem>>)
    %dma_start3A_924 = arith.constant 1 : i32
    %dma_start3A_925 = arith.constant 0 : i32
    %dma_start3A_926 = arith.constant 0 : i32
    %dma_start3A_927 = tpu.memref_slice %arg6[%arg1, %dma_start3A_924, %dma_start3A_925, %dma_start3A_926] : memref<16x3x8x2048xf32, #tpu.memory_space<vmem_shared>> -> memref<1x1x8x2048xf32, #tpu.memory_space<vmem_shared>>
    %dma_start3A_928 = tpu.memref_squeeze %dma_start3A_927 : memref<1x1x8x2048xf32, #tpu.memory_space<vmem_shared>> -> memref<8x2048xf32, #tpu.memory_space<vmem_shared>>
    %dma_start3A_929 = arith.constant 0 : i32
    %dma_start3A_930 = arith.constant 0 : i32
    %dma_start3A_931 = tpu.memref_slice %arg6[%arg1, %dma_start3A_924, %dma_start3A_929, %dma_start3A_930] : memref<16x3x8x2048xf32, #tpu.memory_space<vmem_shared>> -> memref<1x1x8x2048xf32, #tpu.memory_space<vmem_shared>>
    %dma_start3A_932 = tpu.memref_squeeze %dma_start3A_931 : memref<1x1x8x2048xf32, #tpu.memory_space<vmem_shared>> -> memref<8x2048xf32, #tpu.memory_space<vmem_shared>>
    tpu.enqueue_dma source(%arg9 : memref<8x2048xf32, #tpu.memory_space<vmem>>) target(%dma_start3A_932 : memref<8x2048xf32, #tpu.memory_space<vmem_shared>>) target_semaphore(%arg17 : memref<!tpu.dma_semaphore, #tpu.memory_space<semaphore_mem>>)
    %add3A_933 = arith.constant 232 : i32
    %add3A_934 = arith.addi %mul3A_2, %add3A_933 : i32
    %dma_wait3A_935 = arith.constant 0 : i32
    %dma_wait3A_936 = tpu.memref_slice %arg4[%add3A_934, %dma_wait3A_935] : memref<8192x2048xf32, #tpu.memory_space<hbm>> -> memref<8x2048xf32, #tpu.memory_space<hbm>>
    %dma_wait3A_937 = arith.constant 0 : i32
    %dma_wait3A_938 = tpu.memref_slice %arg4[%add3A_934, %dma_wait3A_937] : memref<8192x2048xf32, #tpu.memory_space<hbm>> -> memref<8x2048xf32, #tpu.memory_space<hbm>>
    tpu.wait_dma2 semaphore(%arg20 : memref<!tpu.dma_semaphore, #tpu.memory_space<semaphore_mem>>) src(%arg8 : memref<8x2048xf32, #tpu.memory_space<vmem>>) dst(%dma_wait3A_938 : memref<8x2048xf32, #tpu.memory_space<hbm>>)
    %dma_wait3A_939 = arith.constant 248 : i32
    %dma_wait3A_940 = tpu.memref_slice %arg5[%dma_wait3A_939] : memref<256xi32, #tpu.memory_space<vmem>> -> memref<8xi32, #tpu.memory_space<vmem>>
    %dma_wait3A_941 = arith.constant 0 : i32
    %dma_wait3A_942 = arith.constant 0 : i32
    %dma_wait3A_943 = tpu.memref_slice %arg2[%dma_wait3A_941, %dma_wait3A_942] : memref<65024x2048xf32, #tpu.memory_space<hbm>> -> memref<65024x2048xf32, #tpu.memory_space<hbm>>
    tpu.wait_indirect_dma semaphore(%arg14 : memref<!tpu.dma_semaphore, #tpu.memory_space<semaphore_mem>>) src(%dma_wait3A_943 : memref<65024x2048xf32, #tpu.memory_space<hbm>>) dst(%arg10 : memref<8x2048xf32, #tpu.memory_space<vmem>>)
    %add3A_944 = arith.constant 248 : i32
    %add3A_945 = arith.addi %mul3A_2, %add3A_944 : i32
    %dma_start3A_946 = arith.constant 0 : i32
    %dma_start3A_947 = tpu.memref_slice %arg4[%add3A_945, %dma_start3A_946] : memref<8192x2048xf32, #tpu.memory_space<hbm>> -> memref<8x2048xf32, #tpu.memory_space<hbm>>
    %dma_start3A_948 = arith.constant 0 : i32
    %dma_start3A_949 = tpu.memref_slice %arg4[%add3A_945, %dma_start3A_948] : memref<8192x2048xf32, #tpu.memory_space<hbm>> -> memref<8x2048xf32, #tpu.memory_space<hbm>>
    tpu.enqueue_dma source(%arg10 : memref<8x2048xf32, #tpu.memory_space<vmem>>) target(%dma_start3A_949 : memref<8x2048xf32, #tpu.memory_space<hbm>>) target_semaphore(%arg22 : memref<!tpu.dma_semaphore, #tpu.memory_space<semaphore_mem>>)
    %dma_wait3A_950 = arith.constant 1 : i32
    %dma_wait3A_951 = arith.constant 0 : i32
    %dma_wait3A_952 = arith.constant 0 : i32
    %dma_wait3A_953 = tpu.memref_slice %arg6[%arg1, %dma_wait3A_950, %dma_wait3A_951, %dma_wait3A_952] : memref<16x3x8x2048xf32, #tpu.memory_space<vmem_shared>> -> memref<1x1x8x2048xf32, #tpu.memory_space<vmem_shared>>
    %dma_wait3A_954 = tpu.memref_squeeze %dma_wait3A_953 : memref<1x1x8x2048xf32, #tpu.memory_space<vmem_shared>> -> memref<8x2048xf32, #tpu.memory_space<vmem_shared>>
    %dma_wait3A_955 = arith.constant 0 : i32
    %dma_wait3A_956 = arith.constant 0 : i32
    %dma_wait3A_957 = tpu.memref_slice %arg6[%arg1, %dma_wait3A_950, %dma_wait3A_955, %dma_wait3A_956] : memref<16x3x8x2048xf32, #tpu.memory_space<vmem_shared>> -> memref<1x1x8x2048xf32, #tpu.memory_space<vmem_shared>>
    %dma_wait3A_958 = tpu.memref_squeeze %dma_wait3A_957 : memref<1x1x8x2048xf32, #tpu.memory_space<vmem_shared>> -> memref<8x2048xf32, #tpu.memory_space<vmem_shared>>
    tpu.wait_dma2 semaphore(%arg17 : memref<!tpu.dma_semaphore, #tpu.memory_space<semaphore_mem>>) src(%arg9 : memref<8x2048xf32, #tpu.memory_space<vmem>>) dst(%dma_wait3A_958 : memref<8x2048xf32, #tpu.memory_space<vmem_shared>>)
    %add3A_959 = arith.constant 240 : i32
    %add3A_960 = arith.addi %mul3A_2, %add3A_959 : i32
    %dma_start3A_961 = arith.constant 1 : i32
    %dma_start3A_962 = arith.constant 0 : i32
    %dma_start3A_963 = tpu.memref_slice %arg4[%add3A_960, %dma_start3A_962] : memref<8192x2048xf32, #tpu.memory_space<hbm>> -> memref<8x2048xf32, #tpu.memory_space<hbm>>
    %dma_start3A_964 = arith.constant 0 : i32
    %dma_start3A_965 = arith.constant 0 : i32
    %dma_start3A_966 = tpu.memref_slice %arg6[%arg1, %dma_start3A_961, %dma_start3A_964, %dma_start3A_965] : memref<16x3x8x2048xf32, #tpu.memory_space<vmem_shared>> -> memref<1x1x8x2048xf32, #tpu.memory_space<vmem_shared>>
    %dma_start3A_967 = tpu.memref_squeeze %dma_start3A_966 : memref<1x1x8x2048xf32, #tpu.memory_space<vmem_shared>> -> memref<8x2048xf32, #tpu.memory_space<vmem_shared>>
    tpu.enqueue_dma source(%dma_start3A_967 : memref<8x2048xf32, #tpu.memory_space<vmem_shared>>) target(%dma_start3A_963 : memref<8x2048xf32, #tpu.memory_space<hbm>>) target_semaphore(%arg24 : memref<!tpu.dma_semaphore, #tpu.memory_space<semaphore_mem>>)
    %add3A_968 = arith.constant 248 : i32
    %add3A_969 = arith.addi %mul3A_2, %add3A_968 : i32
    %dma_wait3A_970 = arith.constant 0 : i32
    %dma_wait3A_971 = tpu.memref_slice %arg4[%add3A_969, %dma_wait3A_970] : memref<8192x2048xf32, #tpu.memory_space<hbm>> -> memref<8x2048xf32, #tpu.memory_space<hbm>>
    %dma_wait3A_972 = arith.constant 0 : i32
    %dma_wait3A_973 = tpu.memref_slice %arg4[%add3A_969, %dma_wait3A_972] : memref<8192x2048xf32, #tpu.memory_space<hbm>> -> memref<8x2048xf32, #tpu.memory_space<hbm>>
    tpu.wait_dma2 semaphore(%arg22 : memref<!tpu.dma_semaphore, #tpu.memory_space<semaphore_mem>>) src(%arg10 : memref<8x2048xf32, #tpu.memory_space<vmem>>) dst(%dma_wait3A_973 : memref<8x2048xf32, #tpu.memory_space<hbm>>)
    %add3A_974 = arith.constant 192 : i32
    %add3A_975 = arith.addi %mul3A_2, %add3A_974 : i32
    %dma_wait3A_976 = arith.constant 2 : i32
    %dma_wait3A_977 = arith.constant 0 : i32
    %dma_wait3A_978 = tpu.memref_slice %arg4[%add3A_975, %dma_wait3A_977] : memref<8192x2048xf32, #tpu.memory_space<hbm>> -> memref<8x2048xf32, #tpu.memory_space<hbm>>
    %dma_wait3A_979 = arith.constant 0 : i32
    %dma_wait3A_980 = arith.constant 0 : i32
    %dma_wait3A_981 = tpu.memref_slice %arg6[%arg1, %dma_wait3A_976, %dma_wait3A_979, %dma_wait3A_980] : memref<16x3x8x2048xf32, #tpu.memory_space<vmem_shared>> -> memref<1x1x8x2048xf32, #tpu.memory_space<vmem_shared>>
    %dma_wait3A_982 = tpu.memref_squeeze %dma_wait3A_981 : memref<1x1x8x2048xf32, #tpu.memory_space<vmem_shared>> -> memref<8x2048xf32, #tpu.memory_space<vmem_shared>>
    tpu.wait_dma2 semaphore(%arg25 : memref<!tpu.dma_semaphore, #tpu.memory_space<semaphore_mem>>) src(%dma_wait3A_982 : memref<8x2048xf32, #tpu.memory_space<vmem_shared>>) dst(%dma_wait3A_978 : memref<8x2048xf32, #tpu.memory_space<hbm>>)
    %add3A_983 = arith.constant 216 : i32
    %add3A_984 = arith.addi %mul3A_2, %add3A_983 : i32
    %dma_wait3A_985 = arith.constant 0 : i32
    %dma_wait3A_986 = arith.constant 0 : i32
    %dma_wait3A_987 = tpu.memref_slice %arg4[%add3A_984, %dma_wait3A_986] : memref<8192x2048xf32, #tpu.memory_space<hbm>> -> memref<8x2048xf32, #tpu.memory_space<hbm>>
    %dma_wait3A_988 = arith.constant 0 : i32
    %dma_wait3A_989 = arith.constant 0 : i32
    %dma_wait3A_990 = tpu.memref_slice %arg6[%arg1, %dma_wait3A_985, %dma_wait3A_988, %dma_wait3A_989] : memref<16x3x8x2048xf32, #tpu.memory_space<vmem_shared>> -> memref<1x1x8x2048xf32, #tpu.memory_space<vmem_shared>>
    %dma_wait3A_991 = tpu.memref_squeeze %dma_wait3A_990 : memref<1x1x8x2048xf32, #tpu.memory_space<vmem_shared>> -> memref<8x2048xf32, #tpu.memory_space<vmem_shared>>
    tpu.wait_dma2 semaphore(%arg23 : memref<!tpu.dma_semaphore, #tpu.memory_space<semaphore_mem>>) src(%dma_wait3A_991 : memref<8x2048xf32, #tpu.memory_space<vmem_shared>>) dst(%dma_wait3A_987 : memref<8x2048xf32, #tpu.memory_space<hbm>>)
    %add3A_992 = arith.constant 240 : i32
    %add3A_993 = arith.addi %mul3A_2, %add3A_992 : i32
    %dma_wait3A_994 = arith.constant 1 : i32
    %dma_wait3A_995 = arith.constant 0 : i32
    %dma_wait3A_996 = tpu.memref_slice %arg4[%add3A_993, %dma_wait3A_995] : memref<8192x2048xf32, #tpu.memory_space<hbm>> -> memref<8x2048xf32, #tpu.memory_space<hbm>>
    %dma_wait3A_997 = arith.constant 0 : i32
    %dma_wait3A_998 = arith.constant 0 : i32
    %dma_wait3A_999 = tpu.memref_slice %arg6[%arg1, %dma_wait3A_994, %dma_wait3A_997, %dma_wait3A_998] : memref<16x3x8x2048xf32, #tpu.memory_space<vmem_shared>> -> memref<1x1x8x2048xf32, #tpu.memory_space<vmem_shared>>
    %dma_wait3A_1000 = tpu.memref_squeeze %dma_wait3A_999 : memref<1x1x8x2048xf32, #tpu.memory_space<vmem_shared>> -> memref<8x2048xf32, #tpu.memory_space<vmem_shared>>
    tpu.wait_dma2 semaphore(%arg24 : memref<!tpu.dma_semaphore, #tpu.memory_space<semaphore_mem>>) src(%dma_wait3A_1000 : memref<8x2048xf32, #tpu.memory_space<vmem_shared>>) dst(%dma_wait3A_996 : memref<8x2048xf32, #tpu.memory_space<hbm>>)
    return
  }
}

</mosaic_0001>

<sc_bundles>
// kernel: kernel.3.cloned.1.call-start
scs
__scs_entry_jumppad:
0x0: {  	(pc) =	sbr.rel $0x88, $3  }
0x1: {  	(tag) =	ssettag $0x0;
	lr =	simm.s32 $0x1  }
0x2: {  	[smem:$0x3F9F] =	sst lr;
	_ =	strace $0xD0000000  }
0x3: {  	_ = 	snop  }
0x4: {  	_ = 	snop  }
0x5: {  	_ = 	snop  }
0x6: {  	_ = 	snop  }
0x7: {  	_ = 	snop  }
__scs_overlays_trampoline_lowered:
0x8: {  	[smem:$0x3FAE] =	sst s0  }
0x9: {  	[smem:$0x3FAF] =	sst s1  }
0xa: {  	[smem:$0x3FB0] =	sst s2  }
0xb: {  	[smem:$0x3FB1] =	sst s3  }
0xc: {  	[smem:$0x3FB2] =	sst s4  }
0xd: {  	[smem:$0x3FB3] =	sst s5  }
0xe: {  	[smem:$0x3FB4] =	sst s6  }
0xf: {  	[smem:$0x3FB5] =	sst s7  }
0x10: {  	[smem:$0x3FB6] =	sst s8  }
0x11: {  	[smem:$0x3FB7] =	sst s9;
	s0 =	simm.s32 @!p0 $0x0  }
0x12: {  	s1 =	sld [smem:$0x3F9D];
	s0 =	simm.s32 @p0 $0x1  }
0x13: {  	[smem:$0x3FB8] =	sst s0;
	s0 =	simm.s32 @!p1 $0x0  }
0x14: {  	s2 =	sld [smem:$0x3F9C];
	s0 =	simm.s32 @p1 $0x1  }
0x15: {  	[smem:$0x3FB9] =	sst s0;
	s0 =	simm.s32 @!p2 $0x0  }
0x16: {  	s3 =	sld [smem:$0x3FDB];
	s0 =	simm.s32 @p2 $0x1  }
0x17: {  	s4 =	simm.s32 $0x1BF5;
	[smem:$0x3FBB] =	sst s0  }
0x18: {  	s0 =	sld [smem:$0x3F9E];
	_ =	swait.ge [sflag:s4], $0x0  }
0x19: {  	s7 =	sld [smem:$0x3F9F]  }
0x1a: {  	s8 =	sadd.s32 $0xFFFFE003, lr  }
0x1b: {  	s9 =	sadd.s32 $0xFFFFFEF7, lr;
	s5 =	simm.s32 $0xFFFFFFFF;
	p2 =	slt.u32 s8, $0xFFFFF086  }
0x1c: {  	p1 =	slt.u32 s9, $0xF7A;
	s5 =	simm.s32 @!p2 $0x0  }
0x1d: {  	s5 =	simm.s32 @p1 $0x1;
	p0 =	seq.s32 s7, s2  }
0x1e: {  	s7 =	smul.u32 @!p0 $0xF7A, s2;
	p2 =	seq.s32 @!p0 s5, $0x0  }
0x1f: {  	s9 =	smul.u32 $0xF7A, s1;
	s8 =	simm.s32 @!p0 $0x1BF5;
	p2 =	por !p2, p0  }
0x20: {  	[sflag:s8] =	ssyncset.s32 @!p0 $0xFFFFF086;
	s6 =	sadd.s32 @!p0 s3, s7;
	s7 =	simm.s32 @!p0 $0x108  }
0x21: {  	s3 =	sadd.s32 s3, s9;
	s6 =	sadd.s32 @!p0 $0x88, s6;
	s7 =	simm.s32 @p2 $0x1082  }
0x22: {  	[simem:s7], [sflag:s8] =	dma.local @!p0 [hbm:s6], $0xF7A  }
0x23: {  	s9 =	sor.u32 $0xD0000000, s2;
	s6 =	simm.s32 $0x108;
	_ =	swait.ge @!p0 [sflag:s8], $0x0  }
0x24: {  	s3 =	sadd.s32 $0x88, s3;
	s6 =	simm.s32 @!p1 $0x1082;
	[sflag:s4] =	ssyncset.s32 $0xFFFFF086  }
0x25: {  	[simem:s6], [sflag:s4] =	dma.local [hbm:s3], $0xF7A  }
0x26: {  	[smem:$0x3F9F] =	sst s1;
	(tag) =	ssettag s2;
	_ =	strace s9  }
0x27: {  	s1 =	sld [smem:$0x3FAF]  }
0x28: {  	s2 =	sld [smem:$0x3FB0]  }
0x29: {  	s4 =	sld [smem:$0x3FB2]  }
0x2a: {  	p0 =	seq.s32 s5, $0x0;
	s5 =	sld [smem:$0x3FB3]  }
0x2b: {  	s6 =	sld [smem:$0x3FB4]  }
0x2c: {  	s7 =	sld [smem:$0x3FB5]  }
0x2d: {  	s3 =	simm.s32 $0x108;
	s8 =	sld [smem:$0x3FB6]  }
0x2e: {  	s3 =	simm.s32 @!p0 $0x1082;
	s9 =	sld [smem:$0x3FB7]  }
0x2f: {  	lr =	sadd.s32 s0, s3;
	s0 =	sld [smem:$0x3FAE]  }
0x30: {  	s3 =	sld [smem:$0x3FB1]  }
0x31: {  	[smem:$0x3FBA] =	sst s10  }
0x32: {  	s10 =	sld [smem:$0x3FB8];
	_ =	sdelay $0x3  }
0x33: {  	p0 =	seq.s32 s10, $0x1;
	s10 =	sld [smem:$0x3FBA];
	_ =	sdelay $0x3  }
0x34: {  	[smem:$0x3FBA] =	sst s10  }
0x35: {  	s10 =	sld [smem:$0x3FB9];
	_ =	sdelay $0x3  }
0x36: {  	p1 =	seq.s32 s10, $0x1;
	s10 =	sld [smem:$0x3FBA];
	_ =	sdelay $0x3  }
0x37: {  	[smem:$0x3FBA] =	sst s10  }
0x38: {  	s10 =	sld [smem:$0x3FBB]  }
0x39: {  	_ = 	snop;
	(pc) =	sbr.ind lr, $3  }
0x3a: {  	_ = 	snop  }
0x3b: {  	_ = 	snop  }
0x3c: {  	p2 =	seq.s32 s10, $0x1;
	s10 =	sld [smem:$0x3FBA]  }
0x3d: {  	_ =	shalt  }
0x3e: {  	_ =	shalt  }
0x3f: {  	_ =	shalt  }
0x40: {  	_ =	shalt  }
0x41: {  	_ =	shalt  }
0x42: {  	_ =	shalt  }
0x43: {  	_ =	shalt  }
0x44: {  	_ =	shalt  }
0x45: {  	_ =	shalt  }
0x46: {  	_ =	shalt  }
0x47: {  	_ =	shalt  }
0x48: {  	_ =	shalt  }
0x49: {  	_ =	shalt  }
0x4a: {  	_ =	shalt  }
0x4b: {  	_ =	shalt  }
0x4c: {  	_ =	shalt  }
0x4d: {  	_ =	shalt  }
0x4e: {  	_ =	shalt  }
0x4f: {  	_ =	shalt  }
0x50: {  	_ =	shalt  }
0x51: {  	_ =	shalt  }
0x52: {  	_ =	shalt  }
0x53: {  	_ =	shalt  }
0x54: {  	_ =	shalt  }
0x55: {  	_ =	shalt  }
0x56: {  	_ =	shalt  }
0x57: {  	_ =	shalt  }
0x58: {  	_ =	shalt  }
0x59: {  	_ =	shalt  }
0x5a: {  	_ =	shalt  }
0x5b: {  	_ =	shalt  }
0x5c: {  	_ =	shalt  }
0x5d: {  	_ =	shalt  }
0x5e: {  	_ =	shalt  }
0x5f: {  	_ =	shalt  }
0x60: {  	_ =	shalt  }
0x61: {  	_ =	shalt  }
0x62: {  	_ =	shalt  }
0x63: {  	_ =	shalt  }
0x64: {  	_ =	shalt  }
0x65: {  	_ =	shalt  }
0x66: {  	_ =	shalt  }
0x67: {  	_ =	shalt  }
0x68: {  	_ =	shalt  }
0x69: {  	_ =	shalt  }
0x6a: {  	_ =	shalt  }
0x6b: {  	_ =	shalt  }
0x6c: {  	_ =	shalt  }
0x6d: {  	_ =	shalt  }
0x6e: {  	_ =	shalt  }
0x6f: {  	_ =	shalt  }
0x70: {  	_ =	shalt  }
0x71: {  	_ =	shalt  }
0x72: {  	_ =	shalt  }
0x73: {  	_ =	shalt  }
0x74: {  	_ =	shalt  }
0x75: {  	_ =	shalt  }
0x76: {  	_ =	shalt  }
0x77: {  	_ =	shalt  }
0x78: {  	_ =	shalt  }
0x79: {  	_ =	shalt  }
0x7a: {  	_ =	shalt  }
0x7b: {  	_ =	shalt  }
0x7c: {  	_ =	shalt  }
0x7d: {  	_ =	shalt  }
0x7e: {  	_ =	shalt  }
0x7f: {  	_ =	shalt  }
0x80: {  	_ =	shalt  }
0x81: {  	_ =	shalt  }
0x82: {  	_ =	shalt  }
0x83: {  	_ =	shalt  }
0x84: {  	_ =	shalt  }
0x85: {  	_ =	shalt  }
0x86: {  	_ =	shalt  }
0x87: {  	_ =	shalt  }
.Lfunc_end0:
.L_simem_size_0:
called_computation_lowered:
.L_overlay_start_0:
0x88: {  	s2 =	sld [smem:$0x3FD9]  }
0x89: {  	s3 =	sld [smem:$0x3FFE];
	_ =	sdelay $0x1  }
0x8a: {  	s1 =	srdreg.scid  }
0x8b: {  	s0 =	sand.u32 $0x1, s1  }
0x8c: {  	s18 =	sshll.u32 s0, $0xA;
	s2 =	sadd.s32 s3, s2  }
0x8d: {  	s2 =	sadd.s32 s2, s18  }
0x8e: {  	[smem:$0x3FC6] =	sst s2  }
0x8f: {  	_ = 	snop  }
0x90: {  	s2 =	sld [smem:$0x3FC9]  }
0x91: {  	s19 =	sld [smem:$0x3FC8]  }
0x92: {  	s4 =	sld [smem:$0x3FD0];
	(tm) =	ssettm $0x1  }
0x93: {  	s5 =	sld [smem:$0x3FFB];
	_ =	sdelay $0x3  }
0x94: {  	_ =	strace s5  }
0x95: {  	s5 =	sld [smem:$0x3FFC];
	_ =	sdelay $0x3  }
0x96: {  	_ =	strace s5  }
0x97: {  	s5 =	sld [smem:$0x3FFD];
	_ =	sdelay $0x3  }
0x98: {  	_ =	strace s5  }
0x99: {  	_ =	strace $0x8FFFFFFF  }
0x9a: {  	s20 =	sld [smem:$0x3FDB];
	_ =	sdelay $0x1  }
0x9b: {  	s6 =	simm.s32 $_scs_section_size  }
0x9c: {  	s7 =	simm.s32 $_size__tile_overlayer_lowered;
	s8 =	simm.s32 $_tile_overlayer_lowered  }
0x9d: {  	s23 =	simm.s32 $0x1BFF;
	s22 =	sshll.u32 s8, $0x1;
	s5 =	sadd.s32 s6, s20  }
0x9e: {  	s9 =	simm.s32 $0x0;
	s21 =	sshll.u32 s7, $0x1;
	s7 =	sadd.s32 s22, s5  }
0x9f: {  	[timem:s9], [sflag:s23] =	dma.local [hbm:s7], s21  }
0xa0: {  	_ =	swait.ge [sflag:s23], s21  }
0xa1: {  	s6 =	ssub.s32 $0x0, s21;
	[sflag:s23] =	ssyncset.done $0x0  }
0xa2: {  	[sflag:s23] =	ssyncadd.s32 s6;
	_ =	sdelay $0x1  }
0xa3: {  	s24 =	simm.s32 $0x1B8B  }
0xa4: {  	_ =	swait.ge [sflag:s24], $0x1  }
0xa5: {  	[sflag:s24] =	ssyncset.done $0x0  }
0xa6: {  	s25 =	simm.s32 $0x1B8E;
	[sflag:s24] =	ssyncadd.s32 $0xFFFFFFFF  }
0xa7: {  	s26 =	simm.s32 $execute0_lowered;
	[smem:$0x3FD2] =	sst s25  }
0xa8: {  	s6 =	sshll.u32 s26, $0x1;
	_ =	strace $0x80000046;
	[dreg:$0x1] =	wrdreg $0xFFFFFFFF  }
0xa9: {  	s28 =	simm.s32 $_size_execute0_lowered;
	s5 =	sadd.s32 s5, s6;
	[dreg:$0x0] =	wrdreg $0x0  }
0xaa: {  	s6 =	sshll.u32 s28, $0x1;
	[dreg:$0x2] =	wrdreg s5  }
0xab: {  	[dreg:$0x3] =	wrdreg s6  }
0xac: {  	[dreg:$0x4] =	wrdreg $0xC0  }
0xad: {  	_ =	task [dreg:s9], $0x5FFFF  }
0xae: {  	[dreg:$0x1] =	wrdreg $0xFFFFFFFF  }
0xaf: {  	[dreg:$0x0] =	wrdreg $0x60  }
0xb0: {  	[dreg:$0x2] =	wrdreg s19  }
0xb1: {  	[dreg:$0x3] =	wrdreg s2  }
0xb2: {  	[dreg:$0x4] =	wrdreg s4  }
0xb3: {  	[dreg:$0x5] =	wrdreg $0x1000  }
0xb4: {  	[dreg:$0x6] =	wrdreg $0x9  }
0xb5: {  	_ =	task.clear_ibuf [dreg:s9], $0x7FFFF;
	_ =	strace $0x90000046  }
0xb6: {  	s29 =	simm.s32 $0x9;
	_ =	strace $0x80000048  }
0xb7: {  	_ =	swait.ge [sflag:s29], $0x1  }
0xb8: {  	[sflag:s29] =	ssyncadd.s32 $0xFFFFFFFF  }
0xb9: {  	_ =	strace $0x90000048  }
0xba: {  	_ =	sfence  }
0xbb: {  	s30 =	sld [smem:$0x0];
	_ =	sdelay $0x2  }
0xbc: {  	s31 =	sshll.u32 s1, $0xD;
	s1 =	sshrl.u32 s1, $0x2  }
0xbd: {  	s3 =	sand.u32 $0x4000, s31;
	s1 =	sadd.s32 s1, s30  }
0xbe: {  	s0 =	sor.u32 s3, s0;
	s1 =	sshll.u32 s1, $0x11  }
0xbf: {  	s0 =	sor.u32 s1, s0  }
0xc0: {  	s0 =	sadd.s32 $0x8F2B, s0  }
0xc1: {  	[sflag:s0] =	ssyncadd.remote.s32 $0x1  }
0xc2: {  	_ =	sfence.sel $0xFFFF  }
0xc3: {  	[dreg:$0x0] =	wrdreg $0xFFFFFFFF;
	(pc) =	sbr.abs _section_cstart, $3  }
0xc4: {  	[dreg:$0x1] =	wrdreg $0xFFFFFFFF  }
0xc5: {  	_ =	task.clear_ibuf [dreg:s9], $0x2FFFF;
	_ =	strace $0x9FFFFFFF  }
0xc6: {  	(tm) =	ssettm $0x7FFFFFFF  }
0xc7: {  	_ =	shalt  }
tec
execute0_lowered:
.L_overlay_start_1:
0x0: {  	(tag) =	ssettag $0x1  }
0x1: {  	s1 =	rddreg [dreg:$0x0]  }
0x2: {  	s2 =	rddreg [dreg:$0x1]  }
0x3: {  	s4 =	rddreg [dreg:$0x2]  }
0x4: {  	s0 =	rddreg [dreg:$0x3]  }
0x5: {  	s3 =	srdreg.scid;
	s11 =	stileid.u32  }
0x6: {  	s5 =	sand.u32 $0x1, s3;
	s6 =	sshll.u32 s11, $0x1;
	s3 =	simm.s32 $0x0  }
0x7: {  	s7 =	sshll.u32 s11, $0x2;
	s6 =	sor.u32 s5, s6;
	[smem:$0x7FF] =	sst s3  }
0x8: {  	s7 =	sand.u32 $0x30, s7;
	s8 =	sshll.u32 s6, $0x7;
	s6 =	sshll.u32 s6, $0x10  }
0x9: {  	s2 =	sadd.s32 s2, s7;
	s8 =	sand.u32 $0x380, s8;
	s13 =	sadd.s32 s4, s6  }
0xa: {  	_ =	strace $0x80000047;
	s2 =	sadd.s32 s8, s2;
	[smem:$0x7F7] =	sst s13  }
0xb: {  	s17 =	sadd.s32 $0x800, s13;
	[dreg:$0x5] =	wrdreg s2  }
0xc: {  	s18 =	sadd.s32 $0x1000, s13;
	[dreg:$0x6] =	wrdreg s17  }
0xd: {  	s19 =	sadd.s32 $0x2000, s13;
	[dreg:$0x7] =	wrdreg s18  }
0xe: {  	s20 =	sadd.s32 $0x1800, s13;
	[dreg:$0x8] =	wrdreg s19  }
0xf: {  	s21 =	sadd.s32 $0x2800, s13;
	[dreg:$0x9] =	wrdreg s20  }
0x10: {  	s22 =	sadd.s32 $0x3800, s13;
	[dreg:$0xa] =	wrdreg s21  }
0x11: {  	s23 =	sadd.s32 $0x3000, s13;
	[dreg:$0xb] =	wrdreg s22  }
0x12: {  	s24 =	sadd.s32 $0x4000, s13;
	[dreg:$0xc] =	wrdreg s23  }
0x13: {  	s25 =	sadd.s32 $0x5000, s13;
	[dreg:$0xd] =	wrdreg s24  }
0x14: {  	s26 =	sadd.s32 $0x4800, s13;
	[dreg:$0xe] =	wrdreg s25  }
0x15: {  	s29 =	sadd.s32 $0x5800, s13;
	[dreg:$0xf] =	wrdreg s26  }
0x16: {  	s30 =	sadd.s32 $0x6800, s13;
	[dreg:$0x10] =	wrdreg s29  }
0x17: {  	s31 =	sadd.s32 $0x6000, s13;
	[dreg:$0x11] =	wrdreg s30  }
0x18: {  	s4 =	sadd.s32 $0x7000, s13;
	[dreg:$0x12] =	wrdreg s31  }
0x19: {  	s6 =	sadd.s32 $0x8000, s13;
	[dreg:$0x13] =	wrdreg s4  }
0x1a: {  	s7 =	sadd.s32 $0x7800, s13;
	[dreg:$0x14] =	wrdreg s6  }
0x1b: {  	s8 =	sadd.s32 $0x8800, s13;
	[dreg:$0x15] =	wrdreg s7  }
0x1c: {  	s9 =	sadd.s32 $0x9800, s13;
	[dreg:$0x16] =	wrdreg s8  }
0x1d: {  	s10 =	sadd.s32 $0x9000, s13;
	[dreg:$0x17] =	wrdreg s9  }
0x1e: {  	s14 =	sadd.s32 $0xA000, s13;
	[dreg:$0x18] =	wrdreg s10  }
0x1f: {  	s15 =	sadd.s32 $0xB000, s13;
	[dreg:$0x19] =	wrdreg s14  }
0x20: {  	s28 =	simm.s32 $0x1;
	s16 =	sadd.s32 $0xA800, s13;
	[dreg:$0x1a] =	wrdreg s15  }
0x21: {  	s12 =	ssub.s32 $0x2, s5;
	[dreg:$0x1b] =	wrdreg s16;
	s17 =	sadd.s32 $0xB800, s13  }
0x22: {  	s5 =	sshrl.u32 s12, $0x1;
	s18 =	sadd.s32 $0xC800, s13;
	[dreg:$0x1c] =	wrdreg s17  }
0x23: {  	s4 =	ssub.s32 s12, s5;
	s19 =	sadd.s32 $0xC000, s13;
	[dreg:$0x1d] =	wrdreg s18  }
0x24: {  	s5 =	sadd.s32 $0x100, s1;
	s20 =	sadd.s32 $0xD000, s13;
	[dreg:$0x1e] =	wrdreg s19  }
0x25: {  	s6 =	sadd.s32 $0x200, s1;
	s21 =	sadd.s32 $0xE000, s13;
	[dreg:$0x1f] =	wrdreg s20  }
0x26: {  	s7 =	sadd.s32 $0x300, s1;
	s22 =	sadd.s32 $0xD800, s13;
	[smem:$0x7F3] =	sst s21  }
0x27: {  	s8 =	sadd.s32 $0x400, s1;
	s23 =	sadd.s32 $0xE800, s13;
	[smem:$0x7F4] =	sst s22  }
0x28: {  	s9 =	sadd.s32 $0x500, s1;
	s24 =	sadd.s32 $0xF800, s13;
	[smem:$0x7F5] =	sst s23  }
0x29: {  	s12 =	smul.u32 $0x30000, s11;
	s25 =	sadd.s32 $0xF000, s13;
	[smem:$0x7F6] =	sst s24  }
0x2a: {  	s10 =	sadd.s32 $0x600, s1;
	s26 =	simm.s32 $0x80;
	[smem:$0x7F8] =	sst s25  }
0x2b: {  	s30 =	simm.s32 $0x200;
	[smem:$0x7FA] =	sst s26;
	s12 =	sshrl.u32 s12, $0x2  }
0x2c: {  	s11 =	sadd.s32 $0x700, s1;
	[smem:$0x7FD] =	sst s30;
	s12 =	sadd.s32 s12, s0  }
0x2d: {  	v0 =	vlaneseq.u32;
	s2 =	smax.u32 s4, $0x1;
	s29 =	sadd.s32 $0x4000, s12;
	[smem:$0x7FB] =	sst s12  }
0x2e: {  	v1 =	vshrl.u32 v0, $0x3;
	s4 =	simm.s32 $0x2;
	s31 =	sadd.s32 $0x8000, s12;
	[smem:$0x7F9] =	sst s29  }
0x2f: {  	vm0 =	vmmov $0xffff;
	v0 =	vand.u32 $0x7, v0;
	v1 =	vmul.u32 $0x8, v1;
	s18 =	simm.s32 $0x3;
	s20 =	simm.s32 $0x4;
	[smem:$0x7FC] =	sst s31  }
.LBB2_1:
0x30: {  	s22 =	sld [smem:$0x7FA]  }
0x31: {  	s13 =	sld [smem:$0x7FD]  }
0x32: {  	[smem:$0x7EE] =	sst s2  }
0x33: {  	s0 =	rddreg [dreg:$0x5];
	s23 =	simm.s32 $0x10  }
0x34: {  	[tilespmem:s3], [sflag:$0x10] =	stream.strided.gather [hbm4b:s0+s22], $0x100, s13, s22, $0x38;
	[tilespmem:$0x1C100] =	vst v63  }
0x35: {  	_ =	swait.ge [sflag:s23], $0x100  }
0x36: {  	[sflag:s23] =	ssyncset.done $0x0  }
0x37: {  	[sflag:s23] =	ssyncadd.s32 $0xFFFFFF00  }
0x38: {  	v2 =	vld.msk [tilespmem:$0x0], $0xff;
	_ =	sdelay $0x4  }
0x39: {  	v3 =	vshll.u32 v2, $0x4  }
0x3a: {  	v2 =	vand.u32 $0x7, v2;
	v3 =	vand.u32 $0xFFFFFF80, v3  }
0x3b: {  	v2 =	vor.u32 v2, v3  }
0x3c: {  	v2 =	vperm.xlane v2, v0;
	_ =	sdelay $0x1  }
0x3d: {  	v2 =	vadd.s32 v1, v2;
	_ =	sdelay $0x3  }
0x3e: {  	s24 =	simm.s32 $0xC100  }
0x3f: {  	[tilespmem:s24], [sflag:$0x1] =	stream.indirect_vreg.gather [hbm4b:s1+s3], $0x80, v2, vm0, $0xb8;
	[tilespmem:$0x1C100] =	vst v63  }
0x40: {  	s25 =	simm.s32 $0xC900  }
0x41: {  	[tilespmem:s25], [sflag:$0x1] =	stream.indirect_vreg.gather [hbm4b:s5+s3], $0x80, v2, vm0, $0xb8;
	[tilespmem:$0x1C100] =	vst v63  }
0x42: {  	s26 =	simm.s32 $0xD100  }
0x43: {  	[tilespmem:s26], [sflag:$0x1] =	stream.indirect_vreg.gather [hbm4b:s6+s3], $0x80, v2, vm0, $0xb8;
	[tilespmem:$0x1C100] =	vst v63  }
0x44: {  	s29 =	simm.s32 $0xD900  }
0x45: {  	[tilespmem:s29], [sflag:$0x1] =	stream.indirect_vreg.gather [hbm4b:s7+s3], $0x80, v2, vm0, $0xb8;
	[tilespmem:$0x1C100] =	vst v63  }
0x46: {  	s30 =	simm.s32 $0xE100  }
0x47: {  	[tilespmem:s30], [sflag:$0x1] =	stream.indirect_vreg.gather [hbm4b:s8+s3], $0x80, v2, vm0, $0xb8;
	[tilespmem:$0x1C100] =	vst v63  }
0x48: {  	s31 =	simm.s32 $0xE900  }
0x49: {  	[tilespmem:s31], [sflag:$0x1] =	stream.indirect_vreg.gather [hbm4b:s9+s3], $0x80, v2, vm0, $0xb8;
	[tilespmem:$0x1C100] =	vst v63  }
0x4a: {  	s12 =	simm.s32 $0xF100  }
0x4b: {  	[tilespmem:s12], [sflag:$0x1] =	stream.indirect_vreg.gather [hbm4b:s10+s3], $0x80, v2, vm0, $0xb8;
	[tilespmem:$0x1C100] =	vst v63  }
0x4c: {  	s13 =	simm.s32 $0xF900  }
0x4d: {  	[tilespmem:s13], [sflag:$0x1] =	stream.indirect_vreg.gather [hbm4b:s11+s3], $0x80, v2, vm0, $0xb8;
	[tilespmem:$0x1C100] =	vst v63  }
0x4e: {  	v2 =	vld.msk [tilespmem:$0x8], $0xff;
	_ =	sdelay $0x4  }
0x4f: {  	v3 =	vshll.u32 v2, $0x4  }
0x50: {  	v2 =	vand.u32 $0x7, v2;
	v3 =	vand.u32 $0xFFFFFF80, v3  }
0x51: {  	v2 =	vor.u32 v2, v3  }
0x52: {  	v2 =	vperm.xlane v2, v0;
	_ =	sdelay $0x1  }
0x53: {  	v2 =	vadd.s32 v1, v2;
	_ =	sdelay $0x3  }
0x54: {  	s14 =	simm.s32 $0x10100  }
0x55: {  	[tilespmem:s14], [sflag:$0x2] =	stream.indirect_vreg.gather [hbm4b:s1+s3], $0x80, v2, vm0, $0xb8;
	[tilespmem:$0x1C100] =	vst v63  }
0x56: {  	s23 =	simm.s32 $0x10900  }
0x57: {  	[tilespmem:s23], [sflag:$0x2] =	stream.indirect_vreg.gather [hbm4b:s5+s3], $0x80, v2, vm0, $0xb8;
	[tilespmem:$0x1C100] =	vst v63  }
0x58: {  	s25 =	simm.s32 $0x11100  }
0x59: {  	[tilespmem:s25], [sflag:$0x2] =	stream.indirect_vreg.gather [hbm4b:s6+s3], $0x80, v2, vm0, $0xb8;
	[tilespmem:$0x1C100] =	vst v63  }
0x5a: {  	s26 =	simm.s32 $0x11900  }
0x5b: {  	[tilespmem:s26], [sflag:$0x2] =	stream.indirect_vreg.gather [hbm4b:s7+s3], $0x80, v2, vm0, $0xb8;
	[tilespmem:$0x1C100] =	vst v63  }
0x5c: {  	s29 =	simm.s32 $0x12100  }
0x5d: {  	[tilespmem:s29], [sflag:$0x2] =	stream.indirect_vreg.gather [hbm4b:s8+s3], $0x80, v2, vm0, $0xb8;
	[tilespmem:$0x1C100] =	vst v63  }
0x5e: {  	s31 =	simm.s32 $0x12900  }
0x5f: {  	[tilespmem:s31], [sflag:$0x2] =	stream.indirect_vreg.gather [hbm4b:s9+s3], $0x80, v2, vm0, $0xb8;
	[tilespmem:$0x1C100] =	vst v63  }
0x60: {  	s12 =	simm.s32 $0x13100  }
0x61: {  	[tilespmem:s12], [sflag:$0x2] =	stream.indirect_vreg.gather [hbm4b:s10+s3], $0x80, v2, vm0, $0xb8;
	[tilespmem:$0x1C100] =	vst v63  }
0x62: {  	s14 =	simm.s32 $0x13900  }
0x63: {  	[tilespmem:s14], [sflag:$0x2] =	stream.indirect_vreg.gather [hbm4b:s11+s3], $0x80, v2, vm0, $0xb8;
	[tilespmem:$0x1C100] =	vst v63  }
0x64: {  	v2 =	vld.msk [tilespmem:$0x10], $0xff;
	_ =	sdelay $0x4  }
0x65: {  	v3 =	vshll.u32 v2, $0x4  }
0x66: {  	v2 =	vand.u32 $0x7, v2;
	v3 =	vand.u32 $0xFFFFFF80, v3  }
0x67: {  	v2 =	vor.u32 v2, v3  }
0x68: {  	v2 =	vperm.xlane v2, v0;
	_ =	sdelay $0x1  }
0x69: {  	v2 =	vadd.s32 v1, v2;
	_ =	sdelay $0x3  }
0x6a: {  	s23 =	simm.s32 $0x14100  }
0x6b: {  	[tilespmem:s23], [sflag:$0x3] =	stream.indirect_vreg.gather [hbm4b:s1+s3], $0x80, v2, vm0, $0xb8;
	[tilespmem:$0x1C100] =	vst v63  }
0x6c: {  	s25 =	simm.s32 $0x14900  }
0x6d: {  	[tilespmem:s25], [sflag:$0x3] =	stream.indirect_vreg.gather [hbm4b:s5+s3], $0x80, v2, vm0, $0xb8;
	[tilespmem:$0x1C100] =	vst v63  }
0x6e: {  	s31 =	simm.s32 $0x15100  }
0x6f: {  	[tilespmem:s31], [sflag:$0x3] =	stream.indirect_vreg.gather [hbm4b:s6+s3], $0x80, v2, vm0, $0xb8;
	[tilespmem:$0x1C100] =	vst v63  }
0x70: {  	s12 =	simm.s32 $0x15900  }
0x71: {  	[tilespmem:s12], [sflag:$0x3] =	stream.indirect_vreg.gather [hbm4b:s7+s3], $0x80, v2, vm0, $0xb8;
	[tilespmem:$0x1C100] =	vst v63  }
0x72: {  	s14 =	simm.s32 $0x16100  }
0x73: {  	[tilespmem:s14], [sflag:$0x3] =	stream.indirect_vreg.gather [hbm4b:s8+s3], $0x80, v2, vm0, $0xb8;
	[tilespmem:$0x1C100] =	vst v63  }
0x74: {  	s23 =	simm.s32 $0x16900  }
0x75: {  	[tilespmem:s23], [sflag:$0x3] =	stream.indirect_vreg.gather [hbm4b:s9+s3], $0x80, v2, vm0, $0xb8;
	[tilespmem:$0x1C100] =	vst v63  }
0x76: {  	s25 =	simm.s32 $0x17100  }
0x77: {  	[tilespmem:s25], [sflag:$0x3] =	stream.indirect_vreg.gather [hbm4b:s10+s3], $0x80, v2, vm0, $0xb8;
	[tilespmem:$0x1C100] =	vst v63  }
0x78: {  	s31 =	simm.s32 $0x17900  }
0x79: {  	[tilespmem:s31], [sflag:$0x3] =	stream.indirect_vreg.gather [hbm4b:s11+s3], $0x80, v2, vm0, $0xb8;
	[tilespmem:$0x1C100] =	vst v63  }
0x7a: {  	_ =	swait.ge [sflag:s28], $0x4000  }
0x7b: {  	[sflag:s28] =	ssyncset.done $0x0  }
0x7c: {  	[sflag:s28] =	ssyncadd.s32 $0xFFFFC000  }
0x7d: {  	s14 =	sld [smem:$0x7FB];
	_ =	sdelay $0x1  }
0x7e: {  	s2 =	simm.s32 $0xC100  }
0x7f: {  	[spmem:s14] =	stream.linear.scatter [tilespmem:s2], [sflag:$0x5], $0x4000, $0x38;
	[tilespmem:$0x1C100] =	vst v63  }
0x80: {  	v2 =	vld.msk [tilespmem:$0x18], $0xff;
	_ =	sdelay $0x4  }
0x81: {  	v3 =	vshll.u32 v2, $0x4  }
0x82: {  	v2 =	vand.u32 $0x7, v2;
	v3 =	vand.u32 $0xFFFFFF80, v3  }
0x83: {  	v2 =	vor.u32 v2, v3  }
0x84: {  	v2 =	vperm.xlane v2, v0;
	_ =	sdelay $0x1  }
0x85: {  	v2 =	vadd.s32 v1, v2;
	_ =	sdelay $0x3  }
0x86: {  	s12 =	simm.s32 $0x18100  }
0x87: {  	[tilespmem:s12], [sflag:$0x4] =	stream.indirect_vreg.gather [hbm4b:s1+s3], $0x80, v2, vm0, $0xb8;
	[tilespmem:$0x1C100] =	vst v63  }
0x88: {  	s23 =	simm.s32 $0x18900  }
0x89: {  	[tilespmem:s23], [sflag:$0x4] =	stream.indirect_vreg.gather [hbm4b:s5+s3], $0x80, v2, vm0, $0xb8;
	[tilespmem:$0x1C100] =	vst v63  }
0x8a: {  	s25 =	simm.s32 $0x19100  }
0x8b: {  	[tilespmem:s25], [sflag:$0x4] =	stream.indirect_vreg.gather [hbm4b:s6+s3], $0x80, v2, vm0, $0xb8;
	[tilespmem:$0x1C100] =	vst v63  }
0x8c: {  	s12 =	simm.s32 $0x19900  }
0x8d: {  	[tilespmem:s12], [sflag:$0x4] =	stream.indirect_vreg.gather [hbm4b:s7+s3], $0x80, v2, vm0, $0xb8;
	[tilespmem:$0x1C100] =	vst v63  }
0x8e: {  	s23 =	simm.s32 $0x1A100  }
0x8f: {  	[tilespmem:s23], [sflag:$0x4] =	stream.indirect_vreg.gather [hbm4b:s8+s3], $0x80, v2, vm0, $0xb8;
	[tilespmem:$0x1C100] =	vst v63  }
0x90: {  	s25 =	simm.s32 $0x1A900  }
0x91: {  	[tilespmem:s25], [sflag:$0x4] =	stream.indirect_vreg.gather [hbm4b:s9+s3], $0x80, v2, vm0, $0xb8;
	[tilespmem:$0x1C100] =	vst v63  }
0x92: {  	s12 =	simm.s32 $0x1B100  }
0x93: {  	[tilespmem:s12], [sflag:$0x4] =	stream.indirect_vreg.gather [hbm4b:s10+s3], $0x80, v2, vm0, $0xb8;
	[tilespmem:$0x1C100] =	vst v63  }
0x94: {  	s23 =	simm.s32 $0x1B900  }
0x95: {  	[tilespmem:s23], [sflag:$0x4] =	stream.indirect_vreg.gather [hbm4b:s11+s3], $0x80, v2, vm0, $0xb8;
	[tilespmem:$0x1C100] =	vst v63  }
0x96: {  	_ =	swait.ge [sflag:s4], $0x4000  }
0x97: {  	s24 =	simm.s32 $0x10100;
	s12 =	stileid.u32;
	[sflag:s4] =	ssyncset.done $0x0  }
0x98: {  	s23 =	simm.s32 $0x5;
	s25 =	rddreg [dreg:$0x6];
	[sflag:s4] =	ssyncadd.s32 $0xFFFFC000  }
0x99: {  	[hbm4b:s25+s3] =	stream.linear.scatter [tilespmem:s24], [sflag:$0xA], $0x4000, $0x38;
	[tilespmem:$0x1C100] =	vst v63  }
0x9a: {  	s0 =	sshll.u32 s12, $0x6;
	_ =	swait.ge [sflag:s23], $0x4000  }
0x9b: {  	s25 =	sshrl.u32 s14, $0x3;
	[sflag:s23] =	ssyncset.done $0x0;
	s12 =	sld [smem:$0x7F7]  }
0x9c: {  	[smem:$0x7EC] =	sst s25;
	[sflag:s23] =	ssyncadd.s32 $0xFFFFC000;
	s23 =	sor.u32 $0x1C0D, s0  }
0x9d: {  	[smem:$0x7ED] =	sst s23  }
0x9e: {  	[hbm:s12], [sflag:s23] =	dma.local [spmem:s25], $0x800  }
0x9f: {  	v2 =	vld.msk [tilespmem:$0x20], $0xff;
	_ =	sdelay $0x4  }
0xa0: {  	v3 =	vshll.u32 v2, $0x4  }
0xa1: {  	v2 =	vand.u32 $0x7, v2;
	v3 =	vand.u32 $0xFFFFFF80, v3  }
0xa2: {  	v2 =	vor.u32 v2, v3  }
0xa3: {  	v2 =	vperm.xlane v2, v0;
	_ =	sdelay $0x1  }
0xa4: {  	v2 =	vadd.s32 v1, v2;
	_ =	sdelay $0x4  }
0xa5: {  	[tilespmem:s2], [sflag:$0x1] =	stream.indirect_vreg.gather [hbm4b:s1+s3], $0x80, v2, vm0, $0xb8;
	[tilespmem:$0x1C100] =	vst v63  }
0xa6: {  	s21 =	simm.s32 $0xC900  }
0xa7: {  	[tilespmem:s21], [sflag:$0x1] =	stream.indirect_vreg.gather [hbm4b:s5+s3], $0x80, v2, vm0, $0xb8;
	[tilespmem:$0x1C100] =	vst v63  }
0xa8: {  	s22 =	simm.s32 $0xD100  }
0xa9: {  	[tilespmem:s22], [sflag:$0x1] =	stream.indirect_vreg.gather [hbm4b:s6+s3], $0x80, v2, vm0, $0xb8;
	[tilespmem:$0x1C100] =	vst v63  }
0xaa: {  	s17 =	simm.s32 $0xD900  }
0xab: {  	[tilespmem:s17], [sflag:$0x1] =	stream.indirect_vreg.gather [hbm4b:s7+s3], $0x80, v2, vm0, $0xb8;
	[tilespmem:$0x1C100] =	vst v63  }
0xac: {  	s15 =	simm.s32 $0xE100  }
0xad: {  	[tilespmem:s15], [sflag:$0x1] =	stream.indirect_vreg.gather [hbm4b:s8+s3], $0x80, v2, vm0, $0xb8;
	[tilespmem:$0x1C100] =	vst v63  }
0xae: {  	s16 =	simm.s32 $0xE900  }
0xaf: {  	[tilespmem:s16], [sflag:$0x1] =	stream.indirect_vreg.gather [hbm4b:s9+s3], $0x80, v2, vm0, $0xb8;
	[tilespmem:$0x1C100] =	vst v63  }
0xb0: {  	s19 =	simm.s32 $0xF100  }
0xb1: {  	[tilespmem:s19], [sflag:$0x1] =	stream.indirect_vreg.gather [hbm4b:s10+s3], $0x80, v2, vm0, $0xb8;
	[tilespmem:$0x1C100] =	vst v63  }
0xb2: {  	s13 =	simm.s32 $0xF900  }
0xb3: {  	[tilespmem:s13], [sflag:$0x1] =	stream.indirect_vreg.gather [hbm4b:s11+s3], $0x80, v2, vm0, $0xb8;
	[tilespmem:$0x1C100] =	vst v63  }
0xb4: {  	_ =	swait.ge [sflag:s18], $0x4000  }
0xb5: {  	s22 =	simm.s32 $0x14100;
	[sflag:s18] =	ssyncset.done $0x0  }
0xb6: {  	s19 =	simm.s32 $0xA;
	s21 =	rddreg [dreg:$0x7];
	[sflag:s18] =	ssyncadd.s32 $0xFFFFC000  }
0xb7: {  	[hbm4b:s21+s3] =	stream.linear.scatter [tilespmem:s22], [sflag:$0xB], $0x4000, $0x38;
	[tilespmem:$0x1C100] =	vst v63  }
0xb8: {  	_ =	swait.ge [sflag:s19], $0x4000  }
0xb9: {  	[sflag:s19] =	ssyncset.done $0x0  }
0xba: {  	[sflag:s19] =	ssyncadd.s32 $0xFFFFC000  }
0xbb: {  	v2 =	vld.msk [tilespmem:$0x28], $0xff;
	_ =	sdelay $0x4  }
0xbc: {  	v3 =	vshll.u32 v2, $0x4  }
0xbd: {  	v2 =	vand.u32 $0x7, v2;
	v3 =	vand.u32 $0xFFFFFF80, v3  }
0xbe: {  	v2 =	vor.u32 v2, v3  }
0xbf: {  	v2 =	vperm.xlane v2, v0;
	_ =	sdelay $0x1  }
0xc0: {  	v2 =	vadd.s32 v1, v2;
	_ =	sdelay $0x4  }
0xc1: {  	[tilespmem:s24], [sflag:$0x2] =	stream.indirect_vreg.gather [hbm4b:s1+s3], $0x80, v2, vm0, $0xb8;
	[tilespmem:$0x1C100] =	vst v63  }
0xc2: {  	s17 =	simm.s32 $0x10900  }
0xc3: {  	[tilespmem:s17], [sflag:$0x2] =	stream.indirect_vreg.gather [hbm4b:s5+s3], $0x80, v2, vm0, $0xb8;
	[tilespmem:$0x1C100] =	vst v63  }
0xc4: {  	s30 =	simm.s32 $0x11100  }
0xc5: {  	[tilespmem:s30], [sflag:$0x2] =	stream.indirect_vreg.gather [hbm4b:s6+s3], $0x80, v2, vm0, $0xb8;
	[tilespmem:$0x1C100] =	vst v63  }
0xc6: {  	s12 =	simm.s32 $0x11900  }
0xc7: {  	[tilespmem:s12], [sflag:$0x2] =	stream.indirect_vreg.gather [hbm4b:s7+s3], $0x80, v2, vm0, $0xb8;
	[tilespmem:$0x1C100] =	vst v63  }
0xc8: {  	s15 =	simm.s32 $0x12100  }
0xc9: {  	[tilespmem:s15], [sflag:$0x2] =	stream.indirect_vreg.gather [hbm4b:s8+s3], $0x80, v2, vm0, $0xb8;
	[tilespmem:$0x1C100] =	vst v63  }
0xca: {  	s16 =	simm.s32 $0x12900  }
0xcb: {  	[tilespmem:s16], [sflag:$0x2] =	stream.indirect_vreg.gather [hbm4b:s9+s3], $0x80, v2, vm0, $0xb8;
	[tilespmem:$0x1C100] =	vst v63  }
0xcc: {  	s29 =	simm.s32 $0x13100  }
0xcd: {  	[tilespmem:s29], [sflag:$0x2] =	stream.indirect_vreg.gather [hbm4b:s10+s3], $0x80, v2, vm0, $0xb8;
	[tilespmem:$0x1C100] =	vst v63  }
0xce: {  	s26 =	simm.s32 $0x13900  }
0xcf: {  	[tilespmem:s26], [sflag:$0x2] =	stream.indirect_vreg.gather [hbm4b:s11+s3], $0x80, v2, vm0, $0xb8;
	[tilespmem:$0x1C100] =	vst v63  }
0xd0: {  	_ =	swait.ge [sflag:s20], $0x4000  }
0xd1: {  	s23 =	sld [smem:$0x7F9]  }
0xd2: {  	[sflag:s20] =	ssyncset.done $0x0  }
0xd3: {  	s21 =	simm.s32 $0x18100;
	s26 =	simm.s32 $0xB;
	[sflag:s20] =	ssyncadd.s32 $0xFFFFC000  }
0xd4: {  	[spmem:s23] =	stream.linear.scatter [tilespmem:s21], [sflag:$0x8], $0x4000, $0x38;
	[tilespmem:$0x1C100] =	vst v63  }
0xd5: {  	_ =	swait.ge [sflag:s26], $0x4000  }
0xd6: {  	[sflag:s26] =	ssyncset.done $0x0  }
0xd7: {  	[sflag:s26] =	ssyncadd.s32 $0xFFFFC000  }
0xd8: {  	v2 =	vld.msk [tilespmem:$0x30], $0xff;
	_ =	sdelay $0x4  }
0xd9: {  	v3 =	vshll.u32 v2, $0x4  }
0xda: {  	v2 =	vand.u32 $0x7, v2;
	v3 =	vand.u32 $0xFFFFFF80, v3  }
0xdb: {  	v2 =	vor.u32 v2, v3  }
0xdc: {  	v2 =	vperm.xlane v2, v0;
	_ =	sdelay $0x1  }
0xdd: {  	v2 =	vadd.s32 v1, v2;
	_ =	sdelay $0x4  }
0xde: {  	[tilespmem:s22], [sflag:$0x3] =	stream.indirect_vreg.gather [hbm4b:s1+s3], $0x80, v2, vm0, $0xb8;
	[tilespmem:$0x1C100] =	vst v63  }
0xdf: {  	s30 =	simm.s32 $0x14900  }
0xe0: {  	[tilespmem:s30], [sflag:$0x3] =	stream.indirect_vreg.gather [hbm4b:s5+s3], $0x80, v2, vm0, $0xb8;
	[tilespmem:$0x1C100] =	vst v63  }
0xe1: {  	s22 =	simm.s32 $0x15100  }
0xe2: {  	[tilespmem:s22], [sflag:$0x3] =	stream.indirect_vreg.gather [hbm4b:s6+s3], $0x80, v2, vm0, $0xb8;
	[tilespmem:$0x1C100] =	vst v63  }
0xe3: {  	s25 =	simm.s32 $0x15900  }
0xe4: {  	[tilespmem:s25], [sflag:$0x3] =	stream.indirect_vreg.gather [hbm4b:s7+s3], $0x80, v2, vm0, $0xb8;
	[tilespmem:$0x1C100] =	vst v63  }
0xe5: {  	s29 =	simm.s32 $0x16100  }
0xe6: {  	[tilespmem:s29], [sflag:$0x3] =	stream.indirect_vreg.gather [hbm4b:s8+s3], $0x80, v2, vm0, $0xb8;
	[tilespmem:$0x1C100] =	vst v63  }
0xe7: {  	s30 =	simm.s32 $0x16900  }
0xe8: {  	[tilespmem:s30], [sflag:$0x3] =	stream.indirect_vreg.gather [hbm4b:s9+s3], $0x80, v2, vm0, $0xb8;
	[tilespmem:$0x1C100] =	vst v63  }
0xe9: {  	s22 =	simm.s32 $0x17100  }
0xea: {  	[tilespmem:s22], [sflag:$0x3] =	stream.indirect_vreg.gather [hbm4b:s10+s3], $0x80, v2, vm0, $0xb8;
	[tilespmem:$0x1C100] =	vst v63  }
0xeb: {  	s31 =	simm.s32 $0x17900  }
0xec: {  	[tilespmem:s31], [sflag:$0x3] =	stream.indirect_vreg.gather [hbm4b:s11+s3], $0x80, v2, vm0, $0xb8;
	[tilespmem:$0x1C100] =	vst v63  }
0xed: {  	_ =	swait.ge [sflag:s28], $0x4000  }
0xee: {  	[sflag:s28] =	ssyncset.done $0x0  }
0xef: {  	s29 =	simm.s32 $0x8;
	s25 =	rddreg [dreg:$0x8];
	[sflag:s28] =	ssyncadd.s32 $0xFFFFC000  }
0xf0: {  	[hbm4b:s25+s3] =	stream.linear.scatter [tilespmem:s2], [sflag:$0x9], $0x4000, $0x38;
	[tilespmem:$0x1C100] =	vst v63  }
0xf1: {  	_ =	swait.ge [sflag:s29], $0x4000  }
0xf2: {  	s31 =	sor.u32 $0x1C0E, s0;
	s30 =	rddreg [dreg:$0x9]  }
0xf3: {  	s23 =	sshrl.u32 s23, $0x3;
	[sflag:s29] =	ssyncset.done $0x0;
	[smem:$0x7F1] =	sst s31  }
0xf4: {  	[smem:$0x7F2] =	sst s23;
	[sflag:s29] =	ssyncadd.s32 $0xFFFFC000  }
0xf5: {  	[hbm:s30], [sflag:s31] =	dma.local [spmem:s23], $0x800  }
0xf6: {  	v2 =	vld.msk [tilespmem:$0x38], $0xff;
	_ =	sdelay $0x4  }
0xf7: {  	v3 =	vshll.u32 v2, $0x4  }
0xf8: {  	v2 =	vand.u32 $0x7, v2;
	v3 =	vand.u32 $0xFFFFFF80, v3  }
0xf9: {  	v2 =	vor.u32 v2, v3  }
0xfa: {  	v2 =	vperm.xlane v2, v0;
	_ =	sdelay $0x1  }
0xfb: {  	v2 =	vadd.s32 v1, v2;
	_ =	sdelay $0x4  }
0xfc: {  	[tilespmem:s21], [sflag:$0x4] =	stream.indirect_vreg.gather [hbm4b:s1+s3], $0x80, v2, vm0, $0xb8;
	[tilespmem:$0x1C100] =	vst v63  }
0xfd: {  	s25 =	simm.s32 $0x18900  }
0xfe: {  	[tilespmem:s25], [sflag:$0x4] =	stream.indirect_vreg.gather [hbm4b:s5+s3], $0x80, v2, vm0, $0xb8;
	[tilespmem:$0x1C100] =	vst v63  }
0xff: {  	s29 =	simm.s32 $0x19100  }
0x100: {  	[tilespmem:s29], [sflag:$0x4] =	stream.indirect_vreg.gather [hbm4b:s6+s3], $0x80, v2, vm0, $0xb8;
	[tilespmem:$0x1C100] =	vst v63  }
0x101: {  	s30 =	simm.s32 $0x19900  }
0x102: {  	[tilespmem:s30], [sflag:$0x4] =	stream.indirect_vreg.gather [hbm4b:s7+s3], $0x80, v2, vm0, $0xb8;
	[tilespmem:$0x1C100] =	vst v63  }
0x103: {  	s31 =	simm.s32 $0x1A100  }
0x104: {  	[tilespmem:s31], [sflag:$0x4] =	stream.indirect_vreg.gather [hbm4b:s8+s3], $0x80, v2, vm0, $0xb8;
	[tilespmem:$0x1C100] =	vst v63  }
0x105: {  	s21 =	simm.s32 $0x1A900  }
0x106: {  	[tilespmem:s21], [sflag:$0x4] =	stream.indirect_vreg.gather [hbm4b:s9+s3], $0x80, v2, vm0, $0xb8;
	[tilespmem:$0x1C100] =	vst v63  }
0x107: {  	s22 =	simm.s32 $0x1B100  }
0x108: {  	[tilespmem:s22], [sflag:$0x4] =	stream.indirect_vreg.gather [hbm4b:s10+s3], $0x80, v2, vm0, $0xb8;
	[tilespmem:$0x1C100] =	vst v63  }
0x109: {  	s25 =	simm.s32 $0x1B900  }
0x10a: {  	[tilespmem:s25], [sflag:$0x4] =	stream.indirect_vreg.gather [hbm4b:s11+s3], $0x80, v2, vm0, $0xb8;
	[tilespmem:$0x1C100] =	vst v63  }
0x10b: {  	_ =	swait.ge [sflag:s4], $0x4000  }
0x10c: {  	[sflag:s4] =	ssyncset.done $0x0  }
0x10d: {  	s29 =	rddreg [dreg:$0xa];
	[sflag:s4] =	ssyncadd.s32 $0xFFFFC000  }
0x10e: {  	[hbm4b:s29+s3] =	stream.linear.scatter [tilespmem:s24], [sflag:$0xA], $0x4000, $0x38;
	[tilespmem:$0x1C100] =	vst v63  }
0x10f: {  	s29 =	simm.s32 $0x9  }
0x110: {  	_ =	swait.ge [sflag:s29], $0x4000  }
0x111: {  	[sflag:s29] =	ssyncset.done $0x0  }
0x112: {  	[sflag:s29] =	ssyncadd.s32 $0xFFFFC000  }
0x113: {  	v2 =	vld.msk [tilespmem:$0x40], $0xff;
	_ =	sdelay $0x4  }
0x114: {  	v3 =	vshll.u32 v2, $0x4  }
0x115: {  	v2 =	vand.u32 $0x7, v2;
	v3 =	vand.u32 $0xFFFFFF80, v3  }
0x116: {  	v2 =	vor.u32 v2, v3  }
0x117: {  	v2 =	vperm.xlane v2, v0;
	_ =	sdelay $0x1  }
0x118: {  	v2 =	vadd.s32 v1, v2;
	_ =	sdelay $0x4  }
0x119: {  	[tilespmem:s2], [sflag:$0x1] =	stream.indirect_vreg.gather [hbm4b:s1+s3], $0x80, v2, vm0, $0xb8;
	[tilespmem:$0x1C100] =	vst v63  }
0x11a: {  	s21 =	simm.s32 $0xC900  }
0x11b: {  	[tilespmem:s21], [sflag:$0x1] =	stream.indirect_vreg.gather [hbm4b:s5+s3], $0x80, v2, vm0, $0xb8;
	[tilespmem:$0x1C100] =	vst v63  }
0x11c: {  	s30 =	simm.s32 $0xD100  }
0x11d: {  	[tilespmem:s30], [sflag:$0x1] =	stream.indirect_vreg.gather [hbm4b:s6+s3], $0x80, v2, vm0, $0xb8;
	[tilespmem:$0x1C100] =	vst v63  }
0x11e: {  	s25 =	simm.s32 $0xD900  }
0x11f: {  	[tilespmem:s25], [sflag:$0x1] =	stream.indirect_vreg.gather [hbm4b:s7+s3], $0x80, v2, vm0, $0xb8;
	[tilespmem:$0x1C100] =	vst v63  }
0x120: {  	s31 =	simm.s32 $0xE100  }
0x121: {  	[tilespmem:s31], [sflag:$0x1] =	stream.indirect_vreg.gather [hbm4b:s8+s3], $0x80, v2, vm0, $0xb8;
	[tilespmem:$0x1C100] =	vst v63  }
0x122: {  	s13 =	simm.s32 $0xE900  }
0x123: {  	[tilespmem:s13], [sflag:$0x1] =	stream.indirect_vreg.gather [hbm4b:s9+s3], $0x80, v2, vm0, $0xb8;
	[tilespmem:$0x1C100] =	vst v63  }
0x124: {  	s22 =	simm.s32 $0xF100  }
0x125: {  	[tilespmem:s22], [sflag:$0x1] =	stream.indirect_vreg.gather [hbm4b:s10+s3], $0x80, v2, vm0, $0xb8;
	[tilespmem:$0x1C100] =	vst v63  }
0x126: {  	s30 =	simm.s32 $0xF900  }
0x127: {  	[tilespmem:s30], [sflag:$0x1] =	stream.indirect_vreg.gather [hbm4b:s11+s3], $0x80, v2, vm0, $0xb8;
	[tilespmem:$0x1C100] =	vst v63  }
0x128: {  	_ =	swait.ge [sflag:s18], $0x4000  }
0x129: {  	s30 =	sld [smem:$0x7FC]  }
0x12a: {  	[sflag:s18] =	ssyncset.done $0x0  }
0x12b: {  	s22 =	simm.s32 $0x14100;
	[sflag:s18] =	ssyncadd.s32 $0xFFFFC000  }
0x12c: {  	[spmem:s30] =	stream.linear.scatter [tilespmem:s22], [sflag:$0x7], $0x4000, $0x38;
	[tilespmem:$0x1C100] =	vst v63  }
0x12d: {  	_ =	swait.ge [sflag:s19], $0x4000  }
0x12e: {  	[sflag:s19] =	ssyncset.done $0x0  }
0x12f: {  	[sflag:s19] =	ssyncadd.s32 $0xFFFFC000  }
0x130: {  	v2 =	vld.msk [tilespmem:$0x48], $0xff;
	_ =	sdelay $0x4  }
0x131: {  	v3 =	vshll.u32 v2, $0x4  }
0x132: {  	v2 =	vand.u32 $0x7, v2;
	v3 =	vand.u32 $0xFFFFFF80, v3  }
0x133: {  	v2 =	vor.u32 v2, v3  }
0x134: {  	v2 =	vperm.xlane v2, v0;
	_ =	sdelay $0x1  }
0x135: {  	v2 =	vadd.s32 v1, v2;
	_ =	sdelay $0x4  }
0x136: {  	[tilespmem:s24], [sflag:$0x2] =	stream.indirect_vreg.gather [hbm4b:s1+s3], $0x80, v2, vm0, $0xb8;
	[tilespmem:$0x1C100] =	vst v63  }
0x137: {  	_ = 	snop  }
0x138: {  	[tilespmem:s17], [sflag:$0x2] =	stream.indirect_vreg.gather [hbm4b:s5+s3], $0x80, v2, vm0, $0xb8;
	[tilespmem:$0x1C100] =	vst v63  }
0x139: {  	s31 =	simm.s32 $0x11100  }
0x13a: {  	[tilespmem:s31], [sflag:$0x2] =	stream.indirect_vreg.gather [hbm4b:s6+s3], $0x80, v2, vm0, $0xb8;
	[tilespmem:$0x1C100] =	vst v63  }
0x13b: {  	_ = 	snop  }
0x13c: {  	[tilespmem:s12], [sflag:$0x2] =	stream.indirect_vreg.gather [hbm4b:s7+s3], $0x80, v2, vm0, $0xb8;
	[tilespmem:$0x1C100] =	vst v63  }
0x13d: {  	_ = 	snop  }
0x13e: {  	[tilespmem:s15], [sflag:$0x2] =	stream.indirect_vreg.gather [hbm4b:s8+s3], $0x80, v2, vm0, $0xb8;
	[tilespmem:$0x1C100] =	vst v63  }
0x13f: {  	_ = 	snop  }
0x140: {  	[tilespmem:s16], [sflag:$0x2] =	stream.indirect_vreg.gather [hbm4b:s9+s3], $0x80, v2, vm0, $0xb8;
	[tilespmem:$0x1C100] =	vst v63  }
0x141: {  	s13 =	simm.s32 $0x13100  }
0x142: {  	[tilespmem:s13], [sflag:$0x2] =	stream.indirect_vreg.gather [hbm4b:s10+s3], $0x80, v2, vm0, $0xb8;
	[tilespmem:$0x1C100] =	vst v63  }
0x143: {  	s15 =	simm.s32 $0x13900  }
0x144: {  	[tilespmem:s15], [sflag:$0x2] =	stream.indirect_vreg.gather [hbm4b:s11+s3], $0x80, v2, vm0, $0xb8;
	[tilespmem:$0x1C100] =	vst v63  }
0x145: {  	_ =	swait.ge [sflag:s20], $0x4000  }
0x146: {  	s23 =	simm.s32 $0x18100;
	[sflag:s20] =	ssyncset.done $0x0  }
0x147: {  	s17 =	simm.s32 $0x7;
	s16 =	rddreg [dreg:$0xb];
	[sflag:s20] =	ssyncadd.s32 $0xFFFFC000  }
0x148: {  	[hbm4b:s16+s3] =	stream.linear.scatter [tilespmem:s23], [sflag:$0xC], $0x4000, $0x38;
	[tilespmem:$0x1C100] =	vst v63  }
0x149: {  	_ =	swait.ge [sflag:s17], $0x4000  }
0x14a: {  	s0 =	sor.u32 $0x1C0F, s0;
	s24 =	rddreg [dreg:$0xc]  }
0x14b: {  	s31 =	sshrl.u32 s30, $0x3;
	[sflag:s17] =	ssyncset.done $0x0;
	[smem:$0x7F0] =	sst s0  }
0x14c: {  	[smem:$0x7EF] =	sst s31;
	[sflag:s17] =	ssyncadd.s32 $0xFFFFC000  }
0x14d: {  	[hbm:s24], [sflag:s0] =	dma.local [spmem:s31], $0x800  }
0x14e: {  	v2 =	vld.msk [tilespmem:$0x50], $0xff;
	_ =	sdelay $0x4  }
0x14f: {  	v3 =	vshll.u32 v2, $0x4  }
0x150: {  	v2 =	vand.u32 $0x7, v2;
	v3 =	vand.u32 $0xFFFFFF80, v3  }
0x151: {  	v2 =	vor.u32 v2, v3  }
0x152: {  	v2 =	vperm.xlane v2, v0;
	_ =	sdelay $0x1  }
0x153: {  	v2 =	vadd.s32 v1, v2;
	_ =	sdelay $0x4  }
0x154: {  	[tilespmem:s22], [sflag:$0x3] =	stream.indirect_vreg.gather [hbm4b:s1+s3], $0x80, v2, vm0, $0xb8;
	[tilespmem:$0x1C100] =	vst v63  }
0x155: {  	s12 =	simm.s32 $0x14900  }
0x156: {  	[tilespmem:s12], [sflag:$0x3] =	stream.indirect_vreg.gather [hbm4b:s5+s3], $0x80, v2, vm0, $0xb8;
	[tilespmem:$0x1C100] =	vst v63  }
0x157: {  	s22 =	simm.s32 $0x15100  }
0x158: {  	[tilespmem:s22], [sflag:$0x3] =	stream.indirect_vreg.gather [hbm4b:s6+s3], $0x80, v2, vm0, $0xb8;
	[tilespmem:$0x1C100] =	vst v63  }
0x159: {  	s15 =	simm.s32 $0x15900  }
0x15a: {  	[tilespmem:s15], [sflag:$0x3] =	stream.indirect_vreg.gather [hbm4b:s7+s3], $0x80, v2, vm0, $0xb8;
	[tilespmem:$0x1C100] =	vst v63  }
0x15b: {  	s13 =	smov.u32 s30;
	s30 =	simm.s32 $0x16100  }
0x15c: {  	[tilespmem:s30], [sflag:$0x3] =	stream.indirect_vreg.gather [hbm4b:s8+s3], $0x80, v2, vm0, $0xb8;
	[tilespmem:$0x1C100] =	vst v63  }
0x15d: {  	s16 =	simm.s32 $0x16900  }
0x15e: {  	[tilespmem:s16], [sflag:$0x3] =	stream.indirect_vreg.gather [hbm4b:s9+s3], $0x80, v2, vm0, $0xb8;
	[tilespmem:$0x1C100] =	vst v63  }
0x15f: {  	s15 =	simm.s32 $0x17100  }
0x160: {  	[tilespmem:s15], [sflag:$0x3] =	stream.indirect_vreg.gather [hbm4b:s10+s3], $0x80, v2, vm0, $0xb8;
	[tilespmem:$0x1C100] =	vst v63  }
0x161: {  	s31 =	simm.s32 $0x17900  }
0x162: {  	[tilespmem:s31], [sflag:$0x3] =	stream.indirect_vreg.gather [hbm4b:s11+s3], $0x80, v2, vm0, $0xb8;
	[tilespmem:$0x1C100] =	vst v63  }
0x163: {  	_ =	swait.ge [sflag:s28], $0x4000  }
0x164: {  	[sflag:s28] =	ssyncset.done $0x0  }
0x165: {  	s0 =	simm.s32 $0xC100;
	s17 =	rddreg [dreg:$0xd];
	[sflag:s28] =	ssyncadd.s32 $0xFFFFC000  }
0x166: {  	[hbm4b:s17+s3] =	stream.linear.scatter [tilespmem:s0], [sflag:$0x9], $0x4000, $0x38;
	[tilespmem:$0x1C100] =	vst v63  }
0x167: {  	s17 =	simm.s32 $0xC  }
0x168: {  	_ =	swait.ge [sflag:s17], $0x4000  }
0x169: {  	[sflag:s17] =	ssyncset.done $0x0  }
0x16a: {  	[sflag:s17] =	ssyncadd.s32 $0xFFFFC000  }
0x16b: {  	v2 =	vld.msk [tilespmem:$0x58], $0xff;
	_ =	sdelay $0x4  }
0x16c: {  	v3 =	vshll.u32 v2, $0x4  }
0x16d: {  	v2 =	vand.u32 $0x7, v2;
	v3 =	vand.u32 $0xFFFFFF80, v3  }
0x16e: {  	v2 =	vor.u32 v2, v3  }
0x16f: {  	v2 =	vperm.xlane v2, v0;
	_ =	sdelay $0x1  }
0x170: {  	v2 =	vadd.s32 v1, v2;
	_ =	sdelay $0x3  }
0x171: {  	s23 =	simm.s32 $0x18100  }
0x172: {  	[tilespmem:s23], [sflag:$0x4] =	stream.indirect_vreg.gather [hbm4b:s1+s3], $0x80, v2, vm0, $0xb8;
	[tilespmem:$0x1C100] =	vst v63  }
0x173: {  	s16 =	simm.s32 $0x18900  }
0x174: {  	[tilespmem:s16], [sflag:$0x4] =	stream.indirect_vreg.gather [hbm4b:s5+s3], $0x80, v2, vm0, $0xb8;
	[tilespmem:$0x1C100] =	vst v63  }
0x175: {  	s16 =	simm.s32 $0x19100  }
0x176: {  	[tilespmem:s16], [sflag:$0x4] =	stream.indirect_vreg.gather [hbm4b:s6+s3], $0x80, v2, vm0, $0xb8;
	[tilespmem:$0x1C100] =	vst v63  }
0x177: {  	s16 =	simm.s32 $0x19900  }
0x178: {  	[tilespmem:s16], [sflag:$0x4] =	stream.indirect_vreg.gather [hbm4b:s7+s3], $0x80, v2, vm0, $0xb8;
	[tilespmem:$0x1C100] =	vst v63  }
0x179: {  	s16 =	simm.s32 $0x1A100  }
0x17a: {  	[tilespmem:s16], [sflag:$0x4] =	stream.indirect_vreg.gather [hbm4b:s8+s3], $0x80, v2, vm0, $0xb8;
	[tilespmem:$0x1C100] =	vst v63  }
0x17b: {  	s16 =	simm.s32 $0x1A900  }
0x17c: {  	[tilespmem:s16], [sflag:$0x4] =	stream.indirect_vreg.gather [hbm4b:s9+s3], $0x80, v2, vm0, $0xb8;
	[tilespmem:$0x1C100] =	vst v63  }
0x17d: {  	s16 =	simm.s32 $0x1B100  }
0x17e: {  	[tilespmem:s16], [sflag:$0x4] =	stream.indirect_vreg.gather [hbm4b:s10+s3], $0x80, v2, vm0, $0xb8;
	[tilespmem:$0x1C100] =	vst v63  }
0x17f: {  	s16 =	simm.s32 $0x1B900  }
0x180: {  	[tilespmem:s16], [sflag:$0x4] =	stream.indirect_vreg.gather [hbm4b:s11+s3], $0x80, v2, vm0, $0xb8;
	[tilespmem:$0x1C100] =	vst v63  }
0x181: {  	s16 =	simm.s32 $0xD  }
0x182: {  	_ =	swait.ge [sflag:s16], $0x800  }
0x183: {  	[sflag:s16] =	ssyncset.done $0x0  }
0x184: {  	[sflag:s16] =	ssyncadd.s32 $0xFFFFF800  }
0x185: {  	_ =	swait.ge [sflag:s4], $0x4000  }
0x186: {  	[sflag:s4] =	ssyncset.done $0x0  }
0x187: {  	s16 =	simm.s32 $0x10100;
	[sflag:s4] =	ssyncadd.s32 $0xFFFFC000  }
0x188: {  	[spmem:s14] =	stream.linear.scatter [tilespmem:s16], [sflag:$0x6], $0x4000, $0x38;
	[tilespmem:$0x1C100] =	vst v63  }
0x189: {  	_ =	swait.ge [sflag:s29], $0x4000  }
0x18a: {  	[sflag:s29] =	ssyncset.done $0x0  }
0x18b: {  	[sflag:s29] =	ssyncadd.s32 $0xFFFFC000  }
0x18c: {  	v2 =	vld.msk [tilespmem:$0x60], $0xff;
	_ =	sdelay $0x4  }
0x18d: {  	v3 =	vshll.u32 v2, $0x4  }
0x18e: {  	v2 =	vand.u32 $0x7, v2;
	v3 =	vand.u32 $0xFFFFFF80, v3  }
0x18f: {  	v2 =	vor.u32 v2, v3  }
0x190: {  	v2 =	vperm.xlane v2, v0;
	_ =	sdelay $0x1  }
0x191: {  	v2 =	vadd.s32 v1, v2;
	_ =	sdelay $0x4  }
0x192: {  	[tilespmem:s0], [sflag:$0x1] =	stream.indirect_vreg.gather [hbm4b:s1+s3], $0x80, v2, vm0, $0xb8;
	[tilespmem:$0x1C100] =	vst v63  }
0x193: {  	_ = 	snop  }
0x194: {  	[tilespmem:s21], [sflag:$0x1] =	stream.indirect_vreg.gather [hbm4b:s5+s3], $0x80, v2, vm0, $0xb8;
	[tilespmem:$0x1C100] =	vst v63  }
0x195: {  	s21 =	simm.s32 $0xD100  }
0x196: {  	[tilespmem:s21], [sflag:$0x1] =	stream.indirect_vreg.gather [hbm4b:s6+s3], $0x80, v2, vm0, $0xb8;
	[tilespmem:$0x1C100] =	vst v63  }
0x197: {  	_ = 	snop  }
0x198: {  	[tilespmem:s25], [sflag:$0x1] =	stream.indirect_vreg.gather [hbm4b:s7+s3], $0x80, v2, vm0, $0xb8;
	[tilespmem:$0x1C100] =	vst v63  }
0x199: {  	s12 =	simm.s32 $0xE100  }
0x19a: {  	[tilespmem:s12], [sflag:$0x1] =	stream.indirect_vreg.gather [hbm4b:s8+s3], $0x80, v2, vm0, $0xb8;
	[tilespmem:$0x1C100] =	vst v63  }
0x19b: {  	s14 =	simm.s32 $0xE900  }
0x19c: {  	[tilespmem:s14], [sflag:$0x1] =	stream.indirect_vreg.gather [hbm4b:s9+s3], $0x80, v2, vm0, $0xb8;
	[tilespmem:$0x1C100] =	vst v63  }
0x19d: {  	s21 =	simm.s32 $0xF100  }
0x19e: {  	[tilespmem:s21], [sflag:$0x1] =	stream.indirect_vreg.gather [hbm4b:s10+s3], $0x80, v2, vm0, $0xb8;
	[tilespmem:$0x1C100] =	vst v63  }
0x19f: {  	s25 =	simm.s32 $0xF900  }
0x1a0: {  	[tilespmem:s25], [sflag:$0x1] =	stream.indirect_vreg.gather [hbm4b:s11+s3], $0x80, v2, vm0, $0xb8;
	[tilespmem:$0x1C100] =	vst v63  }
0x1a1: {  	_ =	swait.ge [sflag:s18], $0x4000  }
0x1a2: {  	s2 =	simm.s32 $0x14100;
	[sflag:s18] =	ssyncset.done $0x0  }
0x1a3: {  	s12 =	simm.s32 $0x6;
	s0 =	rddreg [dreg:$0xe];
	[sflag:s18] =	ssyncadd.s32 $0xFFFFC000  }
0x1a4: {  	[hbm4b:s0+s3] =	stream.linear.scatter [tilespmem:s2], [sflag:$0xB], $0x4000, $0x38;
	[tilespmem:$0x1C100] =	vst v63  }
0x1a5: {  	_ =	swait.ge [sflag:s12], $0x4000  }
0x1a6: {  	s21 =	sld [smem:$0x7EC]  }
0x1a7: {  	s25 =	sld [smem:$0x7ED]  }
0x1a8: {  	[sflag:s12] =	ssyncset.done $0x0  }
0x1a9: {  	s14 =	rddreg [dreg:$0xf];
	[sflag:s12] =	ssyncadd.s32 $0xFFFFC000  }
0x1aa: {  	[hbm:s14], [sflag:s25] =	dma.local [spmem:s21], $0x800  }
0x1ab: {  	v2 =	vld.msk [tilespmem:$0x68], $0xff;
	_ =	sdelay $0x4  }
0x1ac: {  	v3 =	vshll.u32 v2, $0x4  }
0x1ad: {  	v2 =	vand.u32 $0x7, v2;
	v3 =	vand.u32 $0xFFFFFF80, v3  }
0x1ae: {  	v2 =	vor.u32 v2, v3  }
0x1af: {  	v2 =	vperm.xlane v2, v0;
	_ =	sdelay $0x1  }
0x1b0: {  	v2 =	vadd.s32 v1, v2;
	_ =	sdelay $0x4  }
0x1b1: {  	[tilespmem:s16], [sflag:$0x2] =	stream.indirect_vreg.gather [hbm4b:s1+s3], $0x80, v2, vm0, $0xb8;
	[tilespmem:$0x1C100] =	vst v63  }
0x1b2: {  	s16 =	simm.s32 $0x10900  }
0x1b3: {  	[tilespmem:s16], [sflag:$0x2] =	stream.indirect_vreg.gather [hbm4b:s5+s3], $0x80, v2, vm0, $0xb8;
	[tilespmem:$0x1C100] =	vst v63  }
0x1b4: {  	s12 =	simm.s32 $0x11100  }
0x1b5: {  	[tilespmem:s12], [sflag:$0x2] =	stream.indirect_vreg.gather [hbm4b:s6+s3], $0x80, v2, vm0, $0xb8;
	[tilespmem:$0x1C100] =	vst v63  }
0x1b6: {  	s25 =	simm.s32 $0x11900  }
0x1b7: {  	[tilespmem:s25], [sflag:$0x2] =	stream.indirect_vreg.gather [hbm4b:s7+s3], $0x80, v2, vm0, $0xb8;
	[tilespmem:$0x1C100] =	vst v63  }
0x1b8: {  	s21 =	simm.s32 $0x12100  }
0x1b9: {  	[tilespmem:s21], [sflag:$0x2] =	stream.indirect_vreg.gather [hbm4b:s8+s3], $0x80, v2, vm0, $0xb8;
	[tilespmem:$0x1C100] =	vst v63  }
0x1ba: {  	s12 =	simm.s32 $0x12900  }
0x1bb: {  	[tilespmem:s12], [sflag:$0x2] =	stream.indirect_vreg.gather [hbm4b:s9+s3], $0x80, v2, vm0, $0xb8;
	[tilespmem:$0x1C100] =	vst v63  }
0x1bc: {  	s21 =	simm.s32 $0x13100  }
0x1bd: {  	[tilespmem:s21], [sflag:$0x2] =	stream.indirect_vreg.gather [hbm4b:s10+s3], $0x80, v2, vm0, $0xb8;
	[tilespmem:$0x1C100] =	vst v63  }
0x1be: {  	s21 =	simm.s32 $0x13900  }
0x1bf: {  	[tilespmem:s21], [sflag:$0x2] =	stream.indirect_vreg.gather [hbm4b:s11+s3], $0x80, v2, vm0, $0xb8;
	[tilespmem:$0x1C100] =	vst v63  }
0x1c0: {  	_ =	swait.ge [sflag:s20], $0x4000  }
0x1c1: {  	[sflag:s20] =	ssyncset.done $0x0  }
0x1c2: {  	s0 =	rddreg [dreg:$0x10];
	[sflag:s20] =	ssyncadd.s32 $0xFFFFC000  }
0x1c3: {  	[hbm4b:s0+s3] =	stream.linear.scatter [tilespmem:s23], [sflag:$0xC], $0x4000, $0x38;
	[tilespmem:$0x1C100] =	vst v63  }
0x1c4: {  	_ =	swait.ge [sflag:s26], $0x4000  }
0x1c5: {  	[sflag:s26] =	ssyncset.done $0x0  }
0x1c6: {  	[sflag:s26] =	ssyncadd.s32 $0xFFFFC000  }
0x1c7: {  	v2 =	vld.msk [tilespmem:$0x70], $0xff;
	_ =	sdelay $0x4  }
0x1c8: {  	v3 =	vshll.u32 v2, $0x4  }
0x1c9: {  	v2 =	vand.u32 $0x7, v2;
	v3 =	vand.u32 $0xFFFFFF80, v3  }
0x1ca: {  	v2 =	vor.u32 v2, v3  }
0x1cb: {  	v2 =	vperm.xlane v2, v0;
	_ =	sdelay $0x1  }
0x1cc: {  	v2 =	vadd.s32 v1, v2;
	_ =	sdelay $0x3  }
0x1cd: {  	s2 =	simm.s32 $0x14100  }
0x1ce: {  	[tilespmem:s2], [sflag:$0x3] =	stream.indirect_vreg.gather [hbm4b:s1+s3], $0x80, v2, vm0, $0xb8;
	[tilespmem:$0x1C100] =	vst v63  }
0x1cf: {  	s24 =	simm.s32 $0x14900  }
0x1d0: {  	[tilespmem:s24], [sflag:$0x3] =	stream.indirect_vreg.gather [hbm4b:s5+s3], $0x80, v2, vm0, $0xb8;
	[tilespmem:$0x1C100] =	vst v63  }
0x1d1: {  	_ = 	snop  }
0x1d2: {  	[tilespmem:s22], [sflag:$0x3] =	stream.indirect_vreg.gather [hbm4b:s6+s3], $0x80, v2, vm0, $0xb8;
	[tilespmem:$0x1C100] =	vst v63  }
0x1d3: {  	s24 =	simm.s32 $0x15900  }
0x1d4: {  	[tilespmem:s24], [sflag:$0x3] =	stream.indirect_vreg.gather [hbm4b:s7+s3], $0x80, v2, vm0, $0xb8;
	[tilespmem:$0x1C100] =	vst v63  }
0x1d5: {  	_ = 	snop  }
0x1d6: {  	[tilespmem:s30], [sflag:$0x3] =	stream.indirect_vreg.gather [hbm4b:s8+s3], $0x80, v2, vm0, $0xb8;
	[tilespmem:$0x1C100] =	vst v63  }
0x1d7: {  	s12 =	simm.s32 $0x16900  }
0x1d8: {  	[tilespmem:s12], [sflag:$0x3] =	stream.indirect_vreg.gather [hbm4b:s9+s3], $0x80, v2, vm0, $0xb8;
	[tilespmem:$0x1C100] =	vst v63  }
0x1d9: {  	_ = 	snop  }
0x1da: {  	[tilespmem:s15], [sflag:$0x3] =	stream.indirect_vreg.gather [hbm4b:s10+s3], $0x80, v2, vm0, $0xb8;
	[tilespmem:$0x1C100] =	vst v63  }
0x1db: {  	_ = 	snop  }
0x1dc: {  	[tilespmem:s31], [sflag:$0x3] =	stream.indirect_vreg.gather [hbm4b:s11+s3], $0x80, v2, vm0, $0xb8;
	[tilespmem:$0x1C100] =	vst v63  }
0x1dd: {  	s31 =	simm.s32 $0xE  }
0x1de: {  	_ =	swait.ge [sflag:s31], $0x800  }
0x1df: {  	[sflag:s31] =	ssyncset.done $0x0  }
0x1e0: {  	[sflag:s31] =	ssyncadd.s32 $0xFFFFF800  }
0x1e1: {  	_ =	swait.ge [sflag:s28], $0x4000  }
0x1e2: {  	s30 =	sld [smem:$0x7F9]  }
0x1e3: {  	[sflag:s28] =	ssyncset.done $0x0  }
0x1e4: {  	s15 =	simm.s32 $0xC100;
	[sflag:s28] =	ssyncadd.s32 $0xFFFFC000  }
0x1e5: {  	[spmem:s30] =	stream.linear.scatter [tilespmem:s15], [sflag:$0x5], $0x4000, $0x38;
	[tilespmem:$0x1C100] =	vst v63  }
0x1e6: {  	_ =	swait.ge [sflag:s17], $0x4000  }
0x1e7: {  	[sflag:s17] =	ssyncset.done $0x0  }
0x1e8: {  	[sflag:s17] =	ssyncadd.s32 $0xFFFFC000  }
0x1e9: {  	v2 =	vld.msk [tilespmem:$0x78], $0xff;
	_ =	sdelay $0x4  }
0x1ea: {  	v3 =	vshll.u32 v2, $0x4  }
0x1eb: {  	v2 =	vand.u32 $0x7, v2;
	v3 =	vand.u32 $0xFFFFFF80, v3  }
0x1ec: {  	v2 =	vor.u32 v2, v3  }
0x1ed: {  	v2 =	vperm.xlane v2, v0;
	_ =	sdelay $0x1  }
0x1ee: {  	v2 =	vadd.s32 v1, v2;
	_ =	sdelay $0x4  }
0x1ef: {  	[tilespmem:s23], [sflag:$0x4] =	stream.indirect_vreg.gather [hbm4b:s1+s3], $0x80, v2, vm0, $0xb8;
	[tilespmem:$0x1C100] =	vst v63  }
0x1f0: {  	s22 =	simm.s32 $0x18900  }
0x1f1: {  	[tilespmem:s22], [sflag:$0x4] =	stream.indirect_vreg.gather [hbm4b:s5+s3], $0x80, v2, vm0, $0xb8;
	[tilespmem:$0x1C100] =	vst v63  }
0x1f2: {  	s23 =	simm.s32 $0x19100  }
0x1f3: {  	[tilespmem:s23], [sflag:$0x4] =	stream.indirect_vreg.gather [hbm4b:s6+s3], $0x80, v2, vm0, $0xb8;
	[tilespmem:$0x1C100] =	vst v63  }
0x1f4: {  	s24 =	simm.s32 $0x19900  }
0x1f5: {  	[tilespmem:s24], [sflag:$0x4] =	stream.indirect_vreg.gather [hbm4b:s7+s3], $0x80, v2, vm0, $0xb8;
	[tilespmem:$0x1C100] =	vst v63  }
0x1f6: {  	s12 =	simm.s32 $0x1A100  }
0x1f7: {  	[tilespmem:s12], [sflag:$0x4] =	stream.indirect_vreg.gather [hbm4b:s8+s3], $0x80, v2, vm0, $0xb8;
	[tilespmem:$0x1C100] =	vst v63  }
0x1f8: {  	s22 =	simm.s32 $0x1A900  }
0x1f9: {  	[tilespmem:s22], [sflag:$0x4] =	stream.indirect_vreg.gather [hbm4b:s9+s3], $0x80, v2, vm0, $0xb8;
	[tilespmem:$0x1C100] =	vst v63  }
0x1fa: {  	s23 =	simm.s32 $0x1B100  }
0x1fb: {  	[tilespmem:s23], [sflag:$0x4] =	stream.indirect_vreg.gather [hbm4b:s10+s3], $0x80, v2, vm0, $0xb8;
	[tilespmem:$0x1C100] =	vst v63  }
0x1fc: {  	s24 =	simm.s32 $0x1B900  }
0x1fd: {  	[tilespmem:s24], [sflag:$0x4] =	stream.indirect_vreg.gather [hbm4b:s11+s3], $0x80, v2, vm0, $0xb8;
	[tilespmem:$0x1C100] =	vst v63  }
0x1fe: {  	_ =	swait.ge [sflag:s4], $0x4000  }
0x1ff: {  	s14 =	simm.s32 $0x10100;
	[sflag:s4] =	ssyncset.done $0x0  }
0x200: {  	s22 =	simm.s32 $0x5;
	s0 =	rddreg [dreg:$0x11];
	[sflag:s4] =	ssyncadd.s32 $0xFFFFC000  }
0x201: {  	[hbm4b:s0+s3] =	stream.linear.scatter [tilespmem:s14], [sflag:$0xA], $0x4000, $0x38;
	[tilespmem:$0x1C100] =	vst v63  }
0x202: {  	_ =	swait.ge [sflag:s22], $0x4000  }
0x203: {  	[sflag:s22] =	ssyncset.done $0x0;
	s0 =	sld [smem:$0x7F2]  }
0x204: {  	[sflag:s22] =	ssyncadd.s32 $0xFFFFC000;
	s22 =	sld [smem:$0x7F1];
	_ =	sdelay $0x1  }
0x205: {  	s23 =	rddreg [dreg:$0x12]  }
0x206: {  	[hbm:s23], [sflag:s22] =	dma.local [spmem:s0], $0x800  }
0x207: {  	v2 =	vld.msk [tilespmem:$0x80], $0xff;
	_ =	sdelay $0x4  }
0x208: {  	v3 =	vshll.u32 v2, $0x4  }
0x209: {  	v2 =	vand.u32 $0x7, v2;
	v3 =	vand.u32 $0xFFFFFF80, v3  }
0x20a: {  	v2 =	vor.u32 v2, v3  }
0x20b: {  	v2 =	vperm.xlane v2, v0;
	_ =	sdelay $0x1  }
0x20c: {  	v2 =	vadd.s32 v1, v2;
	_ =	sdelay $0x4  }
0x20d: {  	[tilespmem:s15], [sflag:$0x1] =	stream.indirect_vreg.gather [hbm4b:s1+s3], $0x80, v2, vm0, $0xb8;
	[tilespmem:$0x1C100] =	vst v63  }
0x20e: {  	s24 =	simm.s32 $0xC900  }
0x20f: {  	[tilespmem:s24], [sflag:$0x1] =	stream.indirect_vreg.gather [hbm4b:s5+s3], $0x80, v2, vm0, $0xb8;
	[tilespmem:$0x1C100] =	vst v63  }
0x210: {  	s24 =	simm.s32 $0xD100  }
0x211: {  	[tilespmem:s24], [sflag:$0x1] =	stream.indirect_vreg.gather [hbm4b:s6+s3], $0x80, v2, vm0, $0xb8;
	[tilespmem:$0x1C100] =	vst v63  }
0x212: {  	s15 =	simm.s32 $0xD900  }
0x213: {  	[tilespmem:s15], [sflag:$0x1] =	stream.indirect_vreg.gather [hbm4b:s7+s3], $0x80, v2, vm0, $0xb8;
	[tilespmem:$0x1C100] =	vst v63  }
0x214: {  	s15 =	simm.s32 $0xE100  }
0x215: {  	[tilespmem:s15], [sflag:$0x1] =	stream.indirect_vreg.gather [hbm4b:s8+s3], $0x80, v2, vm0, $0xb8;
	[tilespmem:$0x1C100] =	vst v63  }
0x216: {  	s15 =	simm.s32 $0xE900  }
0x217: {  	[tilespmem:s15], [sflag:$0x1] =	stream.indirect_vreg.gather [hbm4b:s9+s3], $0x80, v2, vm0, $0xb8;
	[tilespmem:$0x1C100] =	vst v63  }
0x218: {  	s15 =	simm.s32 $0xF100  }
0x219: {  	[tilespmem:s15], [sflag:$0x1] =	stream.indirect_vreg.gather [hbm4b:s10+s3], $0x80, v2, vm0, $0xb8;
	[tilespmem:$0x1C100] =	vst v63  }
0x21a: {  	s15 =	simm.s32 $0xF900  }
0x21b: {  	[tilespmem:s15], [sflag:$0x1] =	stream.indirect_vreg.gather [hbm4b:s11+s3], $0x80, v2, vm0, $0xb8;
	[tilespmem:$0x1C100] =	vst v63  }
0x21c: {  	_ =	swait.ge [sflag:s18], $0x4000  }
0x21d: {  	[sflag:s18] =	ssyncset.done $0x0  }
0x21e: {  	s15 =	rddreg [dreg:$0x13];
	[sflag:s18] =	ssyncadd.s32 $0xFFFFC000  }
0x21f: {  	[hbm4b:s15+s3] =	stream.linear.scatter [tilespmem:s2], [sflag:$0xB], $0x4000, $0x38;
	[tilespmem:$0x1C100] =	vst v63  }
0x220: {  	_ =	swait.ge [sflag:s19], $0x4000  }
0x221: {  	[sflag:s19] =	ssyncset.done $0x0  }
0x222: {  	[sflag:s19] =	ssyncadd.s32 $0xFFFFC000  }
0x223: {  	v2 =	vld.msk [tilespmem:$0x88], $0xff;
	_ =	sdelay $0x4  }
0x224: {  	v3 =	vshll.u32 v2, $0x4  }
0x225: {  	v2 =	vand.u32 $0x7, v2;
	v3 =	vand.u32 $0xFFFFFF80, v3  }
0x226: {  	v2 =	vor.u32 v2, v3  }
0x227: {  	v2 =	vperm.xlane v2, v0;
	_ =	sdelay $0x1  }
0x228: {  	v2 =	vadd.s32 v1, v2;
	_ =	sdelay $0x4  }
0x229: {  	[tilespmem:s14], [sflag:$0x2] =	stream.indirect_vreg.gather [hbm4b:s1+s3], $0x80, v2, vm0, $0xb8;
	[tilespmem:$0x1C100] =	vst v63  }
0x22a: {  	_ = 	snop  }
0x22b: {  	[tilespmem:s16], [sflag:$0x2] =	stream.indirect_vreg.gather [hbm4b:s5+s3], $0x80, v2, vm0, $0xb8;
	[tilespmem:$0x1C100] =	vst v63  }
0x22c: {  	s14 =	simm.s32 $0x11100  }
0x22d: {  	[tilespmem:s14], [sflag:$0x2] =	stream.indirect_vreg.gather [hbm4b:s6+s3], $0x80, v2, vm0, $0xb8;
	[tilespmem:$0x1C100] =	vst v63  }
0x22e: {  	_ = 	snop  }
0x22f: {  	[tilespmem:s25], [sflag:$0x2] =	stream.indirect_vreg.gather [hbm4b:s7+s3], $0x80, v2, vm0, $0xb8;
	[tilespmem:$0x1C100] =	vst v63  }
0x230: {  	s15 =	simm.s32 $0x12100  }
0x231: {  	[tilespmem:s15], [sflag:$0x2] =	stream.indirect_vreg.gather [hbm4b:s8+s3], $0x80, v2, vm0, $0xb8;
	[tilespmem:$0x1C100] =	vst v63  }
0x232: {  	s16 =	simm.s32 $0x12900  }
0x233: {  	[tilespmem:s16], [sflag:$0x2] =	stream.indirect_vreg.gather [hbm4b:s9+s3], $0x80, v2, vm0, $0xb8;
	[tilespmem:$0x1C100] =	vst v63  }
0x234: {  	s25 =	simm.s32 $0x13100  }
0x235: {  	[tilespmem:s25], [sflag:$0x2] =	stream.indirect_vreg.gather [hbm4b:s10+s3], $0x80, v2, vm0, $0xb8;
	[tilespmem:$0x1C100] =	vst v63  }
0x236: {  	_ = 	snop  }
0x237: {  	[tilespmem:s21], [sflag:$0x2] =	stream.indirect_vreg.gather [hbm4b:s11+s3], $0x80, v2, vm0, $0xb8;
	[tilespmem:$0x1C100] =	vst v63  }
0x238: {  	s21 =	simm.s32 $0xF  }
0x239: {  	_ =	swait.ge [sflag:s21], $0x800  }
0x23a: {  	[sflag:s21] =	ssyncset.done $0x0  }
0x23b: {  	[sflag:s21] =	ssyncadd.s32 $0xFFFFF800  }
0x23c: {  	_ =	swait.ge [sflag:s20], $0x4000  }
0x23d: {  	[sflag:s20] =	ssyncset.done $0x0  }
0x23e: {  	s15 =	simm.s32 $0x18100;
	[sflag:s20] =	ssyncadd.s32 $0xFFFFC000  }
0x23f: {  	[spmem:s13] =	stream.linear.scatter [tilespmem:s15], [sflag:$0x8], $0x4000, $0x38;
	[tilespmem:$0x1C100] =	vst v63  }
0x240: {  	_ =	swait.ge [sflag:s26], $0x4000  }
0x241: {  	[sflag:s26] =	ssyncset.done $0x0  }
0x242: {  	[sflag:s26] =	ssyncadd.s32 $0xFFFFC000  }
0x243: {  	v2 =	vld.msk [tilespmem:$0x90], $0xff;
	_ =	sdelay $0x4  }
0x244: {  	v3 =	vshll.u32 v2, $0x4  }
0x245: {  	v2 =	vand.u32 $0x7, v2;
	v3 =	vand.u32 $0xFFFFFF80, v3  }
0x246: {  	v2 =	vor.u32 v2, v3  }
0x247: {  	v2 =	vperm.xlane v2, v0;
	_ =	sdelay $0x1  }
0x248: {  	v2 =	vadd.s32 v1, v2;
	_ =	sdelay $0x4  }
0x249: {  	[tilespmem:s2], [sflag:$0x3] =	stream.indirect_vreg.gather [hbm4b:s1+s3], $0x80, v2, vm0, $0xb8;
	[tilespmem:$0x1C100] =	vst v63  }
0x24a: {  	s13 =	simm.s32 $0x14900  }
0x24b: {  	[tilespmem:s13], [sflag:$0x3] =	stream.indirect_vreg.gather [hbm4b:s5+s3], $0x80, v2, vm0, $0xb8;
	[tilespmem:$0x1C100] =	vst v63  }
0x24c: {  	s16 =	simm.s32 $0x15100  }
0x24d: {  	[tilespmem:s16], [sflag:$0x3] =	stream.indirect_vreg.gather [hbm4b:s6+s3], $0x80, v2, vm0, $0xb8;
	[tilespmem:$0x1C100] =	vst v63  }
0x24e: {  	s25 =	simm.s32 $0x15900  }
0x24f: {  	[tilespmem:s25], [sflag:$0x3] =	stream.indirect_vreg.gather [hbm4b:s7+s3], $0x80, v2, vm0, $0xb8;
	[tilespmem:$0x1C100] =	vst v63  }
0x250: {  	s12 =	simm.s32 $0x16100  }
0x251: {  	[tilespmem:s12], [sflag:$0x3] =	stream.indirect_vreg.gather [hbm4b:s8+s3], $0x80, v2, vm0, $0xb8;
	[tilespmem:$0x1C100] =	vst v63  }
0x252: {  	s13 =	simm.s32 $0x16900  }
0x253: {  	[tilespmem:s13], [sflag:$0x3] =	stream.indirect_vreg.gather [hbm4b:s9+s3], $0x80, v2, vm0, $0xb8;
	[tilespmem:$0x1C100] =	vst v63  }
0x254: {  	s16 =	simm.s32 $0x17100  }
0x255: {  	[tilespmem:s16], [sflag:$0x3] =	stream.indirect_vreg.gather [hbm4b:s10+s3], $0x80, v2, vm0, $0xb8;
	[tilespmem:$0x1C100] =	vst v63  }
0x256: {  	s25 =	simm.s32 $0x17900  }
0x257: {  	[tilespmem:s25], [sflag:$0x3] =	stream.indirect_vreg.gather [hbm4b:s11+s3], $0x80, v2, vm0, $0xb8;
	[tilespmem:$0x1C100] =	vst v63  }
0x258: {  	_ =	swait.ge [sflag:s28], $0x4000  }
0x259: {  	s23 =	simm.s32 $0xC100;
	[sflag:s28] =	ssyncset.done $0x0  }
0x25a: {  	s13 =	simm.s32 $0x8;
	s2 =	rddreg [dreg:$0x14];
	[sflag:s28] =	ssyncadd.s32 $0xFFFFC000  }
0x25b: {  	[hbm4b:s2+s3] =	stream.linear.scatter [tilespmem:s23], [sflag:$0x9], $0x4000, $0x38;
	[tilespmem:$0x1C100] =	vst v63  }
0x25c: {  	_ =	swait.ge [sflag:s13], $0x4000  }
0x25d: {  	[sflag:s13] =	ssyncset.done $0x0;
	s25 =	sld [smem:$0x7EF]  }
0x25e: {  	[sflag:s13] =	ssyncadd.s32 $0xFFFFC000;
	s13 =	sld [smem:$0x7F0];
	_ =	sdelay $0x1  }
0x25f: {  	s16 =	rddreg [dreg:$0x15]  }
0x260: {  	[hbm:s16], [sflag:s13] =	dma.local [spmem:s25], $0x800  }
0x261: {  	v2 =	vld.msk [tilespmem:$0x98], $0xff;
	_ =	sdelay $0x4  }
0x262: {  	v3 =	vshll.u32 v2, $0x4  }
0x263: {  	v2 =	vand.u32 $0x7, v2;
	v3 =	vand.u32 $0xFFFFFF80, v3  }
0x264: {  	v2 =	vor.u32 v2, v3  }
0x265: {  	v2 =	vperm.xlane v2, v0;
	_ =	sdelay $0x1  }
0x266: {  	v2 =	vadd.s32 v1, v2;
	_ =	sdelay $0x4  }
0x267: {  	[tilespmem:s15], [sflag:$0x4] =	stream.indirect_vreg.gather [hbm4b:s1+s3], $0x80, v2, vm0, $0xb8;
	[tilespmem:$0x1C100] =	vst v63  }
0x268: {  	s25 =	simm.s32 $0x18900  }
0x269: {  	[tilespmem:s25], [sflag:$0x4] =	stream.indirect_vreg.gather [hbm4b:s5+s3], $0x80, v2, vm0, $0xb8;
	[tilespmem:$0x1C100] =	vst v63  }
0x26a: {  	s25 =	simm.s32 $0x19100  }
0x26b: {  	[tilespmem:s25], [sflag:$0x4] =	stream.indirect_vreg.gather [hbm4b:s6+s3], $0x80, v2, vm0, $0xb8;
	[tilespmem:$0x1C100] =	vst v63  }
0x26c: {  	s13 =	simm.s32 $0x19900  }
0x26d: {  	[tilespmem:s13], [sflag:$0x4] =	stream.indirect_vreg.gather [hbm4b:s7+s3], $0x80, v2, vm0, $0xb8;
	[tilespmem:$0x1C100] =	vst v63  }
0x26e: {  	s15 =	simm.s32 $0x1A100  }
0x26f: {  	[tilespmem:s15], [sflag:$0x4] =	stream.indirect_vreg.gather [hbm4b:s8+s3], $0x80, v2, vm0, $0xb8;
	[tilespmem:$0x1C100] =	vst v63  }
0x270: {  	s16 =	simm.s32 $0x1A900  }
0x271: {  	[tilespmem:s16], [sflag:$0x4] =	stream.indirect_vreg.gather [hbm4b:s9+s3], $0x80, v2, vm0, $0xb8;
	[tilespmem:$0x1C100] =	vst v63  }
0x272: {  	s13 =	simm.s32 $0x1B100  }
0x273: {  	[tilespmem:s13], [sflag:$0x4] =	stream.indirect_vreg.gather [hbm4b:s10+s3], $0x80, v2, vm0, $0xb8;
	[tilespmem:$0x1C100] =	vst v63  }
0x274: {  	s15 =	simm.s32 $0x1B900  }
0x275: {  	[tilespmem:s15], [sflag:$0x4] =	stream.indirect_vreg.gather [hbm4b:s11+s3], $0x80, v2, vm0, $0xb8;
	[tilespmem:$0x1C100] =	vst v63  }
0x276: {  	_ =	swait.ge [sflag:s4], $0x4000  }
0x277: {  	[sflag:s4] =	ssyncset.done $0x0  }
0x278: {  	s15 =	simm.s32 $0x10100;
	s16 =	rddreg [dreg:$0x16];
	[sflag:s4] =	ssyncadd.s32 $0xFFFFC000  }
0x279: {  	[hbm4b:s16+s3] =	stream.linear.scatter [tilespmem:s15], [sflag:$0xA], $0x4000, $0x38;
	[tilespmem:$0x1C100] =	vst v63  }
0x27a: {  	_ =	swait.ge [sflag:s29], $0x4000  }
0x27b: {  	[sflag:s29] =	ssyncset.done $0x0  }
0x27c: {  	[sflag:s29] =	ssyncadd.s32 $0xFFFFC000  }
0x27d: {  	v2 =	vld.msk [tilespmem:$0xA0], $0xff;
	_ =	sdelay $0x4  }
0x27e: {  	v3 =	vshll.u32 v2, $0x4  }
0x27f: {  	v2 =	vand.u32 $0x7, v2;
	v3 =	vand.u32 $0xFFFFFF80, v3  }
0x280: {  	v2 =	vor.u32 v2, v3  }
0x281: {  	v2 =	vperm.xlane v2, v0;
	_ =	sdelay $0x1  }
0x282: {  	v2 =	vadd.s32 v1, v2;
	_ =	sdelay $0x4  }
0x283: {  	[tilespmem:s23], [sflag:$0x1] =	stream.indirect_vreg.gather [hbm4b:s1+s3], $0x80, v2, vm0, $0xb8;
	[tilespmem:$0x1C100] =	vst v63  }
0x284: {  	s23 =	simm.s32 $0xC900  }
0x285: {  	[tilespmem:s23], [sflag:$0x1] =	stream.indirect_vreg.gather [hbm4b:s5+s3], $0x80, v2, vm0, $0xb8;
	[tilespmem:$0x1C100] =	vst v63  }
0x286: {  	_ = 	snop  }
0x287: {  	[tilespmem:s24], [sflag:$0x1] =	stream.indirect_vreg.gather [hbm4b:s6+s3], $0x80, v2, vm0, $0xb8;
	[tilespmem:$0x1C100] =	vst v63  }
0x288: {  	s13 =	simm.s32 $0xD900  }
0x289: {  	[tilespmem:s13], [sflag:$0x1] =	stream.indirect_vreg.gather [hbm4b:s7+s3], $0x80, v2, vm0, $0xb8;
	[tilespmem:$0x1C100] =	vst v63  }
0x28a: {  	s16 =	simm.s32 $0xE100  }
0x28b: {  	[tilespmem:s16], [sflag:$0x1] =	stream.indirect_vreg.gather [hbm4b:s8+s3], $0x80, v2, vm0, $0xb8;
	[tilespmem:$0x1C100] =	vst v63  }
0x28c: {  	s23 =	simm.s32 $0xE900  }
0x28d: {  	[tilespmem:s23], [sflag:$0x1] =	stream.indirect_vreg.gather [hbm4b:s9+s3], $0x80, v2, vm0, $0xb8;
	[tilespmem:$0x1C100] =	vst v63  }
0x28e: {  	s24 =	simm.s32 $0xF100  }
0x28f: {  	[tilespmem:s24], [sflag:$0x1] =	stream.indirect_vreg.gather [hbm4b:s10+s3], $0x80, v2, vm0, $0xb8;
	[tilespmem:$0x1C100] =	vst v63  }
0x290: {  	s13 =	simm.s32 $0xF900;
	s16 =	simm.s32 $0xD  }
0x291: {  	[tilespmem:s13], [sflag:$0x1] =	stream.indirect_vreg.gather [hbm4b:s11+s3], $0x80, v2, vm0, $0xb8;
	[tilespmem:$0x1C100] =	vst v63  }
0x292: {  	_ =	swait.ge [sflag:s16], $0x800  }
0x293: {  	[sflag:s16] =	ssyncset.done $0x0  }
0x294: {  	[sflag:s16] =	ssyncadd.s32 $0xFFFFF800  }
0x295: {  	_ =	swait.ge [sflag:s18], $0x4000  }
0x296: {  	s16 =	sld [smem:$0x7FB]  }
0x297: {  	[sflag:s18] =	ssyncset.done $0x0  }
0x298: {  	s13 =	simm.s32 $0x14100;
	[sflag:s18] =	ssyncadd.s32 $0xFFFFC000  }
0x299: {  	[spmem:s16] =	stream.linear.scatter [tilespmem:s13], [sflag:$0x7], $0x4000, $0x38;
	[tilespmem:$0x1C100] =	vst v63  }
0x29a: {  	_ =	swait.ge [sflag:s19], $0x4000  }
0x29b: {  	[sflag:s19] =	ssyncset.done $0x0  }
0x29c: {  	[sflag:s19] =	ssyncadd.s32 $0xFFFFC000  }
0x29d: {  	v2 =	vld.msk [tilespmem:$0xA8], $0xff;
	_ =	sdelay $0x4  }
0x29e: {  	v3 =	vshll.u32 v2, $0x4  }
0x29f: {  	v2 =	vand.u32 $0x7, v2;
	v3 =	vand.u32 $0xFFFFFF80, v3  }
0x2a0: {  	v2 =	vor.u32 v2, v3  }
0x2a1: {  	v2 =	vperm.xlane v2, v0;
	_ =	sdelay $0x1  }
0x2a2: {  	v2 =	vadd.s32 v1, v2;
	_ =	sdelay $0x4  }
0x2a3: {  	[tilespmem:s15], [sflag:$0x2] =	stream.indirect_vreg.gather [hbm4b:s1+s3], $0x80, v2, vm0, $0xb8;
	[tilespmem:$0x1C100] =	vst v63  }
0x2a4: {  	s23 =	simm.s32 $0x10900  }
0x2a5: {  	[tilespmem:s23], [sflag:$0x2] =	stream.indirect_vreg.gather [hbm4b:s5+s3], $0x80, v2, vm0, $0xb8;
	[tilespmem:$0x1C100] =	vst v63  }
0x2a6: {  	s23 =	simm.s32 $0x11100  }
0x2a7: {  	[tilespmem:s23], [sflag:$0x2] =	stream.indirect_vreg.gather [hbm4b:s6+s3], $0x80, v2, vm0, $0xb8;
	[tilespmem:$0x1C100] =	vst v63  }
0x2a8: {  	s24 =	simm.s32 $0x11900  }
0x2a9: {  	[tilespmem:s24], [sflag:$0x2] =	stream.indirect_vreg.gather [hbm4b:s7+s3], $0x80, v2, vm0, $0xb8;
	[tilespmem:$0x1C100] =	vst v63  }
0x2aa: {  	s15 =	simm.s32 $0x12100  }
0x2ab: {  	[tilespmem:s15], [sflag:$0x2] =	stream.indirect_vreg.gather [hbm4b:s8+s3], $0x80, v2, vm0, $0xb8;
	[tilespmem:$0x1C100] =	vst v63  }
0x2ac: {  	s24 =	simm.s32 $0x12900  }
0x2ad: {  	[tilespmem:s24], [sflag:$0x2] =	stream.indirect_vreg.gather [hbm4b:s9+s3], $0x80, v2, vm0, $0xb8;
	[tilespmem:$0x1C100] =	vst v63  }
0x2ae: {  	s15 =	simm.s32 $0x13100  }
0x2af: {  	[tilespmem:s15], [sflag:$0x2] =	stream.indirect_vreg.gather [hbm4b:s10+s3], $0x80, v2, vm0, $0xb8;
	[tilespmem:$0x1C100] =	vst v63  }
0x2b0: {  	s14 =	simm.s32 $0x13900  }
0x2b1: {  	[tilespmem:s14], [sflag:$0x2] =	stream.indirect_vreg.gather [hbm4b:s11+s3], $0x80, v2, vm0, $0xb8;
	[tilespmem:$0x1C100] =	vst v63  }
0x2b2: {  	_ =	swait.ge [sflag:s20], $0x4000  }
0x2b3: {  	s2 =	simm.s32 $0x18100;
	[sflag:s20] =	ssyncset.done $0x0  }
0x2b4: {  	s14 =	simm.s32 $0x7;
	s24 =	rddreg [dreg:$0x17];
	[sflag:s20] =	ssyncadd.s32 $0xFFFFC000  }
0x2b5: {  	[hbm4b:s24+s3] =	stream.linear.scatter [tilespmem:s2], [sflag:$0xC], $0x4000, $0x38;
	[tilespmem:$0x1C100] =	vst v63  }
0x2b6: {  	_ =	swait.ge [sflag:s14], $0x4000  }
0x2b7: {  	[sflag:s14] =	ssyncset.done $0x0;
	s15 =	sld [smem:$0x7ED]  }
0x2b8: {  	[sflag:s14] =	ssyncadd.s32 $0xFFFFC000;
	s14 =	sld [smem:$0x7EC];
	_ =	sdelay $0x1  }
0x2b9: {  	s24 =	rddreg [dreg:$0x18]  }
0x2ba: {  	[hbm:s24], [sflag:s15] =	dma.local [spmem:s14], $0x800  }
0x2bb: {  	v2 =	vld.msk [tilespmem:$0xB0], $0xff;
	_ =	sdelay $0x4  }
0x2bc: {  	v3 =	vshll.u32 v2, $0x4  }
0x2bd: {  	v2 =	vand.u32 $0x7, v2;
	v3 =	vand.u32 $0xFFFFFF80, v3  }
0x2be: {  	v2 =	vor.u32 v2, v3  }
0x2bf: {  	v2 =	vperm.xlane v2, v0;
	_ =	sdelay $0x1  }
0x2c0: {  	v2 =	vadd.s32 v1, v2;
	_ =	sdelay $0x4  }
0x2c1: {  	[tilespmem:s13], [sflag:$0x3] =	stream.indirect_vreg.gather [hbm4b:s1+s3], $0x80, v2, vm0, $0xb8;
	[tilespmem:$0x1C100] =	vst v63  }
0x2c2: {  	s24 =	simm.s32 $0x14900  }
0x2c3: {  	[tilespmem:s24], [sflag:$0x3] =	stream.indirect_vreg.gather [hbm4b:s5+s3], $0x80, v2, vm0, $0xb8;
	[tilespmem:$0x1C100] =	vst v63  }
0x2c4: {  	s24 =	simm.s32 $0x15100  }
0x2c5: {  	[tilespmem:s24], [sflag:$0x3] =	stream.indirect_vreg.gather [hbm4b:s6+s3], $0x80, v2, vm0, $0xb8;
	[tilespmem:$0x1C100] =	vst v63  }
0x2c6: {  	s24 =	simm.s32 $0x15900  }
0x2c7: {  	[tilespmem:s24], [sflag:$0x3] =	stream.indirect_vreg.gather [hbm4b:s7+s3], $0x80, v2, vm0, $0xb8;
	[tilespmem:$0x1C100] =	vst v63  }
0x2c8: {  	s24 =	simm.s32 $0x16100  }
0x2c9: {  	[tilespmem:s24], [sflag:$0x3] =	stream.indirect_vreg.gather [hbm4b:s8+s3], $0x80, v2, vm0, $0xb8;
	[tilespmem:$0x1C100] =	vst v63  }
0x2ca: {  	s24 =	simm.s32 $0x16900  }
0x2cb: {  	[tilespmem:s24], [sflag:$0x3] =	stream.indirect_vreg.gather [hbm4b:s9+s3], $0x80, v2, vm0, $0xb8;
	[tilespmem:$0x1C100] =	vst v63  }
0x2cc: {  	s24 =	simm.s32 $0x17100  }
0x2cd: {  	[tilespmem:s24], [sflag:$0x3] =	stream.indirect_vreg.gather [hbm4b:s10+s3], $0x80, v2, vm0, $0xb8;
	[tilespmem:$0x1C100] =	vst v63  }
0x2ce: {  	s24 =	simm.s32 $0x17900  }
0x2cf: {  	[tilespmem:s24], [sflag:$0x3] =	stream.indirect_vreg.gather [hbm4b:s11+s3], $0x80, v2, vm0, $0xb8;
	[tilespmem:$0x1C100] =	vst v63  }
0x2d0: {  	_ =	swait.ge [sflag:s28], $0x4000  }
0x2d1: {  	[sflag:s28] =	ssyncset.done $0x0  }
0x2d2: {  	s24 =	simm.s32 $0xC100;
	s12 =	rddreg [dreg:$0x19];
	[sflag:s28] =	ssyncadd.s32 $0xFFFFC000  }
0x2d3: {  	[hbm4b:s12+s3] =	stream.linear.scatter [tilespmem:s24], [sflag:$0x9], $0x4000, $0x38;
	[tilespmem:$0x1C100] =	vst v63  }
0x2d4: {  	_ =	swait.ge [sflag:s17], $0x4000  }
0x2d5: {  	[sflag:s17] =	ssyncset.done $0x0  }
0x2d6: {  	[sflag:s17] =	ssyncadd.s32 $0xFFFFC000  }
0x2d7: {  	v2 =	vld.msk [tilespmem:$0xB8], $0xff;
	_ =	sdelay $0x4  }
0x2d8: {  	v3 =	vshll.u32 v2, $0x4  }
0x2d9: {  	v2 =	vand.u32 $0x7, v2;
	v3 =	vand.u32 $0xFFFFFF80, v3  }
0x2da: {  	v2 =	vor.u32 v2, v3  }
0x2db: {  	v2 =	vperm.xlane v2, v0;
	_ =	sdelay $0x1  }
0x2dc: {  	v2 =	vadd.s32 v1, v2;
	_ =	sdelay $0x4  }
0x2dd: {  	[tilespmem:s2], [sflag:$0x4] =	stream.indirect_vreg.gather [hbm4b:s1+s3], $0x80, v2, vm0, $0xb8;
	[tilespmem:$0x1C100] =	vst v63  }
0x2de: {  	s12 =	simm.s32 $0x18900  }
0x2df: {  	[tilespmem:s12], [sflag:$0x4] =	stream.indirect_vreg.gather [hbm4b:s5+s3], $0x80, v2, vm0, $0xb8;
	[tilespmem:$0x1C100] =	vst v63  }
0x2e0: {  	_ = 	snop  }
0x2e1: {  	[tilespmem:s25], [sflag:$0x4] =	stream.indirect_vreg.gather [hbm4b:s6+s3], $0x80, v2, vm0, $0xb8;
	[tilespmem:$0x1C100] =	vst v63  }
0x2e2: {  	s12 =	simm.s32 $0x19900  }
0x2e3: {  	[tilespmem:s12], [sflag:$0x4] =	stream.indirect_vreg.gather [hbm4b:s7+s3], $0x80, v2, vm0, $0xb8;
	[tilespmem:$0x1C100] =	vst v63  }
0x2e4: {  	s25 =	simm.s32 $0x1A100  }
0x2e5: {  	[tilespmem:s25], [sflag:$0x4] =	stream.indirect_vreg.gather [hbm4b:s8+s3], $0x80, v2, vm0, $0xb8;
	[tilespmem:$0x1C100] =	vst v63  }
0x2e6: {  	s12 =	simm.s32 $0x1A900  }
0x2e7: {  	[tilespmem:s12], [sflag:$0x4] =	stream.indirect_vreg.gather [hbm4b:s9+s3], $0x80, v2, vm0, $0xb8;
	[tilespmem:$0x1C100] =	vst v63  }
0x2e8: {  	s12 =	simm.s32 $0x1B100  }
0x2e9: {  	[tilespmem:s12], [sflag:$0x4] =	stream.indirect_vreg.gather [hbm4b:s10+s3], $0x80, v2, vm0, $0xb8;
	[tilespmem:$0x1C100] =	vst v63  }
0x2ea: {  	s12 =	simm.s32 $0x1B900  }
0x2eb: {  	[tilespmem:s12], [sflag:$0x4] =	stream.indirect_vreg.gather [hbm4b:s11+s3], $0x80, v2, vm0, $0xb8;
	[tilespmem:$0x1C100] =	vst v63  }
0x2ec: {  	_ =	swait.ge [sflag:s31], $0x800  }
0x2ed: {  	[sflag:s31] =	ssyncset.done $0x0  }
0x2ee: {  	[sflag:s31] =	ssyncadd.s32 $0xFFFFF800  }
0x2ef: {  	_ =	swait.ge [sflag:s4], $0x4000  }
0x2f0: {  	[sflag:s4] =	ssyncset.done $0x0  }
0x2f1: {  	s2 =	simm.s32 $0x10100;
	[sflag:s4] =	ssyncadd.s32 $0xFFFFC000  }
0x2f2: {  	[spmem:s30] =	stream.linear.scatter [tilespmem:s2], [sflag:$0x6], $0x4000, $0x38;
	[tilespmem:$0x1C100] =	vst v63  }
0x2f3: {  	_ =	swait.ge [sflag:s29], $0x4000  }
0x2f4: {  	[sflag:s29] =	ssyncset.done $0x0  }
0x2f5: {  	[sflag:s29] =	ssyncadd.s32 $0xFFFFC000  }
0x2f6: {  	v2 =	vld.msk [tilespmem:$0xC0], $0xff;
	_ =	sdelay $0x4  }
0x2f7: {  	v3 =	vshll.u32 v2, $0x4  }
0x2f8: {  	v2 =	vand.u32 $0x7, v2;
	v3 =	vand.u32 $0xFFFFFF80, v3  }
0x2f9: {  	v2 =	vor.u32 v2, v3  }
0x2fa: {  	v2 =	vperm.xlane v2, v0;
	_ =	sdelay $0x1  }
0x2fb: {  	v2 =	vadd.s32 v1, v2;
	_ =	sdelay $0x4  }
0x2fc: {  	[tilespmem:s24], [sflag:$0x1] =	stream.indirect_vreg.gather [hbm4b:s1+s3], $0x80, v2, vm0, $0xb8;
	[tilespmem:$0x1C100] =	vst v63  }
0x2fd: {  	s24 =	simm.s32 $0xC900  }
0x2fe: {  	[tilespmem:s24], [sflag:$0x1] =	stream.indirect_vreg.gather [hbm4b:s5+s3], $0x80, v2, vm0, $0xb8;
	[tilespmem:$0x1C100] =	vst v63  }
0x2ff: {  	s24 =	simm.s32 $0xD100  }
0x300: {  	[tilespmem:s24], [sflag:$0x1] =	stream.indirect_vreg.gather [hbm4b:s6+s3], $0x80, v2, vm0, $0xb8;
	[tilespmem:$0x1C100] =	vst v63  }
0x301: {  	s24 =	simm.s32 $0xD900  }
0x302: {  	[tilespmem:s24], [sflag:$0x1] =	stream.indirect_vreg.gather [hbm4b:s7+s3], $0x80, v2, vm0, $0xb8;
	[tilespmem:$0x1C100] =	vst v63  }
0x303: {  	s24 =	simm.s32 $0xE100  }
0x304: {  	[tilespmem:s24], [sflag:$0x1] =	stream.indirect_vreg.gather [hbm4b:s8+s3], $0x80, v2, vm0, $0xb8;
	[tilespmem:$0x1C100] =	vst v63  }
0x305: {  	s24 =	simm.s32 $0xE900  }
0x306: {  	[tilespmem:s24], [sflag:$0x1] =	stream.indirect_vreg.gather [hbm4b:s9+s3], $0x80, v2, vm0, $0xb8;
	[tilespmem:$0x1C100] =	vst v63  }
0x307: {  	s24 =	simm.s32 $0xF100  }
0x308: {  	[tilespmem:s24], [sflag:$0x1] =	stream.indirect_vreg.gather [hbm4b:s10+s3], $0x80, v2, vm0, $0xb8;
	[tilespmem:$0x1C100] =	vst v63  }
0x309: {  	s24 =	simm.s32 $0xF900  }
0x30a: {  	[tilespmem:s24], [sflag:$0x1] =	stream.indirect_vreg.gather [hbm4b:s11+s3], $0x80, v2, vm0, $0xb8;
	[tilespmem:$0x1C100] =	vst v63  }
0x30b: {  	_ =	swait.ge [sflag:s18], $0x4000  }
0x30c: {  	[sflag:s18] =	ssyncset.done $0x0  }
0x30d: {  	s13 =	simm.s32 $0x14100;
	s24 =	rddreg [dreg:$0x1a];
	[sflag:s18] =	ssyncadd.s32 $0xFFFFC000  }
0x30e: {  	[hbm4b:s24+s3] =	stream.linear.scatter [tilespmem:s13], [sflag:$0xB], $0x4000, $0x38;
	[tilespmem:$0x1C100] =	vst v63  }
0x30f: {  	s24 =	simm.s32 $0x6  }
0x310: {  	_ =	swait.ge [sflag:s24], $0x4000  }
0x311: {  	[sflag:s24] =	ssyncset.done $0x0  }
0x312: {  	s12 =	rddreg [dreg:$0x1b];
	[sflag:s24] =	ssyncadd.s32 $0xFFFFC000  }
0x313: {  	[hbm:s12], [sflag:s22] =	dma.local [spmem:s0], $0x800  }
0x314: {  	v2 =	vld.msk [tilespmem:$0xC8], $0xff;
	_ =	sdelay $0x4  }
0x315: {  	v3 =	vshll.u32 v2, $0x4  }
0x316: {  	v2 =	vand.u32 $0x7, v2;
	v3 =	vand.u32 $0xFFFFFF80, v3  }
0x317: {  	v2 =	vor.u32 v2, v3  }
0x318: {  	v2 =	vperm.xlane v2, v0;
	_ =	sdelay $0x1  }
0x319: {  	v2 =	vadd.s32 v1, v2;
	_ =	sdelay $0x4  }
0x31a: {  	[tilespmem:s2], [sflag:$0x2] =	stream.indirect_vreg.gather [hbm4b:s1+s3], $0x80, v2, vm0, $0xb8;
	[tilespmem:$0x1C100] =	vst v63  }
0x31b: {  	s22 =	simm.s32 $0x10900  }
0x31c: {  	[tilespmem:s22], [sflag:$0x2] =	stream.indirect_vreg.gather [hbm4b:s5+s3], $0x80, v2, vm0, $0xb8;
	[tilespmem:$0x1C100] =	vst v63  }
0x31d: {  	_ = 	snop  }
0x31e: {  	[tilespmem:s23], [sflag:$0x2] =	stream.indirect_vreg.gather [hbm4b:s6+s3], $0x80, v2, vm0, $0xb8;
	[tilespmem:$0x1C100] =	vst v63  }
0x31f: {  	s2 =	simm.s32 $0x11900  }
0x320: {  	[tilespmem:s2], [sflag:$0x2] =	stream.indirect_vreg.gather [hbm4b:s7+s3], $0x80, v2, vm0, $0xb8;
	[tilespmem:$0x1C100] =	vst v63  }
0x321: {  	s12 =	simm.s32 $0x12100  }
0x322: {  	[tilespmem:s12], [sflag:$0x2] =	stream.indirect_vreg.gather [hbm4b:s8+s3], $0x80, v2, vm0, $0xb8;
	[tilespmem:$0x1C100] =	vst v63  }
0x323: {  	s22 =	simm.s32 $0x12900  }
0x324: {  	[tilespmem:s22], [sflag:$0x2] =	stream.indirect_vreg.gather [hbm4b:s9+s3], $0x80, v2, vm0, $0xb8;
	[tilespmem:$0x1C100] =	vst v63  }
0x325: {  	s23 =	simm.s32 $0x13100  }
0x326: {  	[tilespmem:s23], [sflag:$0x2] =	stream.indirect_vreg.gather [hbm4b:s10+s3], $0x80, v2, vm0, $0xb8;
	[tilespmem:$0x1C100] =	vst v63  }
0x327: {  	s23 =	simm.s32 $0x13900  }
0x328: {  	[tilespmem:s23], [sflag:$0x2] =	stream.indirect_vreg.gather [hbm4b:s11+s3], $0x80, v2, vm0, $0xb8;
	[tilespmem:$0x1C100] =	vst v63  }
0x329: {  	_ =	swait.ge [sflag:s20], $0x4000  }
0x32a: {  	[sflag:s20] =	ssyncset.done $0x0  }
0x32b: {  	s22 =	simm.s32 $0x18100;
	s2 =	rddreg [dreg:$0x1c];
	[sflag:s20] =	ssyncadd.s32 $0xFFFFC000  }
0x32c: {  	[hbm4b:s2+s3] =	stream.linear.scatter [tilespmem:s22], [sflag:$0xC], $0x4000, $0x38;
	[tilespmem:$0x1C100] =	vst v63  }
0x32d: {  	_ =	swait.ge [sflag:s26], $0x4000  }
0x32e: {  	[sflag:s26] =	ssyncset.done $0x0  }
0x32f: {  	[sflag:s26] =	ssyncadd.s32 $0xFFFFC000  }
0x330: {  	v2 =	vld.msk [tilespmem:$0xD0], $0xff;
	_ =	sdelay $0x4  }
0x331: {  	v3 =	vshll.u32 v2, $0x4  }
0x332: {  	v2 =	vand.u32 $0x7, v2;
	v3 =	vand.u32 $0xFFFFFF80, v3  }
0x333: {  	v2 =	vor.u32 v2, v3  }
0x334: {  	v2 =	vperm.xlane v2, v0;
	_ =	sdelay $0x1  }
0x335: {  	v2 =	vadd.s32 v1, v2;
	_ =	sdelay $0x4  }
0x336: {  	[tilespmem:s13], [sflag:$0x3] =	stream.indirect_vreg.gather [hbm4b:s1+s3], $0x80, v2, vm0, $0xb8;
	[tilespmem:$0x1C100] =	vst v63  }
0x337: {  	s13 =	simm.s32 $0x14900  }
0x338: {  	[tilespmem:s13], [sflag:$0x3] =	stream.indirect_vreg.gather [hbm4b:s5+s3], $0x80, v2, vm0, $0xb8;
	[tilespmem:$0x1C100] =	vst v63  }
0x339: {  	s2 =	simm.s32 $0x15100  }
0x33a: {  	[tilespmem:s2], [sflag:$0x3] =	stream.indirect_vreg.gather [hbm4b:s6+s3], $0x80, v2, vm0, $0xb8;
	[tilespmem:$0x1C100] =	vst v63  }
0x33b: {  	s12 =	simm.s32 $0x15900  }
0x33c: {  	[tilespmem:s12], [sflag:$0x3] =	stream.indirect_vreg.gather [hbm4b:s7+s3], $0x80, v2, vm0, $0xb8;
	[tilespmem:$0x1C100] =	vst v63  }
0x33d: {  	s13 =	simm.s32 $0x16100  }
0x33e: {  	[tilespmem:s13], [sflag:$0x3] =	stream.indirect_vreg.gather [hbm4b:s8+s3], $0x80, v2, vm0, $0xb8;
	[tilespmem:$0x1C100] =	vst v63  }
0x33f: {  	s2 =	simm.s32 $0x16900  }
0x340: {  	[tilespmem:s2], [sflag:$0x3] =	stream.indirect_vreg.gather [hbm4b:s9+s3], $0x80, v2, vm0, $0xb8;
	[tilespmem:$0x1C100] =	vst v63  }
0x341: {  	s12 =	simm.s32 $0x17100  }
0x342: {  	[tilespmem:s12], [sflag:$0x3] =	stream.indirect_vreg.gather [hbm4b:s10+s3], $0x80, v2, vm0, $0xb8;
	[tilespmem:$0x1C100] =	vst v63  }
0x343: {  	s13 =	simm.s32 $0x17900  }
0x344: {  	[tilespmem:s13], [sflag:$0x3] =	stream.indirect_vreg.gather [hbm4b:s11+s3], $0x80, v2, vm0, $0xb8;
	[tilespmem:$0x1C100] =	vst v63  }
0x345: {  	_ =	swait.ge [sflag:s21], $0x800  }
0x346: {  	[sflag:s21] =	ssyncset.done $0x0  }
0x347: {  	[sflag:s21] =	ssyncadd.s32 $0xFFFFF800  }
0x348: {  	_ =	swait.ge [sflag:s28], $0x4000  }
0x349: {  	s2 =	sld [smem:$0x7FC]  }
0x34a: {  	[sflag:s28] =	ssyncset.done $0x0  }
0x34b: {  	s30 =	simm.s32 $0xC100;
	[sflag:s28] =	ssyncadd.s32 $0xFFFFC000  }
0x34c: {  	[spmem:s2] =	stream.linear.scatter [tilespmem:s30], [sflag:$0x5], $0x4000, $0x38;
	[tilespmem:$0x1C100] =	vst v63  }
0x34d: {  	s2 =	sld [smem:$0x7EE];
	_ =	swait.ge [sflag:s17], $0x4000  }
0x34e: {  	[sflag:s17] =	ssyncset.done $0x0  }
0x34f: {  	[sflag:s17] =	ssyncadd.s32 $0xFFFFC000  }
0x350: {  	v2 =	vld.msk [tilespmem:$0xD8], $0xff;
	_ =	sdelay $0x4  }
0x351: {  	v3 =	vshll.u32 v2, $0x4  }
0x352: {  	v2 =	vand.u32 $0x7, v2;
	v3 =	vand.u32 $0xFFFFFF80, v3  }
0x353: {  	v2 =	vor.u32 v2, v3  }
0x354: {  	v2 =	vperm.xlane v2, v0;
	_ =	sdelay $0x1  }
0x355: {  	v2 =	vadd.s32 v1, v2;
	_ =	sdelay $0x4  }
0x356: {  	[tilespmem:s22], [sflag:$0x4] =	stream.indirect_vreg.gather [hbm4b:s1+s3], $0x80, v2, vm0, $0xb8;
	[tilespmem:$0x1C100] =	vst v63  }
0x357: {  	s22 =	simm.s32 $0x18900  }
0x358: {  	[tilespmem:s22], [sflag:$0x4] =	stream.indirect_vreg.gather [hbm4b:s5+s3], $0x80, v2, vm0, $0xb8;
	[tilespmem:$0x1C100] =	vst v63  }
0x359: {  	s12 =	simm.s32 $0x19100  }
0x35a: {  	[tilespmem:s12], [sflag:$0x4] =	stream.indirect_vreg.gather [hbm4b:s6+s3], $0x80, v2, vm0, $0xb8;
	[tilespmem:$0x1C100] =	vst v63  }
0x35b: {  	s13 =	simm.s32 $0x19900  }
0x35c: {  	[tilespmem:s13], [sflag:$0x4] =	stream.indirect_vreg.gather [hbm4b:s7+s3], $0x80, v2, vm0, $0xb8;
	[tilespmem:$0x1C100] =	vst v63  }
0x35d: {  	s25 =	simm.s32 $0x1A100  }
0x35e: {  	[tilespmem:s25], [sflag:$0x4] =	stream.indirect_vreg.gather [hbm4b:s8+s3], $0x80, v2, vm0, $0xb8;
	[tilespmem:$0x1C100] =	vst v63  }
0x35f: {  	s12 =	simm.s32 $0x1A900  }
0x360: {  	[tilespmem:s12], [sflag:$0x4] =	stream.indirect_vreg.gather [hbm4b:s9+s3], $0x80, v2, vm0, $0xb8;
	[tilespmem:$0x1C100] =	vst v63  }
0x361: {  	s13 =	simm.s32 $0x1B100  }
0x362: {  	[tilespmem:s13], [sflag:$0x4] =	stream.indirect_vreg.gather [hbm4b:s10+s3], $0x80, v2, vm0, $0xb8;
	[tilespmem:$0x1C100] =	vst v63  }
0x363: {  	s25 =	simm.s32 $0x1B900  }
0x364: {  	[tilespmem:s25], [sflag:$0x4] =	stream.indirect_vreg.gather [hbm4b:s11+s3], $0x80, v2, vm0, $0xb8;
	[tilespmem:$0x1C100] =	vst v63  }
0x365: {  	_ =	swait.ge [sflag:s4], $0x4000  }
0x366: {  	s24 =	simm.s32 $0x10100;
	[sflag:s4] =	ssyncset.done $0x0  }
0x367: {  	s13 =	simm.s32 $0x5;
	s0 =	rddreg [dreg:$0x1d];
	[sflag:s4] =	ssyncadd.s32 $0xFFFFC000  }
0x368: {  	[hbm4b:s0+s3] =	stream.linear.scatter [tilespmem:s24], [sflag:$0xA], $0x4000, $0x38;
	[tilespmem:$0x1C100] =	vst v63  }
0x369: {  	_ =	swait.ge [sflag:s13], $0x4000  }
0x36a: {  	[sflag:s13] =	ssyncset.done $0x0;
	s25 =	sld [smem:$0x7EF]  }
0x36b: {  	[sflag:s13] =	ssyncadd.s32 $0xFFFFC000;
	s13 =	sld [smem:$0x7F0];
	_ =	sdelay $0x1  }
0x36c: {  	s12 =	rddreg [dreg:$0x1e]  }
0x36d: {  	[hbm:s12], [sflag:s13] =	dma.local [spmem:s25], $0x800  }
0x36e: {  	v2 =	vld.msk [tilespmem:$0xE0], $0xff;
	_ =	sdelay $0x4  }
0x36f: {  	v3 =	vshll.u32 v2, $0x4  }
0x370: {  	v2 =	vand.u32 $0x7, v2;
	v3 =	vand.u32 $0xFFFFFF80, v3  }
0x371: {  	v2 =	vor.u32 v2, v3  }
0x372: {  	v2 =	vperm.xlane v2, v0;
	_ =	sdelay $0x1  }
0x373: {  	v2 =	vadd.s32 v1, v2;
	_ =	sdelay $0x4  }
0x374: {  	[tilespmem:s30], [sflag:$0x1] =	stream.indirect_vreg.gather [hbm4b:s1+s3], $0x80, v2, vm0, $0xb8;
	[tilespmem:$0x1C100] =	vst v63  }
0x375: {  	s13 =	simm.s32 $0xC900  }
0x376: {  	[tilespmem:s13], [sflag:$0x1] =	stream.indirect_vreg.gather [hbm4b:s5+s3], $0x80, v2, vm0, $0xb8;
	[tilespmem:$0x1C100] =	vst v63  }
0x377: {  	s25 =	simm.s32 $0xD100  }
0x378: {  	[tilespmem:s25], [sflag:$0x1] =	stream.indirect_vreg.gather [hbm4b:s6+s3], $0x80, v2, vm0, $0xb8;
	[tilespmem:$0x1C100] =	vst v63  }
0x379: {  	s12 =	simm.s32 $0xD900  }
0x37a: {  	[tilespmem:s12], [sflag:$0x1] =	stream.indirect_vreg.gather [hbm4b:s7+s3], $0x80, v2, vm0, $0xb8;
	[tilespmem:$0x1C100] =	vst v63  }
0x37b: {  	s13 =	simm.s32 $0xE100  }
0x37c: {  	[tilespmem:s13], [sflag:$0x1] =	stream.indirect_vreg.gather [hbm4b:s8+s3], $0x80, v2, vm0, $0xb8;
	[tilespmem:$0x1C100] =	vst v63  }
0x37d: {  	s25 =	simm.s32 $0xE900  }
0x37e: {  	[tilespmem:s25], [sflag:$0x1] =	stream.indirect_vreg.gather [hbm4b:s9+s3], $0x80, v2, vm0, $0xb8;
	[tilespmem:$0x1C100] =	vst v63  }
0x37f: {  	s12 =	simm.s32 $0xF100  }
0x380: {  	[tilespmem:s12], [sflag:$0x1] =	stream.indirect_vreg.gather [hbm4b:s10+s3], $0x80, v2, vm0, $0xb8;
	[tilespmem:$0x1C100] =	vst v63  }
0x381: {  	s13 =	simm.s32 $0xF900  }
0x382: {  	[tilespmem:s13], [sflag:$0x1] =	stream.indirect_vreg.gather [hbm4b:s11+s3], $0x80, v2, vm0, $0xb8;
	[tilespmem:$0x1C100] =	vst v63  }
0x383: {  	_ =	swait.ge [sflag:s18], $0x4000  }
0x384: {  	[sflag:s18] =	ssyncset.done $0x0  }
0x385: {  	s12 =	simm.s32 $0x14100;
	s25 =	rddreg [dreg:$0x1f];
	[sflag:s18] =	ssyncadd.s32 $0xFFFFC000  }
0x386: {  	[hbm4b:s25+s3] =	stream.linear.scatter [tilespmem:s12], [sflag:$0xB], $0x4000, $0x38;
	[tilespmem:$0x1C100] =	vst v63  }
0x387: {  	_ =	swait.ge [sflag:s19], $0x4000  }
0x388: {  	[sflag:s19] =	ssyncset.done $0x0  }
0x389: {  	[sflag:s19] =	ssyncadd.s32 $0xFFFFC000  }
0x38a: {  	v2 =	vld.msk [tilespmem:$0xE8], $0xff;
	_ =	sdelay $0x4  }
0x38b: {  	v3 =	vshll.u32 v2, $0x4  }
0x38c: {  	v2 =	vand.u32 $0x7, v2;
	v3 =	vand.u32 $0xFFFFFF80, v3  }
0x38d: {  	v2 =	vor.u32 v2, v3  }
0x38e: {  	v2 =	vperm.xlane v2, v0;
	_ =	sdelay $0x1  }
0x38f: {  	v2 =	vadd.s32 v1, v2;
	_ =	sdelay $0x4  }
0x390: {  	[tilespmem:s24], [sflag:$0x2] =	stream.indirect_vreg.gather [hbm4b:s1+s3], $0x80, v2, vm0, $0xb8;
	[tilespmem:$0x1C100] =	vst v63  }
0x391: {  	s13 =	simm.s32 $0x10900  }
0x392: {  	[tilespmem:s13], [sflag:$0x2] =	stream.indirect_vreg.gather [hbm4b:s5+s3], $0x80, v2, vm0, $0xb8;
	[tilespmem:$0x1C100] =	vst v63  }
0x393: {  	s25 =	simm.s32 $0x11100  }
0x394: {  	[tilespmem:s25], [sflag:$0x2] =	stream.indirect_vreg.gather [hbm4b:s6+s3], $0x80, v2, vm0, $0xb8;
	[tilespmem:$0x1C100] =	vst v63  }
0x395: {  	s13 =	simm.s32 $0x11900  }
0x396: {  	[tilespmem:s13], [sflag:$0x2] =	stream.indirect_vreg.gather [hbm4b:s7+s3], $0x80, v2, vm0, $0xb8;
	[tilespmem:$0x1C100] =	vst v63  }
0x397: {  	s25 =	simm.s32 $0x12100  }
0x398: {  	[tilespmem:s25], [sflag:$0x2] =	stream.indirect_vreg.gather [hbm4b:s8+s3], $0x80, v2, vm0, $0xb8;
	[tilespmem:$0x1C100] =	vst v63  }
0x399: {  	s13 =	simm.s32 $0x12900  }
0x39a: {  	[tilespmem:s13], [sflag:$0x2] =	stream.indirect_vreg.gather [hbm4b:s9+s3], $0x80, v2, vm0, $0xb8;
	[tilespmem:$0x1C100] =	vst v63  }
0x39b: {  	s25 =	simm.s32 $0x13100  }
0x39c: {  	[tilespmem:s25], [sflag:$0x2] =	stream.indirect_vreg.gather [hbm4b:s10+s3], $0x80, v2, vm0, $0xb8;
	[tilespmem:$0x1C100] =	vst v63  }
0x39d: {  	s13 =	simm.s32 $0xD  }
0x39e: {  	[tilespmem:s23], [sflag:$0x2] =	stream.indirect_vreg.gather [hbm4b:s11+s3], $0x80, v2, vm0, $0xb8;
	[tilespmem:$0x1C100] =	vst v63  }
0x39f: {  	_ =	swait.ge [sflag:s13], $0x800  }
0x3a0: {  	[sflag:s13] =	ssyncset.done $0x0  }
0x3a1: {  	[sflag:s13] =	ssyncadd.s32 $0xFFFFF800  }
0x3a2: {  	_ =	swait.ge [sflag:s20], $0x4000  }
0x3a3: {  	[sflag:s20] =	ssyncset.done $0x0  }
0x3a4: {  	s13 =	simm.s32 $0x18100;
	[sflag:s20] =	ssyncadd.s32 $0xFFFFC000  }
0x3a5: {  	[spmem:s16] =	stream.linear.scatter [tilespmem:s13], [sflag:$0x8], $0x4000, $0x38;
	[tilespmem:$0x1C100] =	vst v63  }
0x3a6: {  	_ =	swait.ge [sflag:s26], $0x4000  }
0x3a7: {  	[sflag:s26] =	ssyncset.done $0x0  }
0x3a8: {  	[sflag:s26] =	ssyncadd.s32 $0xFFFFC000  }
0x3a9: {  	v2 =	vld.msk [tilespmem:$0xF0], $0xff;
	_ =	sdelay $0x4  }
0x3aa: {  	v3 =	vshll.u32 v2, $0x4  }
0x3ab: {  	v2 =	vand.u32 $0x7, v2;
	v3 =	vand.u32 $0xFFFFFF80, v3  }
0x3ac: {  	v2 =	vor.u32 v2, v3  }
0x3ad: {  	v2 =	vperm.xlane v2, v0;
	_ =	sdelay $0x1  }
0x3ae: {  	v2 =	vadd.s32 v1, v2;
	_ =	sdelay $0x4  }
0x3af: {  	[tilespmem:s12], [sflag:$0x3] =	stream.indirect_vreg.gather [hbm4b:s1+s3], $0x80, v2, vm0, $0xb8;
	[tilespmem:$0x1C100] =	vst v63  }
0x3b0: {  	s16 =	simm.s32 $0x14900  }
0x3b1: {  	[tilespmem:s16], [sflag:$0x3] =	stream.indirect_vreg.gather [hbm4b:s5+s3], $0x80, v2, vm0, $0xb8;
	[tilespmem:$0x1C100] =	vst v63  }
0x3b2: {  	s23 =	simm.s32 $0x15100  }
0x3b3: {  	[tilespmem:s23], [sflag:$0x3] =	stream.indirect_vreg.gather [hbm4b:s6+s3], $0x80, v2, vm0, $0xb8;
	[tilespmem:$0x1C100] =	vst v63  }
0x3b4: {  	s26 =	simm.s32 $0x15900  }
0x3b5: {  	[tilespmem:s26], [sflag:$0x3] =	stream.indirect_vreg.gather [hbm4b:s7+s3], $0x80, v2, vm0, $0xb8;
	[tilespmem:$0x1C100] =	vst v63  }
0x3b6: {  	s16 =	simm.s32 $0x16100  }
0x3b7: {  	[tilespmem:s16], [sflag:$0x3] =	stream.indirect_vreg.gather [hbm4b:s8+s3], $0x80, v2, vm0, $0xb8;
	[tilespmem:$0x1C100] =	vst v63  }
0x3b8: {  	s23 =	simm.s32 $0x16900  }
0x3b9: {  	[tilespmem:s23], [sflag:$0x3] =	stream.indirect_vreg.gather [hbm4b:s9+s3], $0x80, v2, vm0, $0xb8;
	[tilespmem:$0x1C100] =	vst v63  }
0x3ba: {  	s26 =	simm.s32 $0x17100  }
0x3bb: {  	[tilespmem:s26], [sflag:$0x3] =	stream.indirect_vreg.gather [hbm4b:s10+s3], $0x80, v2, vm0, $0xb8;
	[tilespmem:$0x1C100] =	vst v63  }
0x3bc: {  	s16 =	simm.s32 $0x17900  }
0x3bd: {  	[tilespmem:s16], [sflag:$0x3] =	stream.indirect_vreg.gather [hbm4b:s11+s3], $0x80, v2, vm0, $0xb8;
	[tilespmem:$0x1C100] =	vst v63  }
0x3be: {  	_ =	swait.ge [sflag:s28], $0x4000  }
0x3bf: {  	s23 =	sld [smem:$0x7F3]  }
0x3c0: {  	[sflag:s28] =	ssyncset.done $0x0  }
0x3c1: {  	s26 =	simm.s32 $0x8;
	[sflag:s28] =	ssyncadd.s32 $0xFFFFC000  }
0x3c2: {  	[hbm4b:s23+s3] =	stream.linear.scatter [tilespmem:s30], [sflag:$0x9], $0x4000, $0x38;
	[tilespmem:$0x1C100] =	vst v63  }
0x3c3: {  	_ =	swait.ge [sflag:s26], $0x4000  }
0x3c4: {  	s30 =	sld [smem:$0x7F4]  }
0x3c5: {  	[sflag:s26] =	ssyncset.done $0x0  }
0x3c6: {  	[sflag:s26] =	ssyncadd.s32 $0xFFFFC000  }
0x3c7: {  	[hbm:s30], [sflag:s15] =	dma.local [spmem:s14], $0x800  }
0x3c8: {  	v2 =	vld.msk [tilespmem:$0xF8], $0xff;
	_ =	sdelay $0x4  }
0x3c9: {  	v3 =	vshll.u32 v2, $0x4  }
0x3ca: {  	v2 =	vand.u32 $0x7, v2;
	v3 =	vand.u32 $0xFFFFFF80, v3  }
0x3cb: {  	v2 =	vor.u32 v2, v3  }
0x3cc: {  	v2 =	vperm.xlane v2, v0;
	_ =	sdelay $0x1  }
0x3cd: {  	v2 =	vadd.s32 v1, v2;
	_ =	sdelay $0x4  }
0x3ce: {  	[tilespmem:s13], [sflag:$0x4] =	stream.indirect_vreg.gather [hbm4b:s1+s3], $0x80, v2, vm0, $0xb8;
	[tilespmem:$0x1C100] =	vst v63  }
0x3cf: {  	_ = 	snop  }
0x3d0: {  	[tilespmem:s22], [sflag:$0x4] =	stream.indirect_vreg.gather [hbm4b:s5+s3], $0x80, v2, vm0, $0xb8;
	[tilespmem:$0x1C100] =	vst v63  }
0x3d1: {  	s22 =	simm.s32 $0x19100  }
0x3d2: {  	[tilespmem:s22], [sflag:$0x4] =	stream.indirect_vreg.gather [hbm4b:s6+s3], $0x80, v2, vm0, $0xb8;
	[tilespmem:$0x1C100] =	vst v63  }
0x3d3: {  	s23 =	simm.s32 $0x19900  }
0x3d4: {  	[tilespmem:s23], [sflag:$0x4] =	stream.indirect_vreg.gather [hbm4b:s7+s3], $0x80, v2, vm0, $0xb8;
	[tilespmem:$0x1C100] =	vst v63  }
0x3d5: {  	s26 =	simm.s32 $0x1A100  }
0x3d6: {  	[tilespmem:s26], [sflag:$0x4] =	stream.indirect_vreg.gather [hbm4b:s8+s3], $0x80, v2, vm0, $0xb8;
	[tilespmem:$0x1C100] =	vst v63  }
0x3d7: {  	s30 =	simm.s32 $0x1A900  }
0x3d8: {  	[tilespmem:s30], [sflag:$0x4] =	stream.indirect_vreg.gather [hbm4b:s9+s3], $0x80, v2, vm0, $0xb8;
	[tilespmem:$0x1C100] =	vst v63  }
0x3d9: {  	s14 =	simm.s32 $0x1B100  }
0x3da: {  	[tilespmem:s14], [sflag:$0x4] =	stream.indirect_vreg.gather [hbm4b:s10+s3], $0x80, v2, vm0, $0xb8;
	[tilespmem:$0x1C100] =	vst v63  }
0x3db: {  	s15 =	simm.s32 $0x1B900  }
0x3dc: {  	[tilespmem:s15], [sflag:$0x4] =	stream.indirect_vreg.gather [hbm4b:s11+s3], $0x80, v2, vm0, $0xb8;
	[tilespmem:$0x1C100] =	vst v63  }
0x3dd: {  	_ =	swait.ge [sflag:s4], $0x4000  }
0x3de: {  	s16 =	sld [smem:$0x7F5]  }
0x3df: {  	[sflag:s4] =	ssyncset.done $0x0  }
0x3e0: {  	[sflag:s4] =	ssyncadd.s32 $0xFFFFC000  }
0x3e1: {  	[hbm4b:s16+s3] =	stream.linear.scatter [tilespmem:s24], [sflag:$0xA], $0x4000, $0x38;
	[tilespmem:$0x1C100] =	vst v63  }
0x3e2: {  	_ =	swait.ge [sflag:s29], $0x4000  }
0x3e3: {  	[sflag:s29] =	ssyncset.done $0x0  }
0x3e4: {  	[sflag:s29] =	ssyncadd.s32 $0xFFFFC000  }
0x3e5: {  	_ =	swait.ge [sflag:s31], $0x800  }
0x3e6: {  	[sflag:s31] =	ssyncset.done $0x0  }
0x3e7: {  	[sflag:s31] =	ssyncadd.s32 $0xFFFFF800  }
0x3e8: {  	_ =	swait.ge [sflag:s18], $0x4000  }
0x3e9: {  	s22 =	sld [smem:$0x7F9]  }
0x3ea: {  	[sflag:s18] =	ssyncset.done $0x0  }
0x3eb: {  	s12 =	simm.s32 $0x14100;
	[sflag:s18] =	ssyncadd.s32 $0xFFFFC000  }
0x3ec: {  	[spmem:s22] =	stream.linear.scatter [tilespmem:s12], [sflag:$0x7], $0x4000, $0x38;
	[tilespmem:$0x1C100] =	vst v63  }
0x3ed: {  	_ =	swait.ge [sflag:s19], $0x4000  }
0x3ee: {  	[sflag:s19] =	ssyncset.done $0x0  }
0x3ef: {  	[sflag:s19] =	ssyncadd.s32 $0xFFFFC000  }
0x3f0: {  	_ =	swait.ge [sflag:s20], $0x4000  }
0x3f1: {  	s23 =	sld [smem:$0x7F6]  }
0x3f2: {  	[sflag:s20] =	ssyncset.done $0x0  }
0x3f3: {  	s13 =	simm.s32 $0x18100;
	s24 =	simm.s32 $0x7;
	[sflag:s20] =	ssyncadd.s32 $0xFFFFC000  }
0x3f4: {  	[hbm4b:s23+s3] =	stream.linear.scatter [tilespmem:s13], [sflag:$0xC], $0x4000, $0x38;
	[tilespmem:$0x1C100] =	vst v63  }
0x3f5: {  	_ =	swait.ge [sflag:s24], $0x4000  }
0x3f6: {  	s26 =	sld [smem:$0x7F8]  }
0x3f7: {  	s29 =	sld [smem:$0x7F1]  }
0x3f8: {  	s30 =	sld [smem:$0x7F2]  }
0x3f9: {  	[sflag:s24] =	ssyncset.done $0x0  }
0x3fa: {  	[sflag:s24] =	ssyncadd.s32 $0xFFFFC000  }
0x3fb: {  	[hbm:s26], [sflag:s29] =	dma.local [spmem:s30], $0x800  }
0x3fc: {  	_ =	swait.ge [sflag:s17], $0x4000  }
0x3fd: {  	[sflag:s17] =	ssyncset.done $0x0  }
0x3fe: {  	[sflag:s17] =	ssyncadd.s32 $0xFFFFC000  }
0x3ff: {  	_ =	swait.ge [sflag:s21], $0x800  }
0x400: {  	[sflag:s21] =	ssyncset.done $0x0  }
0x401: {  	s25 =	simm.s32 $0xD;
	[sflag:s21] =	ssyncadd.s32 $0xFFFFF800  }
0x402: {  	p0 =	sne.s32 s2, $0x1;
	_ =	swait.ge [sflag:s25], $0x800  }
.Ltmp0:
0x403: {  	[sflag:s25] =	ssyncset.done $0x0;
	(pc) =	sbr.rel @p0 .LBB2_1-.Ltmp0, $4  }
0x404: {  	[sflag:s25] =	ssyncadd.s32 $0xFFFFF800  }
0x405: {  	_ =	swait.ge [sflag:s31], $0x800  }
0x406: {  	[sflag:s31] =	ssyncset.done $0x0  }
0x407: {  	s2 =	sadd.s32 $0xFFFFFFFF, s2;
	[sflag:s31] =	ssyncadd.s32 $0xFFFFF800  }
0x408: {  	_ =	sfence.sel $0x180000  }
0x409: {  	[bflag:$0x0] =	sbarrier.arrive $0xFFFF  }
0x40a: {  	_ =	strace $0x90000047  }
0x40b: {  	s0 =	stileid.u32;
	[bflag:$0x2] =	sbarrier.arrive $0xFFFF  }
0x40c: {  	p0 =	sne.s32 s0, $0x0;
	s0 =	rddreg [dreg:$0x4]  }
0x40d: {  	s0 =	sadd.s32 @!p0 $0x100000, s0  }
0x40e: {  	[sflag:s0] =	ssyncadd.tile.s32 @!p0 $0x1;
	_ =	shalt  }
.Lfunc_end2:
_tile_overlayer_lowered:
.L_overlay_start_2:
0x40f: {  	(tag) =	ssettag $0x2  }
0x410: {  	s0 =	rddreg [dreg:$0x0];
	s2 =	stileid.u32  }
0x411: {  	s1 =	rddreg [dreg:$0x1];
	p0 =	sne.s32 s2, $0x0  }
0x412: {  	s3 =	rddreg [dreg:$0x2];
	[bflag:$0x3] =	sbarrier.arrive $0xFFFF;
	s2 =	simm.s32 @!p0 $0x1C10  }
0x413: {  	[timem:s3], [sflag:s2] =	dma.local @!p0 [hbm:s0], s1  }
0x414: {  	s0 =	simm.s32 @!p0 $0x10  }
0x415: {  	_ =	swait.ge @!p0 [sflag:s0], s1  }
0x416: {  	s1 =	ssub.s32 @!p0 $0x0, s1;
	[sflag:s0] =	ssyncset.done @!p0 $0x0  }
0x417: {  	[sflag:s0] =	ssyncadd.s32 @!p0 s1  }
0x418: {  	[bflag:$0x3] =	sbarrier.arrive $0xFFFF  }
0x419: {  	_ =	shalt  }

</sc_bundles>
